<compile_context>
chip_gen: v7x
topology: tpu7x:2x2x1
jax: 0.10.2.dev20260603
libtpu: 0.0.44.dev20260713+nightly
codegen_flags: <defaults>
</compile_context>

<pallas_src>
import functools

import jax
import jax.numpy as jnp
from jax import lax
from jax.experimental import pallas as pl
from jax.experimental.pallas import tpu as pltpu
from jax.experimental.pallas import tpu_sc as plsc

B, N, D = 64, 8192, 64
H = D // 2
K = 8
SLABS = 4
GRID = B // SLABS
BK = B * K

_NEG_INF = float("-inf")


def _erf(x):
    x = jnp.clip(x, -4.0, 4.0)
    x2 = x * x
    a13, a11, a9 = -2.72614225801306e-10, 2.77068142495902e-08, -2.10102402082508e-06
    a7, a5, a3, a1 = (-5.69250639462346e-05, -7.34990630326855e-04,
                      -2.95459980854025e-03, -1.60960333262415e-02)
    b8, b6, b4, b2, b0 = (-1.45660718464996e-05, -2.13374055278905e-04,
                          -1.68282697438203e-03, -7.37332916720468e-03,
                          -1.42647390514189e-02)
    p = ((((((a13 * x2 + a11) * x2 + a9) * x2 + a7) * x2 + a5) * x2 + a3) * x2 + a1)
    p = x * p
    q = (((b8 * x2 + b6) * x2 + b4) * x2 + b2) * x2 + b0
    return p / q


def _gelu_exact(x):
    return x * (_erf(x / 1.4142135623730951) + 1) / 2


def _fused_body(x_ref, w1t_ref, b1t_ref, w2t_ref, b2_ref, bl_ref,
                imp_ref, mask_ref, idx_ref, flat_ref, lg_ref):
    i = pl.program_id(0)
    for sl in range(SLABS):
        x = x_ref[sl]
        h = jnp.dot(w1t_ref[...], x.astype(jnp.bfloat16),
                    preferred_element_type=jnp.float32)
        g = _gelu_exact(h + b1t_ref[...])
        y = jnp.dot(w2t_ref[...], g.astype(jnp.bfloat16),
                    preferred_element_type=jnp.float32)
        lg_ref[pl.ds(i * SLABS + sl, 1), :] = y[0:1, :] + b2_ref[...]

    @pl.when(i == GRID - 1)
    def _selector():
        x = lg_ref[...] + bl_ref[...]
        rowmax = jnp.max(x, axis=1, keepdims=True)
        e = jnp.exp(x - rowmax)
        s = jnp.sum(e, axis=1, keepdims=True)
        imp_ref[...] = e / s

        iota_n = lax.broadcasted_iota(jnp.int32, (B, N), 1)
        work = x
        cols = []
        for _ in range(K):
            idx = jnp.argmax(work, axis=1).reshape(B, 1).astype(jnp.int32)
            cols.append(idx)
            work = jnp.where(iota_n == idx, _NEG_INF, work)
        mask_ref[...] = jnp.where(work == _NEG_INF, 1.0, 0.0)
        idx = jnp.concatenate(cols, axis=1).astype(jnp.int32)
        idx_ref[...] = idx
        flat_ref[...] = idx + lax.broadcasted_iota(jnp.int32, (B, K), 0) * N


_NC, _NS = 2, 16
_NW = _NC * _NS
BPW = BK // _NW


@functools.cache
def _make_sc_gather():
    @functools.partial(
        pl.kernel,
        mesh=plsc.VectorSubcoreMesh(core_axis_name="c", subcore_axis_name="s"),
        out_type=jax.ShapeDtypeStruct((BK, D), jnp.float32),
        scratch_types=[
            pltpu.VMEM((BPW,), jnp.int32),
            pltpu.VMEM((2, D, 128), jnp.float32),
            pltpu.VMEM((BPW, D), jnp.float32),
            pltpu.SemaphoreType.DMA,
            pltpu.SemaphoreType.DMA,
        ],
        compiler_params=pltpu.CompilerParams(needs_layout_passes=False),
    )
    def _sc_gather(ct_hbm, idx_hbm, out_hbm, idx_v, win_v, out_v, sem0, sem1):
        wid = lax.axis_index("s") * _NC + lax.axis_index("c")
        base = wid * BPW
        pltpu.sync_copy(idx_hbm.at[pl.ds(base, BPW)], idx_v)
        fv = idx_v[...]
        sems = (sem0, sem1)
        lanes = lax.broadcasted_iota(jnp.int32, (16,), 0)

        def win_copy(i):
            f = fv[i]
            b = f >> 13
            n0 = ((f >> 7) & (N // 128 - 1)) * 128
            return pltpu.make_async_copy(
                ct_hbm.at[b, :, pl.ds(n0, 128)], win_v.at[i % 2], sems[i % 2])

        win_copy(0).start()
        for i in range(BPW):
            if i + 1 < BPW:
                win_copy(i + 1).start()
            win_copy(i).wait()
            c = fv[i] & 127
            cvec = jnp.full((16,), c, jnp.int32)
            slot = jnp.full((16,), i % 2, jnp.int32)
            for m in range(D // 16):
                vals = plsc.load_gather(win_v, [slot, lanes + 16 * m, cvec])
                out_v[i, pl.ds(16 * m, 16)] = vals
        pltpu.sync_copy(out_v, out_hbm.at[pl.ds(base, BPW)])

    return _sc_gather


@jax.jit
def kernel(coefficients, W1, b1, W2, b2, base_logits):
    ct = jnp.transpose(coefficients, (0, 2, 1))

    w1t = W1.T.astype(jnp.bfloat16)
    b1t = b1.reshape(H, 1)
    w2t = jnp.zeros((8, H), jnp.float32).at[0].set(W2[:, 0]).astype(jnp.bfloat16)

    importance, mask, indices, flat_idx = pl.pallas_call(
        _fused_body,
        grid=(GRID,),
        in_specs=[
            pl.BlockSpec((SLABS, D, N), lambda i: (i, 0, 0)),
            pl.BlockSpec((H, D), lambda i: (0, 0)),
            pl.BlockSpec((H, 1), lambda i: (0, 0)),
            pl.BlockSpec((8, H), lambda i: (0, 0)),
            pl.BlockSpec((1, 1), lambda i: (0, 0)),
            pl.BlockSpec((1, N), lambda i: (0, 0)),
        ],
        out_specs=[
            pl.BlockSpec((B, N), lambda i: (0, 0)),
            pl.BlockSpec((B, N), lambda i: (0, 0)),
            pl.BlockSpec((B, K), lambda i: (0, 0)),
            pl.BlockSpec((B, K), lambda i: (0, 0)),
        ],
        out_shape=[
            jax.ShapeDtypeStruct((B, N), jnp.float32),
            jax.ShapeDtypeStruct((B, N), jnp.float32),
            jax.ShapeDtypeStruct((B, K), jnp.int32),
            jax.ShapeDtypeStruct((B, K), jnp.int32),
        ],
        scratch_shapes=[pltpu.VMEM((B, N), jnp.float32)],
    )(ct, w1t, b1t, w2t, b2.reshape(1, 1), base_logits.reshape(1, N))

    selected = _make_sc_gather()(ct, flat_idx.reshape(BK)).reshape(B, K, D)
    return selected, mask, importance, indices

# --- scband reference (transcript-rebuilt; emitter-appended) ---
"""Pipeline reference for scband-sparse-frequency-selector-197568495623 (READ-ONLY COPY).

The authoritative reference and input builder live on the scoring server;
editing this copy changes nothing except your own understanding.
"""

import jax, jax.numpy as jnp
import numpy as np

B, N, D = 64, 8192, 64
H = D // 2
K = 8

def setup_inputs(seed: int = 0) -> dict:
    key = jax.random.key(seed)
    ks = jax.random.split(key, 6)
    coefficients = jax.random.normal(ks[0], (B, N, D), dtype=jnp.float32)
    W1 = jax.random.normal(ks[1], (D, H), dtype=jnp.float32) / np.sqrt(D)
    b1 = jnp.zeros((H,), dtype=jnp.float32)
    W2 = jax.random.normal(ks[2], (H, 1), dtype=jnp.float32) / np.sqrt(H)
    b2 = jnp.zeros((1,), dtype=jnp.float32)
    base_logits = jnp.zeros((N,), dtype=jnp.float32)
    return {"coefficients": coefficients, "W1": W1, "b1": b1, "W2": W2, "b2": b2, "base_logits": base_logits}

def reference(coefficients, W1, b1, W2, b2, base_logits):
    # scorer: Linear(D, D//2) -> GELU -> Linear(D//2, 1), squeeze last dim
    h = jax.nn.gelu(coefficients @ W1 + b1, approximate=False)
    logits = (h @ W2 + b2)[..., 0]  # (B, N)
    logits = logits + base_logits[None, :]
    # inference path (module.eval()): no Gumbel noise
    probs = jax.nn.softmax(logits, axis=-1)
    _, indices = jax.lax.top_k(probs, K)  # (B, K)
    mask = jnp.zeros_like(probs).at[jnp.arange(B)[:, None], indices].set(1.0)  # (B, N)
    selected = jnp.take_along_axis(coefficients, indices[:, :, None], axis=1)  # (B, K, D)
    importance = jax.nn.softmax(logits, axis=-1)
    return (selected, mask, importance, indices)

if __name__ == "__main__":
    import jax
    _d = setup_inputs()
    print(jax.jit(kernel)(*tuple(_d.values())))

</pallas_src>

<mosaic_0001>
#map = affine_map<(d0, d1) -> (0, 0, 0)>
#map1 = affine_map<(d0, d1) -> (0)>
#map2 = affine_map<(d0, d1) -> (0, 0)>
module attributes {stable_mosaic.version = 14 : i64} {
  func.func @_sc_gather(%arg0: i32, %arg1: i32, %arg2: memref<64x64x8192xf32, #tpu.memory_space<hbm>>, %arg3: memref<512xi32, #tpu.memory_space<hbm>>, %arg4: memref<512x64xf32, #tpu.memory_space<hbm>>, %arg5: memref<16xi32, #tpu.memory_space<vmem>>, %arg6: memref<2x64x128xf32, #tpu.memory_space<vmem>>, %arg7: memref<16x64xf32, #tpu.memory_space<vmem>>, %arg8: memref<!tpu.dma_semaphore, #tpu.memory_space<semaphore_mem>>, %arg9: memref<!tpu.dma_semaphore, #tpu.memory_space<semaphore_mem>>) attributes {dimension_semantics = [#tpu.dimension_semantics<core_parallel>, #tpu.dimension_semantics<subcore_parallel>], iteration_bounds = array<i64: 2, 16>, scalar_prefetch = 0 : i64, scratch_operands = 5 : i64, tpu.core_type = #tpu.core_type<sc_vector_subcore>, window_params = [{transform_indices = #map}, {transform_indices = #map1}, {transform_indices = #map2}]} {
    %mul3A = arith.constant 2 : i32
    %mul3A_0 = arith.muli %arg1, %mul3A : i32
    %add3A = arith.addi %mul3A_0, %arg0 : i32
    %mul3A_1 = arith.constant 16 : i32
    %mul3A_2 = arith.muli %add3A, %mul3A_1 : i32
    "tpu.region"() ({
      %run_scoped3A = tpu.sem_alloc : memref<!tpu.dma_semaphore, #tpu.memory_space<semaphore_mem>>
      %dma_start3A_1419 = tpu.memref_slice %arg3[%mul3A_2] : memref<512xi32, #tpu.memory_space<hbm>> -> memref<16xi32, #tpu.memory_space<hbm>>
      %dma_start3A_1420 = tpu.memref_slice %arg3[%mul3A_2] : memref<512xi32, #tpu.memory_space<hbm>> -> memref<16xi32, #tpu.memory_space<hbm>>
      tpu.enqueue_dma source(%dma_start3A_1420 : memref<16xi32, #tpu.memory_space<hbm>>) target(%arg5 : memref<16xi32, #tpu.memory_space<vmem>>) target_semaphore(%run_scoped3A : memref<!tpu.dma_semaphore, #tpu.memory_space<semaphore_mem>>)
      %dma_wait3A_1421 = tpu.memref_slice %arg3[%mul3A_2] : memref<512xi32, #tpu.memory_space<hbm>> -> memref<16xi32, #tpu.memory_space<hbm>>
      %dma_wait3A_1422 = tpu.memref_slice %arg3[%mul3A_2] : memref<512xi32, #tpu.memory_space<hbm>> -> memref<16xi32, #tpu.memory_space<hbm>>
      tpu.wait_dma2 semaphore(%run_scoped3A : memref<!tpu.dma_semaphore, #tpu.memory_space<semaphore_mem>>) src(%dma_wait3A_1422 : memref<16xi32, #tpu.memory_space<hbm>>) dst(%arg5 : memref<16xi32, #tpu.memory_space<vmem>>)
      tpu.yield
    }) : () -> ()
    %get3A = arith.constant 0 : index
    %get3A_3 = tpu.vector_load %arg5[%get3A] {strides = array<i32>} : memref<16xi32, #tpu.memory_space<vmem>>, vector<16xi32>,
    %iota3A = tpu.iota {dimensions = array<i32: 0>} : vector<16xi32>
    %slice3A = vector.extract_strided_slice %get3A_3 {offsets = [0], sizes = [1], strides = [1]} : vector<16xi32> to vector<1xi32>
    %squeeze3A = vector.extract %slice3A[0] : i32 from vector<1xi32>
    %shift_right_arithmetic3A = arith.constant 13 : i32
    %shift_right_arithmetic3A_4 = arith.shrsi %squeeze3A, %shift_right_arithmetic3A : i32
    %shift_right_arithmetic3A_5 = arith.constant 7 : i32
    %shift_right_arithmetic3A_6 = arith.shrsi %squeeze3A, %shift_right_arithmetic3A_5 : i32
    %and3A = arith.constant 63 : i32
    %and3A_7 = arith.andi %shift_right_arithmetic3A_6, %and3A : i32
    %mul3A_8 = arith.constant 128 : i32
    %mul3A_9 = arith.muli %and3A_7, %mul3A_8 : i32
    %dma_start3A = arith.constant 0 : i32
    %dma_start3A_10 = arith.constant 0 : i32
    %dma_start3A_11 = arith.constant 0 : i32
    %dma_start3A_12 = tpu.memref_slice %arg6[%dma_start3A, %dma_start3A_10, %dma_start3A_11] : memref<2x64x128xf32, #tpu.memory_space<vmem>> -> memref<1x64x128xf32, #tpu.memory_space<vmem>>
    %dma_start3A_13 = tpu.memref_squeeze %dma_start3A_12 : memref<1x64x128xf32, #tpu.memory_space<vmem>> -> memref<64x128xf32, #tpu.memory_space<vmem>>
    %dma_start3A_14 = arith.constant 0 : i32
    %dma_start3A_15 = tpu.memref_slice %arg2[%shift_right_arithmetic3A_4, %dma_start3A_14, %mul3A_9] : memref<64x64x8192xf32, #tpu.memory_space<hbm>> -> memref<1x64x128xf32, #tpu.memory_space<hbm>>
    %dma_start3A_16 = tpu.memref_squeeze %dma_start3A_15 : memref<1x64x128xf32, #tpu.memory_space<hbm>> -> memref<64x128xf32, #tpu.memory_space<hbm>>
    %dma_start3A_17 = arith.constant 0 : i32
    %dma_start3A_18 = arith.constant 0 : i32
    %dma_start3A_19 = tpu.memref_slice %arg6[%dma_start3A, %dma_start3A_17, %dma_start3A_18] : memref<2x64x128xf32, #tpu.memory_space<vmem>> -> memref<1x64x128xf32, #tpu.memory_space<vmem>>
    %dma_start3A_20 = tpu.memref_squeeze %dma_start3A_19 : memref<1x64x128xf32, #tpu.memory_space<vmem>> -> memref<64x128xf32, #tpu.memory_space<vmem>>
    %dma_start3A_21 = arith.constant 0 : i32
    %dma_start3A_22 = tpu.memref_slice %arg2[%shift_right_arithmetic3A_4, %dma_start3A_21, %mul3A_9] : memref<64x64x8192xf32, #tpu.memory_space<hbm>> -> memref<1x64x128xf32, #tpu.memory_space<hbm>>
    %dma_start3A_23 = tpu.memref_squeeze %dma_start3A_22 : memref<1x64x128xf32, #tpu.memory_space<hbm>> -> memref<64x128xf32, #tpu.memory_space<hbm>>
    tpu.enqueue_dma source(%dma_start3A_23 : memref<64x128xf32, #tpu.memory_space<hbm>>) target(%dma_start3A_20 : memref<64x128xf32, #tpu.memory_space<vmem>>) target_semaphore(%arg8 : memref<!tpu.dma_semaphore, #tpu.memory_space<semaphore_mem>>)
    %slice3A_24 = vector.extract_strided_slice %get3A_3 {offsets = [1], sizes = [1], strides = [1]} : vector<16xi32> to vector<1xi32>
    %squeeze3A_25 = vector.extract %slice3A_24[0] : i32 from vector<1xi32>
    %shift_right_arithmetic3A_26 = arith.constant 13 : i32
    %shift_right_arithmetic3A_27 = arith.shrsi %squeeze3A_25, %shift_right_arithmetic3A_26 : i32
    %shift_right_arithmetic3A_28 = arith.constant 7 : i32
    %shift_right_arithmetic3A_29 = arith.shrsi %squeeze3A_25, %shift_right_arithmetic3A_28 : i32
    %and3A_30 = arith.constant 63 : i32
    %and3A_31 = arith.andi %shift_right_arithmetic3A_29, %and3A_30 : i32
    %mul3A_32 = arith.constant 128 : i32
    %mul3A_33 = arith.muli %and3A_31, %mul3A_32 : i32
    %dma_start3A_34 = arith.constant 1 : i32
    %dma_start3A_35 = arith.constant 0 : i32
    %dma_start3A_36 = arith.constant 0 : i32
    %dma_start3A_37 = tpu.memref_slice %arg6[%dma_start3A_34, %dma_start3A_35, %dma_start3A_36] : memref<2x64x128xf32, #tpu.memory_space<vmem>> -> memref<1x64x128xf32, #tpu.memory_space<vmem>>
    %dma_start3A_38 = tpu.memref_squeeze %dma_start3A_37 : memref<1x64x128xf32, #tpu.memory_space<vmem>> -> memref<64x128xf32, #tpu.memory_space<vmem>>
    %dma_start3A_39 = arith.constant 0 : i32
    %dma_start3A_40 = tpu.memref_slice %arg2[%shift_right_arithmetic3A_27, %dma_start3A_39, %mul3A_33] : memref<64x64x8192xf32, #tpu.memory_space<hbm>> -> memref<1x64x128xf32, #tpu.memory_space<hbm>>
    %dma_start3A_41 = tpu.memref_squeeze %dma_start3A_40 : memref<1x64x128xf32, #tpu.memory_space<hbm>> -> memref<64x128xf32, #tpu.memory_space<hbm>>
    %dma_start3A_42 = arith.constant 0 : i32
    %dma_start3A_43 = arith.constant 0 : i32
    %dma_start3A_44 = tpu.memref_slice %arg6[%dma_start3A_34, %dma_start3A_42, %dma_start3A_43] : memref<2x64x128xf32, #tpu.memory_space<vmem>> -> memref<1x64x128xf32, #tpu.memory_space<vmem>>
    %dma_start3A_45 = tpu.memref_squeeze %dma_start3A_44 : memref<1x64x128xf32, #tpu.memory_space<vmem>> -> memref<64x128xf32, #tpu.memory_space<vmem>>
    %dma_start3A_46 = arith.constant 0 : i32
    %dma_start3A_47 = tpu.memref_slice %arg2[%shift_right_arithmetic3A_27, %dma_start3A_46, %mul3A_33] : memref<64x64x8192xf32, #tpu.memory_space<hbm>> -> memref<1x64x128xf32, #tpu.memory_space<hbm>>
    %dma_start3A_48 = tpu.memref_squeeze %dma_start3A_47 : memref<1x64x128xf32, #tpu.memory_space<hbm>> -> memref<64x128xf32, #tpu.memory_space<hbm>>
    tpu.enqueue_dma source(%dma_start3A_48 : memref<64x128xf32, #tpu.memory_space<hbm>>) target(%dma_start3A_45 : memref<64x128xf32, #tpu.memory_space<vmem>>) target_semaphore(%arg9 : memref<!tpu.dma_semaphore, #tpu.memory_space<semaphore_mem>>)
    %slice3A_49 = vector.extract_strided_slice %get3A_3 {offsets = [0], sizes = [1], strides = [1]} : vector<16xi32> to vector<1xi32>
    %squeeze3A_50 = vector.extract %slice3A_49[0] : i32 from vector<1xi32>
    %shift_right_arithmetic3A_51 = arith.constant 13 : i32
    %shift_right_arithmetic3A_52 = arith.shrsi %squeeze3A_50, %shift_right_arithmetic3A_51 : i32
    %shift_right_arithmetic3A_53 = arith.constant 7 : i32
    %shift_right_arithmetic3A_54 = arith.shrsi %squeeze3A_50, %shift_right_arithmetic3A_53 : i32
    %and3A_55 = arith.constant 63 : i32
    %and3A_56 = arith.andi %shift_right_arithmetic3A_54, %and3A_55 : i32
    %mul3A_57 = arith.constant 128 : i32
    %mul3A_58 = arith.muli %and3A_56, %mul3A_57 : i32
    %dma_wait3A = arith.constant 0 : i32
    %dma_wait3A_59 = arith.constant 0 : i32
    %dma_wait3A_60 = arith.constant 0 : i32
    %dma_wait3A_61 = tpu.memref_slice %arg6[%dma_wait3A, %dma_wait3A_59, %dma_wait3A_60] : memref<2x64x128xf32, #tpu.memory_space<vmem>> -> memref<1x64x128xf32, #tpu.memory_space<vmem>>
    %dma_wait3A_62 = tpu.memref_squeeze %dma_wait3A_61 : memref<1x64x128xf32, #tpu.memory_space<vmem>> -> memref<64x128xf32, #tpu.memory_space<vmem>>
    %dma_wait3A_63 = arith.constant 0 : i32
    %dma_wait3A_64 = tpu.memref_slice %arg2[%shift_right_arithmetic3A_52, %dma_wait3A_63, %mul3A_58] : memref<64x64x8192xf32, #tpu.memory_space<hbm>> -> memref<1x64x128xf32, #tpu.memory_space<hbm>>
    %dma_wait3A_65 = tpu.memref_squeeze %dma_wait3A_64 : memref<1x64x128xf32, #tpu.memory_space<hbm>> -> memref<64x128xf32, #tpu.memory_space<hbm>>
    %dma_wait3A_66 = arith.constant 0 : i32
    %dma_wait3A_67 = arith.constant 0 : i32
    %dma_wait3A_68 = tpu.memref_slice %arg6[%dma_wait3A, %dma_wait3A_66, %dma_wait3A_67] : memref<2x64x128xf32, #tpu.memory_space<vmem>> -> memref<1x64x128xf32, #tpu.memory_space<vmem>>
    %dma_wait3A_69 = tpu.memref_squeeze %dma_wait3A_68 : memref<1x64x128xf32, #tpu.memory_space<vmem>> -> memref<64x128xf32, #tpu.memory_space<vmem>>
    %dma_wait3A_70 = arith.constant 0 : i32
    %dma_wait3A_71 = tpu.memref_slice %arg2[%shift_right_arithmetic3A_52, %dma_wait3A_70, %mul3A_58] : memref<64x64x8192xf32, #tpu.memory_space<hbm>> -> memref<1x64x128xf32, #tpu.memory_space<hbm>>
    %dma_wait3A_72 = tpu.memref_squeeze %dma_wait3A_71 : memref<1x64x128xf32, #tpu.memory_space<hbm>> -> memref<64x128xf32, #tpu.memory_space<hbm>>
    tpu.wait_dma2 semaphore(%arg8 : memref<!tpu.dma_semaphore, #tpu.memory_space<semaphore_mem>>) src(%dma_wait3A_72 : memref<64x128xf32, #tpu.memory_space<hbm>>) dst(%dma_wait3A_69 : memref<64x128xf32, #tpu.memory_space<vmem>>)
    %slice3A_73 = vector.extract_strided_slice %get3A_3 {offsets = [0], sizes = [1], strides = [1]} : vector<16xi32> to vector<1xi32>
    %squeeze3A_74 = vector.extract %slice3A_73[0] : i32 from vector<1xi32>
    %and3A_75 = arith.constant 127 : i32
    %and3A_76 = arith.andi %squeeze3A_74, %and3A_75 : i32
    %broadcast_in_dim3A = vector.broadcast %and3A_76 : i32 to vector<16xi32>
    %broadcast_in_dim3A_77 = arith.constant 0 : i32
    %broadcast_in_dim3A_78 = vector.broadcast %broadcast_in_dim3A_77 : i32 to vector<16xi32>
    %add3A_79 = arith.constant 0 : i32
    %add3A_80 = vector.broadcast %add3A_79 : i32 to vector<16xi32>
    %add3A_81 = arith.addi %iota3A, %add3A_80 : vector<16xi32>
    %gather3A = tpu.vector_load_idx %arg6[%broadcast_in_dim3A_78, %add3A_81, %broadcast_in_dim3A] : memref<2x64x128xf32, #tpu.memory_space<vmem>>[vector<16xi32>, vector<16xi32>, vector<16xi32>], vector<16xf32>,
    %swap3A = arith.constant 0 : i32
    %swap3A_82 = arith.index_cast %swap3A : i32 to index
    %swap3A_83 = arith.constant 0 : index
    %swap3A_84 = tpu.vector_load %arg7[%swap3A_82, %swap3A_83] {strides = array<i32>} : memref<16x64xf32, #tpu.memory_space<vmem>>, vector<16xf32>,
    tpu.vector_store %arg7[%swap3A_82, %swap3A_83], %gather3A {strides = array<i32>} : memref<16x64xf32, #tpu.memory_space<vmem>>, vector<16xf32>,
    %add3A_85 = arith.constant 16 : i32
    %add3A_86 = vector.broadcast %add3A_85 : i32 to vector<16xi32>
    %add3A_87 = arith.addi %iota3A, %add3A_86 : vector<16xi32>
    %gather3A_88 = tpu.vector_load_idx %arg6[%broadcast_in_dim3A_78, %add3A_87, %broadcast_in_dim3A] : memref<2x64x128xf32, #tpu.memory_space<vmem>>[vector<16xi32>, vector<16xi32>, vector<16xi32>], vector<16xf32>,
    %swap3A_89 = arith.constant 0 : i32
    %swap3A_90 = arith.index_cast %swap3A_89 : i32 to index
    %swap3A_91 = arith.constant 16 : index
    %swap3A_92 = tpu.vector_load %arg7[%swap3A_90, %swap3A_91] {strides = array<i32>} : memref<16x64xf32, #tpu.memory_space<vmem>>, vector<16xf32>,
    tpu.vector_store %arg7[%swap3A_90, %swap3A_91], %gather3A_88 {strides = array<i32>} : memref<16x64xf32, #tpu.memory_space<vmem>>, vector<16xf32>,
    %add3A_93 = arith.constant 32 : i32
    %add3A_94 = vector.broadcast %add3A_93 : i32 to vector<16xi32>
    %add3A_95 = arith.addi %iota3A, %add3A_94 : vector<16xi32>
    %gather3A_96 = tpu.vector_load_idx %arg6[%broadcast_in_dim3A_78, %add3A_95, %broadcast_in_dim3A] : memref<2x64x128xf32, #tpu.memory_space<vmem>>[vector<16xi32>, vector<16xi32>, vector<16xi32>], vector<16xf32>,
    %swap3A_97 = arith.constant 0 : i32
    %swap3A_98 = arith.index_cast %swap3A_97 : i32 to index
    %swap3A_99 = arith.constant 32 : index
    %swap3A_100 = tpu.vector_load %arg7[%swap3A_98, %swap3A_99] {strides = array<i32>} : memref<16x64xf32, #tpu.memory_space<vmem>>, vector<16xf32>,
    tpu.vector_store %arg7[%swap3A_98, %swap3A_99], %gather3A_96 {strides = array<i32>} : memref<16x64xf32, #tpu.memory_space<vmem>>, vector<16xf32>,
    %add3A_101 = arith.constant 48 : i32
    %add3A_102 = vector.broadcast %add3A_101 : i32 to vector<16xi32>
    %add3A_103 = arith.addi %iota3A, %add3A_102 : vector<16xi32>
    %gather3A_104 = tpu.vector_load_idx %arg6[%broadcast_in_dim3A_78, %add3A_103, %broadcast_in_dim3A] : memref<2x64x128xf32, #tpu.memory_space<vmem>>[vector<16xi32>, vector<16xi32>, vector<16xi32>], vector<16xf32>,
    %swap3A_105 = arith.constant 0 : i32
    %swap3A_106 = arith.index_cast %swap3A_105 : i32 to index
    %swap3A_107 = arith.constant 48 : index
    %swap3A_108 = tpu.vector_load %arg7[%swap3A_106, %swap3A_107] {strides = array<i32>} : memref<16x64xf32, #tpu.memory_space<vmem>>, vector<16xf32>,
    tpu.vector_store %arg7[%swap3A_106, %swap3A_107], %gather3A_104 {strides = array<i32>} : memref<16x64xf32, #tpu.memory_space<vmem>>, vector<16xf32>,
    %slice3A_109 = vector.extract_strided_slice %get3A_3 {offsets = [2], sizes = [1], strides = [1]} : vector<16xi32> to vector<1xi32>
    %squeeze3A_110 = vector.extract %slice3A_109[0] : i32 from vector<1xi32>
    %shift_right_arithmetic3A_111 = arith.constant 13 : i32
    %shift_right_arithmetic3A_112 = arith.shrsi %squeeze3A_110, %shift_right_arithmetic3A_111 : i32
    %shift_right_arithmetic3A_113 = arith.constant 7 : i32
    %shift_right_arithmetic3A_114 = arith.shrsi %squeeze3A_110, %shift_right_arithmetic3A_113 : i32
    %and3A_115 = arith.constant 63 : i32
    %and3A_116 = arith.andi %shift_right_arithmetic3A_114, %and3A_115 : i32
    %mul3A_117 = arith.constant 128 : i32
    %mul3A_118 = arith.muli %and3A_116, %mul3A_117 : i32
    %dma_start3A_119 = arith.constant 0 : i32
    %dma_start3A_120 = arith.constant 0 : i32
    %dma_start3A_121 = arith.constant 0 : i32
    %dma_start3A_122 = tpu.memref_slice %arg6[%dma_start3A_119, %dma_start3A_120, %dma_start3A_121] : memref<2x64x128xf32, #tpu.memory_space<vmem>> -> memref<1x64x128xf32, #tpu.memory_space<vmem>>
    %dma_start3A_123 = tpu.memref_squeeze %dma_start3A_122 : memref<1x64x128xf32, #tpu.memory_space<vmem>> -> memref<64x128xf32, #tpu.memory_space<vmem>>
    %dma_start3A_124 = arith.constant 0 : i32
    %dma_start3A_125 = tpu.memref_slice %arg2[%shift_right_arithmetic3A_112, %dma_start3A_124, %mul3A_118] : memref<64x64x8192xf32, #tpu.memory_space<hbm>> -> memref<1x64x128xf32, #tpu.memory_space<hbm>>
    %dma_start3A_126 = tpu.memref_squeeze %dma_start3A_125 : memref<1x64x128xf32, #tpu.memory_space<hbm>> -> memref<64x128xf32, #tpu.memory_space<hbm>>
    %dma_start3A_127 = arith.constant 0 : i32
    %dma_start3A_128 = arith.constant 0 : i32
    %dma_start3A_129 = tpu.memref_slice %arg6[%dma_start3A_119, %dma_start3A_127, %dma_start3A_128] : memref<2x64x128xf32, #tpu.memory_space<vmem>> -> memref<1x64x128xf32, #tpu.memory_space<vmem>>
    %dma_start3A_130 = tpu.memref_squeeze %dma_start3A_129 : memref<1x64x128xf32, #tpu.memory_space<vmem>> -> memref<64x128xf32, #tpu.memory_space<vmem>>
    %dma_start3A_131 = arith.constant 0 : i32
    %dma_start3A_132 = tpu.memref_slice %arg2[%shift_right_arithmetic3A_112, %dma_start3A_131, %mul3A_118] : memref<64x64x8192xf32, #tpu.memory_space<hbm>> -> memref<1x64x128xf32, #tpu.memory_space<hbm>>
    %dma_start3A_133 = tpu.memref_squeeze %dma_start3A_132 : memref<1x64x128xf32, #tpu.memory_space<hbm>> -> memref<64x128xf32, #tpu.memory_space<hbm>>
    tpu.enqueue_dma source(%dma_start3A_133 : memref<64x128xf32, #tpu.memory_space<hbm>>) target(%dma_start3A_130 : memref<64x128xf32, #tpu.memory_space<vmem>>) target_semaphore(%arg8 : memref<!tpu.dma_semaphore, #tpu.memory_space<semaphore_mem>>)
    %slice3A_134 = vector.extract_strided_slice %get3A_3 {offsets = [1], sizes = [1], strides = [1]} : vector<16xi32> to vector<1xi32>
    %squeeze3A_135 = vector.extract %slice3A_134[0] : i32 from vector<1xi32>
    %shift_right_arithmetic3A_136 = arith.constant 13 : i32
    %shift_right_arithmetic3A_137 = arith.shrsi %squeeze3A_135, %shift_right_arithmetic3A_136 : i32
    %shift_right_arithmetic3A_138 = arith.constant 7 : i32
    %shift_right_arithmetic3A_139 = arith.shrsi %squeeze3A_135, %shift_right_arithmetic3A_138 : i32
    %and3A_140 = arith.constant 63 : i32
    %and3A_141 = arith.andi %shift_right_arithmetic3A_139, %and3A_140 : i32
    %mul3A_142 = arith.constant 128 : i32
    %mul3A_143 = arith.muli %and3A_141, %mul3A_142 : i32
    %dma_wait3A_144 = arith.constant 1 : i32
    %dma_wait3A_145 = arith.constant 0 : i32
    %dma_wait3A_146 = arith.constant 0 : i32
    %dma_wait3A_147 = tpu.memref_slice %arg6[%dma_wait3A_144, %dma_wait3A_145, %dma_wait3A_146] : memref<2x64x128xf32, #tpu.memory_space<vmem>> -> memref<1x64x128xf32, #tpu.memory_space<vmem>>
    %dma_wait3A_148 = tpu.memref_squeeze %dma_wait3A_147 : memref<1x64x128xf32, #tpu.memory_space<vmem>> -> memref<64x128xf32, #tpu.memory_space<vmem>>
    %dma_wait3A_149 = arith.constant 0 : i32
    %dma_wait3A_150 = tpu.memref_slice %arg2[%shift_right_arithmetic3A_137, %dma_wait3A_149, %mul3A_143] : memref<64x64x8192xf32, #tpu.memory_space<hbm>> -> memref<1x64x128xf32, #tpu.memory_space<hbm>>
    %dma_wait3A_151 = tpu.memref_squeeze %dma_wait3A_150 : memref<1x64x128xf32, #tpu.memory_space<hbm>> -> memref<64x128xf32, #tpu.memory_space<hbm>>
    %dma_wait3A_152 = arith.constant 0 : i32
    %dma_wait3A_153 = arith.constant 0 : i32
    %dma_wait3A_154 = tpu.memref_slice %arg6[%dma_wait3A_144, %dma_wait3A_152, %dma_wait3A_153] : memref<2x64x128xf32, #tpu.memory_space<vmem>> -> memref<1x64x128xf32, #tpu.memory_space<vmem>>
    %dma_wait3A_155 = tpu.memref_squeeze %dma_wait3A_154 : memref<1x64x128xf32, #tpu.memory_space<vmem>> -> memref<64x128xf32, #tpu.memory_space<vmem>>
    %dma_wait3A_156 = arith.constant 0 : i32
    %dma_wait3A_157 = tpu.memref_slice %arg2[%shift_right_arithmetic3A_137, %dma_wait3A_156, %mul3A_143] : memref<64x64x8192xf32, #tpu.memory_space<hbm>> -> memref<1x64x128xf32, #tpu.memory_space<hbm>>
    %dma_wait3A_158 = tpu.memref_squeeze %dma_wait3A_157 : memref<1x64x128xf32, #tpu.memory_space<hbm>> -> memref<64x128xf32, #tpu.memory_space<hbm>>
    tpu.wait_dma2 semaphore(%arg9 : memref<!tpu.dma_semaphore, #tpu.memory_space<semaphore_mem>>) src(%dma_wait3A_158 : memref<64x128xf32, #tpu.memory_space<hbm>>) dst(%dma_wait3A_155 : memref<64x128xf32, #tpu.memory_space<vmem>>)
    %slice3A_159 = vector.extract_strided_slice %get3A_3 {offsets = [1], sizes = [1], strides = [1]} : vector<16xi32> to vector<1xi32>
    %squeeze3A_160 = vector.extract %slice3A_159[0] : i32 from vector<1xi32>
    %and3A_161 = arith.constant 127 : i32
    %and3A_162 = arith.andi %squeeze3A_160, %and3A_161 : i32
    %broadcast_in_dim3A_163 = vector.broadcast %and3A_162 : i32 to vector<16xi32>
    %broadcast_in_dim3A_164 = arith.constant 1 : i32
    %broadcast_in_dim3A_165 = vector.broadcast %broadcast_in_dim3A_164 : i32 to vector<16xi32>
    %add3A_166 = arith.constant 0 : i32
    %add3A_167 = vector.broadcast %add3A_166 : i32 to vector<16xi32>
    %add3A_168 = arith.addi %iota3A, %add3A_167 : vector<16xi32>
    %gather3A_169 = tpu.vector_load_idx %arg6[%broadcast_in_dim3A_165, %add3A_168, %broadcast_in_dim3A_163] : memref<2x64x128xf32, #tpu.memory_space<vmem>>[vector<16xi32>, vector<16xi32>, vector<16xi32>], vector<16xf32>,
    %swap3A_170 = arith.constant 1 : i32
    %swap3A_171 = arith.index_cast %swap3A_170 : i32 to index
    %swap3A_172 = arith.constant 0 : index
    %swap3A_173 = tpu.vector_load %arg7[%swap3A_171, %swap3A_172] {strides = array<i32>} : memref<16x64xf32, #tpu.memory_space<vmem>>, vector<16xf32>,
    tpu.vector_store %arg7[%swap3A_171, %swap3A_172], %gather3A_169 {strides = array<i32>} : memref<16x64xf32, #tpu.memory_space<vmem>>, vector<16xf32>,
    %add3A_174 = arith.constant 16 : i32
    %add3A_175 = vector.broadcast %add3A_174 : i32 to vector<16xi32>
    %add3A_176 = arith.addi %iota3A, %add3A_175 : vector<16xi32>
    %gather3A_177 = tpu.vector_load_idx %arg6[%broadcast_in_dim3A_165, %add3A_176, %broadcast_in_dim3A_163] : memref<2x64x128xf32, #tpu.memory_space<vmem>>[vector<16xi32>, vector<16xi32>, vector<16xi32>], vector<16xf32>,
    %swap3A_178 = arith.constant 1 : i32
    %swap3A_179 = arith.index_cast %swap3A_178 : i32 to index
    %swap3A_180 = arith.constant 16 : index
    %swap3A_181 = tpu.vector_load %arg7[%swap3A_179, %swap3A_180] {strides = array<i32>} : memref<16x64xf32, #tpu.memory_space<vmem>>, vector<16xf32>,
    tpu.vector_store %arg7[%swap3A_179, %swap3A_180], %gather3A_177 {strides = array<i32>} : memref<16x64xf32, #tpu.memory_space<vmem>>, vector<16xf32>,
    %add3A_182 = arith.constant 32 : i32
    %add3A_183 = vector.broadcast %add3A_182 : i32 to vector<16xi32>
    %add3A_184 = arith.addi %iota3A, %add3A_183 : vector<16xi32>
    %gather3A_185 = tpu.vector_load_idx %arg6[%broadcast_in_dim3A_165, %add3A_184, %broadcast_in_dim3A_163] : memref<2x64x128xf32, #tpu.memory_space<vmem>>[vector<16xi32>, vector<16xi32>, vector<16xi32>], vector<16xf32>,
    %swap3A_186 = arith.constant 1 : i32
    %swap3A_187 = arith.index_cast %swap3A_186 : i32 to index
    %swap3A_188 = arith.constant 32 : index
    %swap3A_189 = tpu.vector_load %arg7[%swap3A_187, %swap3A_188] {strides = array<i32>} : memref<16x64xf32, #tpu.memory_space<vmem>>, vector<16xf32>,
    tpu.vector_store %arg7[%swap3A_187, %swap3A_188], %gather3A_185 {strides = array<i32>} : memref<16x64xf32, #tpu.memory_space<vmem>>, vector<16xf32>,
    %add3A_190 = arith.constant 48 : i32
    %add3A_191 = vector.broadcast %add3A_190 : i32 to vector<16xi32>
    %add3A_192 = arith.addi %iota3A, %add3A_191 : vector<16xi32>
    %gather3A_193 = tpu.vector_load_idx %arg6[%broadcast_in_dim3A_165, %add3A_192, %broadcast_in_dim3A_163] : memref<2x64x128xf32, #tpu.memory_space<vmem>>[vector<16xi32>, vector<16xi32>, vector<16xi32>], vector<16xf32>,
    %swap3A_194 = arith.constant 1 : i32
    %swap3A_195 = arith.index_cast %swap3A_194 : i32 to index
    %swap3A_196 = arith.constant 48 : index
    %swap3A_197 = tpu.vector_load %arg7[%swap3A_195, %swap3A_196] {strides = array<i32>} : memref<16x64xf32, #tpu.memory_space<vmem>>, vector<16xf32>,
    tpu.vector_store %arg7[%swap3A_195, %swap3A_196], %gather3A_193 {strides = array<i32>} : memref<16x64xf32, #tpu.memory_space<vmem>>, vector<16xf32>,
    %slice3A_198 = vector.extract_strided_slice %get3A_3 {offsets = [3], sizes = [1], strides = [1]} : vector<16xi32> to vector<1xi32>
    %squeeze3A_199 = vector.extract %slice3A_198[0] : i32 from vector<1xi32>
    %shift_right_arithmetic3A_200 = arith.constant 13 : i32
    %shift_right_arithmetic3A_201 = arith.shrsi %squeeze3A_199, %shift_right_arithmetic3A_200 : i32
    %shift_right_arithmetic3A_202 = arith.constant 7 : i32
    %shift_right_arithmetic3A_203 = arith.shrsi %squeeze3A_199, %shift_right_arithmetic3A_202 : i32
    %and3A_204 = arith.constant 63 : i32
    %and3A_205 = arith.andi %shift_right_arithmetic3A_203, %and3A_204 : i32
    %mul3A_206 = arith.constant 128 : i32
    %mul3A_207 = arith.muli %and3A_205, %mul3A_206 : i32
    %dma_start3A_208 = arith.constant 1 : i32
    %dma_start3A_209 = arith.constant 0 : i32
    %dma_start3A_210 = arith.constant 0 : i32
    %dma_start3A_211 = tpu.memref_slice %arg6[%dma_start3A_208, %dma_start3A_209, %dma_start3A_210] : memref<2x64x128xf32, #tpu.memory_space<vmem>> -> memref<1x64x128xf32, #tpu.memory_space<vmem>>
    %dma_start3A_212 = tpu.memref_squeeze %dma_start3A_211 : memref<1x64x128xf32, #tpu.memory_space<vmem>> -> memref<64x128xf32, #tpu.memory_space<vmem>>
    %dma_start3A_213 = arith.constant 0 : i32
    %dma_start3A_214 = tpu.memref_slice %arg2[%shift_right_arithmetic3A_201, %dma_start3A_213, %mul3A_207] : memref<64x64x8192xf32, #tpu.memory_space<hbm>> -> memref<1x64x128xf32, #tpu.memory_space<hbm>>
    %dma_start3A_215 = tpu.memref_squeeze %dma_start3A_214 : memref<1x64x128xf32, #tpu.memory_space<hbm>> -> memref<64x128xf32, #tpu.memory_space<hbm>>
    %dma_start3A_216 = arith.constant 0 : i32
    %dma_start3A_217 = arith.constant 0 : i32
    %dma_start3A_218 = tpu.memref_slice %arg6[%dma_start3A_208, %dma_start3A_216, %dma_start3A_217] : memref<2x64x128xf32, #tpu.memory_space<vmem>> -> memref<1x64x128xf32, #tpu.memory_space<vmem>>
    %dma_start3A_219 = tpu.memref_squeeze %dma_start3A_218 : memref<1x64x128xf32, #tpu.memory_space<vmem>> -> memref<64x128xf32, #tpu.memory_space<vmem>>
    %dma_start3A_220 = arith.constant 0 : i32
    %dma_start3A_221 = tpu.memref_slice %arg2[%shift_right_arithmetic3A_201, %dma_start3A_220, %mul3A_207] : memref<64x64x8192xf32, #tpu.memory_space<hbm>> -> memref<1x64x128xf32, #tpu.memory_space<hbm>>
    %dma_start3A_222 = tpu.memref_squeeze %dma_start3A_221 : memref<1x64x128xf32, #tpu.memory_space<hbm>> -> memref<64x128xf32, #tpu.memory_space<hbm>>
    tpu.enqueue_dma source(%dma_start3A_222 : memref<64x128xf32, #tpu.memory_space<hbm>>) target(%dma_start3A_219 : memref<64x128xf32, #tpu.memory_space<vmem>>) target_semaphore(%arg9 : memref<!tpu.dma_semaphore, #tpu.memory_space<semaphore_mem>>)
    %slice3A_223 = vector.extract_strided_slice %get3A_3 {offsets = [2], sizes = [1], strides = [1]} : vector<16xi32> to vector<1xi32>
    %squeeze3A_224 = vector.extract %slice3A_223[0] : i32 from vector<1xi32>
    %shift_right_arithmetic3A_225 = arith.constant 13 : i32
    %shift_right_arithmetic3A_226 = arith.shrsi %squeeze3A_224, %shift_right_arithmetic3A_225 : i32
    %shift_right_arithmetic3A_227 = arith.constant 7 : i32
    %shift_right_arithmetic3A_228 = arith.shrsi %squeeze3A_224, %shift_right_arithmetic3A_227 : i32
    %and3A_229 = arith.constant 63 : i32
    %and3A_230 = arith.andi %shift_right_arithmetic3A_228, %and3A_229 : i32
    %mul3A_231 = arith.constant 128 : i32
    %mul3A_232 = arith.muli %and3A_230, %mul3A_231 : i32
    %dma_wait3A_233 = arith.constant 0 : i32
    %dma_wait3A_234 = arith.constant 0 : i32
    %dma_wait3A_235 = arith.constant 0 : i32
    %dma_wait3A_236 = tpu.memref_slice %arg6[%dma_wait3A_233, %dma_wait3A_234, %dma_wait3A_235] : memref<2x64x128xf32, #tpu.memory_space<vmem>> -> memref<1x64x128xf32, #tpu.memory_space<vmem>>
    %dma_wait3A_237 = tpu.memref_squeeze %dma_wait3A_236 : memref<1x64x128xf32, #tpu.memory_space<vmem>> -> memref<64x128xf32, #tpu.memory_space<vmem>>
    %dma_wait3A_238 = arith.constant 0 : i32
    %dma_wait3A_239 = tpu.memref_slice %arg2[%shift_right_arithmetic3A_226, %dma_wait3A_238, %mul3A_232] : memref<64x64x8192xf32, #tpu.memory_space<hbm>> -> memref<1x64x128xf32, #tpu.memory_space<hbm>>
    %dma_wait3A_240 = tpu.memref_squeeze %dma_wait3A_239 : memref<1x64x128xf32, #tpu.memory_space<hbm>> -> memref<64x128xf32, #tpu.memory_space<hbm>>
    %dma_wait3A_241 = arith.constant 0 : i32
    %dma_wait3A_242 = arith.constant 0 : i32
    %dma_wait3A_243 = tpu.memref_slice %arg6[%dma_wait3A_233, %dma_wait3A_241, %dma_wait3A_242] : memref<2x64x128xf32, #tpu.memory_space<vmem>> -> memref<1x64x128xf32, #tpu.memory_space<vmem>>
    %dma_wait3A_244 = tpu.memref_squeeze %dma_wait3A_243 : memref<1x64x128xf32, #tpu.memory_space<vmem>> -> memref<64x128xf32, #tpu.memory_space<vmem>>
    %dma_wait3A_245 = arith.constant 0 : i32
    %dma_wait3A_246 = tpu.memref_slice %arg2[%shift_right_arithmetic3A_226, %dma_wait3A_245, %mul3A_232] : memref<64x64x8192xf32, #tpu.memory_space<hbm>> -> memref<1x64x128xf32, #tpu.memory_space<hbm>>
    %dma_wait3A_247 = tpu.memref_squeeze %dma_wait3A_246 : memref<1x64x128xf32, #tpu.memory_space<hbm>> -> memref<64x128xf32, #tpu.memory_space<hbm>>
    tpu.wait_dma2 semaphore(%arg8 : memref<!tpu.dma_semaphore, #tpu.memory_space<semaphore_mem>>) src(%dma_wait3A_247 : memref<64x128xf32, #tpu.memory_space<hbm>>) dst(%dma_wait3A_244 : memref<64x128xf32, #tpu.memory_space<vmem>>)
    %slice3A_248 = vector.extract_strided_slice %get3A_3 {offsets = [2], sizes = [1], strides = [1]} : vector<16xi32> to vector<1xi32>
    %squeeze3A_249 = vector.extract %slice3A_248[0] : i32 from vector<1xi32>
    %and3A_250 = arith.constant 127 : i32
    %and3A_251 = arith.andi %squeeze3A_249, %and3A_250 : i32
    %broadcast_in_dim3A_252 = vector.broadcast %and3A_251 : i32 to vector<16xi32>
    %broadcast_in_dim3A_253 = arith.constant 0 : i32
    %broadcast_in_dim3A_254 = vector.broadcast %broadcast_in_dim3A_253 : i32 to vector<16xi32>
    %add3A_255 = arith.constant 0 : i32
    %add3A_256 = vector.broadcast %add3A_255 : i32 to vector<16xi32>
    %add3A_257 = arith.addi %iota3A, %add3A_256 : vector<16xi32>
    %gather3A_258 = tpu.vector_load_idx %arg6[%broadcast_in_dim3A_254, %add3A_257, %broadcast_in_dim3A_252] : memref<2x64x128xf32, #tpu.memory_space<vmem>>[vector<16xi32>, vector<16xi32>, vector<16xi32>], vector<16xf32>,
    %swap3A_259 = arith.constant 2 : i32
    %swap3A_260 = arith.index_cast %swap3A_259 : i32 to index
    %swap3A_261 = arith.constant 0 : index
    %swap3A_262 = tpu.vector_load %arg7[%swap3A_260, %swap3A_261] {strides = array<i32>} : memref<16x64xf32, #tpu.memory_space<vmem>>, vector<16xf32>,
    tpu.vector_store %arg7[%swap3A_260, %swap3A_261], %gather3A_258 {strides = array<i32>} : memref<16x64xf32, #tpu.memory_space<vmem>>, vector<16xf32>,
    %add3A_263 = arith.constant 16 : i32
    %add3A_264 = vector.broadcast %add3A_263 : i32 to vector<16xi32>
    %add3A_265 = arith.addi %iota3A, %add3A_264 : vector<16xi32>
    %gather3A_266 = tpu.vector_load_idx %arg6[%broadcast_in_dim3A_254, %add3A_265, %broadcast_in_dim3A_252] : memref<2x64x128xf32, #tpu.memory_space<vmem>>[vector<16xi32>, vector<16xi32>, vector<16xi32>], vector<16xf32>,
    %swap3A_267 = arith.constant 2 : i32
    %swap3A_268 = arith.index_cast %swap3A_267 : i32 to index
    %swap3A_269 = arith.constant 16 : index
    %swap3A_270 = tpu.vector_load %arg7[%swap3A_268, %swap3A_269] {strides = array<i32>} : memref<16x64xf32, #tpu.memory_space<vmem>>, vector<16xf32>,
    tpu.vector_store %arg7[%swap3A_268, %swap3A_269], %gather3A_266 {strides = array<i32>} : memref<16x64xf32, #tpu.memory_space<vmem>>, vector<16xf32>,
    %add3A_271 = arith.constant 32 : i32
    %add3A_272 = vector.broadcast %add3A_271 : i32 to vector<16xi32>
    %add3A_273 = arith.addi %iota3A, %add3A_272 : vector<16xi32>
    %gather3A_274 = tpu.vector_load_idx %arg6[%broadcast_in_dim3A_254, %add3A_273, %broadcast_in_dim3A_252] : memref<2x64x128xf32, #tpu.memory_space<vmem>>[vector<16xi32>, vector<16xi32>, vector<16xi32>], vector<16xf32>,
    %swap3A_275 = arith.constant 2 : i32
    %swap3A_276 = arith.index_cast %swap3A_275 : i32 to index
    %swap3A_277 = arith.constant 32 : index
    %swap3A_278 = tpu.vector_load %arg7[%swap3A_276, %swap3A_277] {strides = array<i32>} : memref<16x64xf32, #tpu.memory_space<vmem>>, vector<16xf32>,
    tpu.vector_store %arg7[%swap3A_276, %swap3A_277], %gather3A_274 {strides = array<i32>} : memref<16x64xf32, #tpu.memory_space<vmem>>, vector<16xf32>,
    %add3A_279 = arith.constant 48 : i32
    %add3A_280 = vector.broadcast %add3A_279 : i32 to vector<16xi32>
    %add3A_281 = arith.addi %iota3A, %add3A_280 : vector<16xi32>
    %gather3A_282 = tpu.vector_load_idx %arg6[%broadcast_in_dim3A_254, %add3A_281, %broadcast_in_dim3A_252] : memref<2x64x128xf32, #tpu.memory_space<vmem>>[vector<16xi32>, vector<16xi32>, vector<16xi32>], vector<16xf32>,
    %swap3A_283 = arith.constant 2 : i32
    %swap3A_284 = arith.index_cast %swap3A_283 : i32 to index
    %swap3A_285 = arith.constant 48 : index
    %swap3A_286 = tpu.vector_load %arg7[%swap3A_284, %swap3A_285] {strides = array<i32>} : memref<16x64xf32, #tpu.memory_space<vmem>>, vector<16xf32>,
    tpu.vector_store %arg7[%swap3A_284, %swap3A_285], %gather3A_282 {strides = array<i32>} : memref<16x64xf32, #tpu.memory_space<vmem>>, vector<16xf32>,
    %slice3A_287 = vector.extract_strided_slice %get3A_3 {offsets = [4], sizes = [1], strides = [1]} : vector<16xi32> to vector<1xi32>
    %squeeze3A_288 = vector.extract %slice3A_287[0] : i32 from vector<1xi32>
    %shift_right_arithmetic3A_289 = arith.constant 13 : i32
    %shift_right_arithmetic3A_290 = arith.shrsi %squeeze3A_288, %shift_right_arithmetic3A_289 : i32
    %shift_right_arithmetic3A_291 = arith.constant 7 : i32
    %shift_right_arithmetic3A_292 = arith.shrsi %squeeze3A_288, %shift_right_arithmetic3A_291 : i32
    %and3A_293 = arith.constant 63 : i32
    %and3A_294 = arith.andi %shift_right_arithmetic3A_292, %and3A_293 : i32
    %mul3A_295 = arith.constant 128 : i32
    %mul3A_296 = arith.muli %and3A_294, %mul3A_295 : i32
    %dma_start3A_297 = arith.constant 0 : i32
    %dma_start3A_298 = arith.constant 0 : i32
    %dma_start3A_299 = arith.constant 0 : i32
    %dma_start3A_300 = tpu.memref_slice %arg6[%dma_start3A_297, %dma_start3A_298, %dma_start3A_299] : memref<2x64x128xf32, #tpu.memory_space<vmem>> -> memref<1x64x128xf32, #tpu.memory_space<vmem>>
    %dma_start3A_301 = tpu.memref_squeeze %dma_start3A_300 : memref<1x64x128xf32, #tpu.memory_space<vmem>> -> memref<64x128xf32, #tpu.memory_space<vmem>>
    %dma_start3A_302 = arith.constant 0 : i32
    %dma_start3A_303 = tpu.memref_slice %arg2[%shift_right_arithmetic3A_290, %dma_start3A_302, %mul3A_296] : memref<64x64x8192xf32, #tpu.memory_space<hbm>> -> memref<1x64x128xf32, #tpu.memory_space<hbm>>
    %dma_start3A_304 = tpu.memref_squeeze %dma_start3A_303 : memref<1x64x128xf32, #tpu.memory_space<hbm>> -> memref<64x128xf32, #tpu.memory_space<hbm>>
    %dma_start3A_305 = arith.constant 0 : i32
    %dma_start3A_306 = arith.constant 0 : i32
    %dma_start3A_307 = tpu.memref_slice %arg6[%dma_start3A_297, %dma_start3A_305, %dma_start3A_306] : memref<2x64x128xf32, #tpu.memory_space<vmem>> -> memref<1x64x128xf32, #tpu.memory_space<vmem>>
    %dma_start3A_308 = tpu.memref_squeeze %dma_start3A_307 : memref<1x64x128xf32, #tpu.memory_space<vmem>> -> memref<64x128xf32, #tpu.memory_space<vmem>>
    %dma_start3A_309 = arith.constant 0 : i32
    %dma_start3A_310 = tpu.memref_slice %arg2[%shift_right_arithmetic3A_290, %dma_start3A_309, %mul3A_296] : memref<64x64x8192xf32, #tpu.memory_space<hbm>> -> memref<1x64x128xf32, #tpu.memory_space<hbm>>
    %dma_start3A_311 = tpu.memref_squeeze %dma_start3A_310 : memref<1x64x128xf32, #tpu.memory_space<hbm>> -> memref<64x128xf32, #tpu.memory_space<hbm>>
    tpu.enqueue_dma source(%dma_start3A_311 : memref<64x128xf32, #tpu.memory_space<hbm>>) target(%dma_start3A_308 : memref<64x128xf32, #tpu.memory_space<vmem>>) target_semaphore(%arg8 : memref<!tpu.dma_semaphore, #tpu.memory_space<semaphore_mem>>)
    %slice3A_312 = vector.extract_strided_slice %get3A_3 {offsets = [3], sizes = [1], strides = [1]} : vector<16xi32> to vector<1xi32>
    %squeeze3A_313 = vector.extract %slice3A_312[0] : i32 from vector<1xi32>
    %shift_right_arithmetic3A_314 = arith.constant 13 : i32
    %shift_right_arithmetic3A_315 = arith.shrsi %squeeze3A_313, %shift_right_arithmetic3A_314 : i32
    %shift_right_arithmetic3A_316 = arith.constant 7 : i32
    %shift_right_arithmetic3A_317 = arith.shrsi %squeeze3A_313, %shift_right_arithmetic3A_316 : i32
    %and3A_318 = arith.constant 63 : i32
    %and3A_319 = arith.andi %shift_right_arithmetic3A_317, %and3A_318 : i32
    %mul3A_320 = arith.constant 128 : i32
    %mul3A_321 = arith.muli %and3A_319, %mul3A_320 : i32
    %dma_wait3A_322 = arith.constant 1 : i32
    %dma_wait3A_323 = arith.constant 0 : i32
    %dma_wait3A_324 = arith.constant 0 : i32
    %dma_wait3A_325 = tpu.memref_slice %arg6[%dma_wait3A_322, %dma_wait3A_323, %dma_wait3A_324] : memref<2x64x128xf32, #tpu.memory_space<vmem>> -> memref<1x64x128xf32, #tpu.memory_space<vmem>>
    %dma_wait3A_326 = tpu.memref_squeeze %dma_wait3A_325 : memref<1x64x128xf32, #tpu.memory_space<vmem>> -> memref<64x128xf32, #tpu.memory_space<vmem>>
    %dma_wait3A_327 = arith.constant 0 : i32
    %dma_wait3A_328 = tpu.memref_slice %arg2[%shift_right_arithmetic3A_315, %dma_wait3A_327, %mul3A_321] : memref<64x64x8192xf32, #tpu.memory_space<hbm>> -> memref<1x64x128xf32, #tpu.memory_space<hbm>>
    %dma_wait3A_329 = tpu.memref_squeeze %dma_wait3A_328 : memref<1x64x128xf32, #tpu.memory_space<hbm>> -> memref<64x128xf32, #tpu.memory_space<hbm>>
    %dma_wait3A_330 = arith.constant 0 : i32
    %dma_wait3A_331 = arith.constant 0 : i32
    %dma_wait3A_332 = tpu.memref_slice %arg6[%dma_wait3A_322, %dma_wait3A_330, %dma_wait3A_331] : memref<2x64x128xf32, #tpu.memory_space<vmem>> -> memref<1x64x128xf32, #tpu.memory_space<vmem>>
    %dma_wait3A_333 = tpu.memref_squeeze %dma_wait3A_332 : memref<1x64x128xf32, #tpu.memory_space<vmem>> -> memref<64x128xf32, #tpu.memory_space<vmem>>
    %dma_wait3A_334 = arith.constant 0 : i32
    %dma_wait3A_335 = tpu.memref_slice %arg2[%shift_right_arithmetic3A_315, %dma_wait3A_334, %mul3A_321] : memref<64x64x8192xf32, #tpu.memory_space<hbm>> -> memref<1x64x128xf32, #tpu.memory_space<hbm>>
    %dma_wait3A_336 = tpu.memref_squeeze %dma_wait3A_335 : memref<1x64x128xf32, #tpu.memory_space<hbm>> -> memref<64x128xf32, #tpu.memory_space<hbm>>
    tpu.wait_dma2 semaphore(%arg9 : memref<!tpu.dma_semaphore, #tpu.memory_space<semaphore_mem>>) src(%dma_wait3A_336 : memref<64x128xf32, #tpu.memory_space<hbm>>) dst(%dma_wait3A_333 : memref<64x128xf32, #tpu.memory_space<vmem>>)
    %slice3A_337 = vector.extract_strided_slice %get3A_3 {offsets = [3], sizes = [1], strides = [1]} : vector<16xi32> to vector<1xi32>
    %squeeze3A_338 = vector.extract %slice3A_337[0] : i32 from vector<1xi32>
    %and3A_339 = arith.constant 127 : i32
    %and3A_340 = arith.andi %squeeze3A_338, %and3A_339 : i32
    %broadcast_in_dim3A_341 = vector.broadcast %and3A_340 : i32 to vector<16xi32>
    %broadcast_in_dim3A_342 = arith.constant 1 : i32
    %broadcast_in_dim3A_343 = vector.broadcast %broadcast_in_dim3A_342 : i32 to vector<16xi32>
    %add3A_344 = arith.constant 0 : i32
    %add3A_345 = vector.broadcast %add3A_344 : i32 to vector<16xi32>
    %add3A_346 = arith.addi %iota3A, %add3A_345 : vector<16xi32>
    %gather3A_347 = tpu.vector_load_idx %arg6[%broadcast_in_dim3A_343, %add3A_346, %broadcast_in_dim3A_341] : memref<2x64x128xf32, #tpu.memory_space<vmem>>[vector<16xi32>, vector<16xi32>, vector<16xi32>], vector<16xf32>,
    %swap3A_348 = arith.constant 3 : i32
    %swap3A_349 = arith.index_cast %swap3A_348 : i32 to index
    %swap3A_350 = arith.constant 0 : index
    %swap3A_351 = tpu.vector_load %arg7[%swap3A_349, %swap3A_350] {strides = array<i32>} : memref<16x64xf32, #tpu.memory_space<vmem>>, vector<16xf32>,
    tpu.vector_store %arg7[%swap3A_349, %swap3A_350], %gather3A_347 {strides = array<i32>} : memref<16x64xf32, #tpu.memory_space<vmem>>, vector<16xf32>,
    %add3A_352 = arith.constant 16 : i32
    %add3A_353 = vector.broadcast %add3A_352 : i32 to vector<16xi32>
    %add3A_354 = arith.addi %iota3A, %add3A_353 : vector<16xi32>
    %gather3A_355 = tpu.vector_load_idx %arg6[%broadcast_in_dim3A_343, %add3A_354, %broadcast_in_dim3A_341] : memref<2x64x128xf32, #tpu.memory_space<vmem>>[vector<16xi32>, vector<16xi32>, vector<16xi32>], vector<16xf32>,
    %swap3A_356 = arith.constant 3 : i32
    %swap3A_357 = arith.index_cast %swap3A_356 : i32 to index
    %swap3A_358 = arith.constant 16 : index
    %swap3A_359 = tpu.vector_load %arg7[%swap3A_357, %swap3A_358] {strides = array<i32>} : memref<16x64xf32, #tpu.memory_space<vmem>>, vector<16xf32>,
    tpu.vector_store %arg7[%swap3A_357, %swap3A_358], %gather3A_355 {strides = array<i32>} : memref<16x64xf32, #tpu.memory_space<vmem>>, vector<16xf32>,
    %add3A_360 = arith.constant 32 : i32
    %add3A_361 = vector.broadcast %add3A_360 : i32 to vector<16xi32>
    %add3A_362 = arith.addi %iota3A, %add3A_361 : vector<16xi32>
    %gather3A_363 = tpu.vector_load_idx %arg6[%broadcast_in_dim3A_343, %add3A_362, %broadcast_in_dim3A_341] : memref<2x64x128xf32, #tpu.memory_space<vmem>>[vector<16xi32>, vector<16xi32>, vector<16xi32>], vector<16xf32>,
    %swap3A_364 = arith.constant 3 : i32
    %swap3A_365 = arith.index_cast %swap3A_364 : i32 to index
    %swap3A_366 = arith.constant 32 : index
    %swap3A_367 = tpu.vector_load %arg7[%swap3A_365, %swap3A_366] {strides = array<i32>} : memref<16x64xf32, #tpu.memory_space<vmem>>, vector<16xf32>,
    tpu.vector_store %arg7[%swap3A_365, %swap3A_366], %gather3A_363 {strides = array<i32>} : memref<16x64xf32, #tpu.memory_space<vmem>>, vector<16xf32>,
    %add3A_368 = arith.constant 48 : i32
    %add3A_369 = vector.broadcast %add3A_368 : i32 to vector<16xi32>
    %add3A_370 = arith.addi %iota3A, %add3A_369 : vector<16xi32>
    %gather3A_371 = tpu.vector_load_idx %arg6[%broadcast_in_dim3A_343, %add3A_370, %broadcast_in_dim3A_341] : memref<2x64x128xf32, #tpu.memory_space<vmem>>[vector<16xi32>, vector<16xi32>, vector<16xi32>], vector<16xf32>,
    %swap3A_372 = arith.constant 3 : i32
    %swap3A_373 = arith.index_cast %swap3A_372 : i32 to index
    %swap3A_374 = arith.constant 48 : index
    %swap3A_375 = tpu.vector_load %arg7[%swap3A_373, %swap3A_374] {strides = array<i32>} : memref<16x64xf32, #tpu.memory_space<vmem>>, vector<16xf32>,
    tpu.vector_store %arg7[%swap3A_373, %swap3A_374], %gather3A_371 {strides = array<i32>} : memref<16x64xf32, #tpu.memory_space<vmem>>, vector<16xf32>,
    %slice3A_376 = vector.extract_strided_slice %get3A_3 {offsets = [5], sizes = [1], strides = [1]} : vector<16xi32> to vector<1xi32>
    %squeeze3A_377 = vector.extract %slice3A_376[0] : i32 from vector<1xi32>
    %shift_right_arithmetic3A_378 = arith.constant 13 : i32
    %shift_right_arithmetic3A_379 = arith.shrsi %squeeze3A_377, %shift_right_arithmetic3A_378 : i32
    %shift_right_arithmetic3A_380 = arith.constant 7 : i32
    %shift_right_arithmetic3A_381 = arith.shrsi %squeeze3A_377, %shift_right_arithmetic3A_380 : i32
    %and3A_382 = arith.constant 63 : i32
    %and3A_383 = arith.andi %shift_right_arithmetic3A_381, %and3A_382 : i32
    %mul3A_384 = arith.constant 128 : i32
    %mul3A_385 = arith.muli %and3A_383, %mul3A_384 : i32
    %dma_start3A_386 = arith.constant 1 : i32
    %dma_start3A_387 = arith.constant 0 : i32
    %dma_start3A_388 = arith.constant 0 : i32
    %dma_start3A_389 = tpu.memref_slice %arg6[%dma_start3A_386, %dma_start3A_387, %dma_start3A_388] : memref<2x64x128xf32, #tpu.memory_space<vmem>> -> memref<1x64x128xf32, #tpu.memory_space<vmem>>
    %dma_start3A_390 = tpu.memref_squeeze %dma_start3A_389 : memref<1x64x128xf32, #tpu.memory_space<vmem>> -> memref<64x128xf32, #tpu.memory_space<vmem>>
    %dma_start3A_391 = arith.constant 0 : i32
    %dma_start3A_392 = tpu.memref_slice %arg2[%shift_right_arithmetic3A_379, %dma_start3A_391, %mul3A_385] : memref<64x64x8192xf32, #tpu.memory_space<hbm>> -> memref<1x64x128xf32, #tpu.memory_space<hbm>>
    %dma_start3A_393 = tpu.memref_squeeze %dma_start3A_392 : memref<1x64x128xf32, #tpu.memory_space<hbm>> -> memref<64x128xf32, #tpu.memory_space<hbm>>
    %dma_start3A_394 = arith.constant 0 : i32
    %dma_start3A_395 = arith.constant 0 : i32
    %dma_start3A_396 = tpu.memref_slice %arg6[%dma_start3A_386, %dma_start3A_394, %dma_start3A_395] : memref<2x64x128xf32, #tpu.memory_space<vmem>> -> memref<1x64x128xf32, #tpu.memory_space<vmem>>
    %dma_start3A_397 = tpu.memref_squeeze %dma_start3A_396 : memref<1x64x128xf32, #tpu.memory_space<vmem>> -> memref<64x128xf32, #tpu.memory_space<vmem>>
    %dma_start3A_398 = arith.constant 0 : i32
    %dma_start3A_399 = tpu.memref_slice %arg2[%shift_right_arithmetic3A_379, %dma_start3A_398, %mul3A_385] : memref<64x64x8192xf32, #tpu.memory_space<hbm>> -> memref<1x64x128xf32, #tpu.memory_space<hbm>>
    %dma_start3A_400 = tpu.memref_squeeze %dma_start3A_399 : memref<1x64x128xf32, #tpu.memory_space<hbm>> -> memref<64x128xf32, #tpu.memory_space<hbm>>
    tpu.enqueue_dma source(%dma_start3A_400 : memref<64x128xf32, #tpu.memory_space<hbm>>) target(%dma_start3A_397 : memref<64x128xf32, #tpu.memory_space<vmem>>) target_semaphore(%arg9 : memref<!tpu.dma_semaphore, #tpu.memory_space<semaphore_mem>>)
    %slice3A_401 = vector.extract_strided_slice %get3A_3 {offsets = [4], sizes = [1], strides = [1]} : vector<16xi32> to vector<1xi32>
    %squeeze3A_402 = vector.extract %slice3A_401[0] : i32 from vector<1xi32>
    %shift_right_arithmetic3A_403 = arith.constant 13 : i32
    %shift_right_arithmetic3A_404 = arith.shrsi %squeeze3A_402, %shift_right_arithmetic3A_403 : i32
    %shift_right_arithmetic3A_405 = arith.constant 7 : i32
    %shift_right_arithmetic3A_406 = arith.shrsi %squeeze3A_402, %shift_right_arithmetic3A_405 : i32
    %and3A_407 = arith.constant 63 : i32
    %and3A_408 = arith.andi %shift_right_arithmetic3A_406, %and3A_407 : i32
    %mul3A_409 = arith.constant 128 : i32
    %mul3A_410 = arith.muli %and3A_408, %mul3A_409 : i32
    %dma_wait3A_411 = arith.constant 0 : i32
    %dma_wait3A_412 = arith.constant 0 : i32
    %dma_wait3A_413 = arith.constant 0 : i32
    %dma_wait3A_414 = tpu.memref_slice %arg6[%dma_wait3A_411, %dma_wait3A_412, %dma_wait3A_413] : memref<2x64x128xf32, #tpu.memory_space<vmem>> -> memref<1x64x128xf32, #tpu.memory_space<vmem>>
    %dma_wait3A_415 = tpu.memref_squeeze %dma_wait3A_414 : memref<1x64x128xf32, #tpu.memory_space<vmem>> -> memref<64x128xf32, #tpu.memory_space<vmem>>
    %dma_wait3A_416 = arith.constant 0 : i32
    %dma_wait3A_417 = tpu.memref_slice %arg2[%shift_right_arithmetic3A_404, %dma_wait3A_416, %mul3A_410] : memref<64x64x8192xf32, #tpu.memory_space<hbm>> -> memref<1x64x128xf32, #tpu.memory_space<hbm>>
    %dma_wait3A_418 = tpu.memref_squeeze %dma_wait3A_417 : memref<1x64x128xf32, #tpu.memory_space<hbm>> -> memref<64x128xf32, #tpu.memory_space<hbm>>
    %dma_wait3A_419 = arith.constant 0 : i32
    %dma_wait3A_420 = arith.constant 0 : i32
    %dma_wait3A_421 = tpu.memref_slice %arg6[%dma_wait3A_411, %dma_wait3A_419, %dma_wait3A_420] : memref<2x64x128xf32, #tpu.memory_space<vmem>> -> memref<1x64x128xf32, #tpu.memory_space<vmem>>
    %dma_wait3A_422 = tpu.memref_squeeze %dma_wait3A_421 : memref<1x64x128xf32, #tpu.memory_space<vmem>> -> memref<64x128xf32, #tpu.memory_space<vmem>>
    %dma_wait3A_423 = arith.constant 0 : i32
    %dma_wait3A_424 = tpu.memref_slice %arg2[%shift_right_arithmetic3A_404, %dma_wait3A_423, %mul3A_410] : memref<64x64x8192xf32, #tpu.memory_space<hbm>> -> memref<1x64x128xf32, #tpu.memory_space<hbm>>
    %dma_wait3A_425 = tpu.memref_squeeze %dma_wait3A_424 : memref<1x64x128xf32, #tpu.memory_space<hbm>> -> memref<64x128xf32, #tpu.memory_space<hbm>>
    tpu.wait_dma2 semaphore(%arg8 : memref<!tpu.dma_semaphore, #tpu.memory_space<semaphore_mem>>) src(%dma_wait3A_425 : memref<64x128xf32, #tpu.memory_space<hbm>>) dst(%dma_wait3A_422 : memref<64x128xf32, #tpu.memory_space<vmem>>)
    %slice3A_426 = vector.extract_strided_slice %get3A_3 {offsets = [4], sizes = [1], strides = [1]} : vector<16xi32> to vector<1xi32>
    %squeeze3A_427 = vector.extract %slice3A_426[0] : i32 from vector<1xi32>
    %and3A_428 = arith.constant 127 : i32
    %and3A_429 = arith.andi %squeeze3A_427, %and3A_428 : i32
    %broadcast_in_dim3A_430 = vector.broadcast %and3A_429 : i32 to vector<16xi32>
    %broadcast_in_dim3A_431 = arith.constant 0 : i32
    %broadcast_in_dim3A_432 = vector.broadcast %broadcast_in_dim3A_431 : i32 to vector<16xi32>
    %add3A_433 = arith.constant 0 : i32
    %add3A_434 = vector.broadcast %add3A_433 : i32 to vector<16xi32>
    %add3A_435 = arith.addi %iota3A, %add3A_434 : vector<16xi32>
    %gather3A_436 = tpu.vector_load_idx %arg6[%broadcast_in_dim3A_432, %add3A_435, %broadcast_in_dim3A_430] : memref<2x64x128xf32, #tpu.memory_space<vmem>>[vector<16xi32>, vector<16xi32>, vector<16xi32>], vector<16xf32>,
    %swap3A_437 = arith.constant 4 : i32
    %swap3A_438 = arith.index_cast %swap3A_437 : i32 to index
    %swap3A_439 = arith.constant 0 : index
    %swap3A_440 = tpu.vector_load %arg7[%swap3A_438, %swap3A_439] {strides = array<i32>} : memref<16x64xf32, #tpu.memory_space<vmem>>, vector<16xf32>,
    tpu.vector_store %arg7[%swap3A_438, %swap3A_439], %gather3A_436 {strides = array<i32>} : memref<16x64xf32, #tpu.memory_space<vmem>>, vector<16xf32>,
    %add3A_441 = arith.constant 16 : i32
    %add3A_442 = vector.broadcast %add3A_441 : i32 to vector<16xi32>
    %add3A_443 = arith.addi %iota3A, %add3A_442 : vector<16xi32>
    %gather3A_444 = tpu.vector_load_idx %arg6[%broadcast_in_dim3A_432, %add3A_443, %broadcast_in_dim3A_430] : memref<2x64x128xf32, #tpu.memory_space<vmem>>[vector<16xi32>, vector<16xi32>, vector<16xi32>], vector<16xf32>,
    %swap3A_445 = arith.constant 4 : i32
    %swap3A_446 = arith.index_cast %swap3A_445 : i32 to index
    %swap3A_447 = arith.constant 16 : index
    %swap3A_448 = tpu.vector_load %arg7[%swap3A_446, %swap3A_447] {strides = array<i32>} : memref<16x64xf32, #tpu.memory_space<vmem>>, vector<16xf32>,
    tpu.vector_store %arg7[%swap3A_446, %swap3A_447], %gather3A_444 {strides = array<i32>} : memref<16x64xf32, #tpu.memory_space<vmem>>, vector<16xf32>,
    %add3A_449 = arith.constant 32 : i32
    %add3A_450 = vector.broadcast %add3A_449 : i32 to vector<16xi32>
    %add3A_451 = arith.addi %iota3A, %add3A_450 : vector<16xi32>
    %gather3A_452 = tpu.vector_load_idx %arg6[%broadcast_in_dim3A_432, %add3A_451, %broadcast_in_dim3A_430] : memref<2x64x128xf32, #tpu.memory_space<vmem>>[vector<16xi32>, vector<16xi32>, vector<16xi32>], vector<16xf32>,
    %swap3A_453 = arith.constant 4 : i32
    %swap3A_454 = arith.index_cast %swap3A_453 : i32 to index
    %swap3A_455 = arith.constant 32 : index
    %swap3A_456 = tpu.vector_load %arg7[%swap3A_454, %swap3A_455] {strides = array<i32>} : memref<16x64xf32, #tpu.memory_space<vmem>>, vector<16xf32>,
    tpu.vector_store %arg7[%swap3A_454, %swap3A_455], %gather3A_452 {strides = array<i32>} : memref<16x64xf32, #tpu.memory_space<vmem>>, vector<16xf32>,
    %add3A_457 = arith.constant 48 : i32
    %add3A_458 = vector.broadcast %add3A_457 : i32 to vector<16xi32>
    %add3A_459 = arith.addi %iota3A, %add3A_458 : vector<16xi32>
    %gather3A_460 = tpu.vector_load_idx %arg6[%broadcast_in_dim3A_432, %add3A_459, %broadcast_in_dim3A_430] : memref<2x64x128xf32, #tpu.memory_space<vmem>>[vector<16xi32>, vector<16xi32>, vector<16xi32>], vector<16xf32>,
    %swap3A_461 = arith.constant 4 : i32
    %swap3A_462 = arith.index_cast %swap3A_461 : i32 to index
    %swap3A_463 = arith.constant 48 : index
    %swap3A_464 = tpu.vector_load %arg7[%swap3A_462, %swap3A_463] {strides = array<i32>} : memref<16x64xf32, #tpu.memory_space<vmem>>, vector<16xf32>,
    tpu.vector_store %arg7[%swap3A_462, %swap3A_463], %gather3A_460 {strides = array<i32>} : memref<16x64xf32, #tpu.memory_space<vmem>>, vector<16xf32>,
    %slice3A_465 = vector.extract_strided_slice %get3A_3 {offsets = [6], sizes = [1], strides = [1]} : vector<16xi32> to vector<1xi32>
    %squeeze3A_466 = vector.extract %slice3A_465[0] : i32 from vector<1xi32>
    %shift_right_arithmetic3A_467 = arith.constant 13 : i32
    %shift_right_arithmetic3A_468 = arith.shrsi %squeeze3A_466, %shift_right_arithmetic3A_467 : i32
    %shift_right_arithmetic3A_469 = arith.constant 7 : i32
    %shift_right_arithmetic3A_470 = arith.shrsi %squeeze3A_466, %shift_right_arithmetic3A_469 : i32
    %and3A_471 = arith.constant 63 : i32
    %and3A_472 = arith.andi %shift_right_arithmetic3A_470, %and3A_471 : i32
    %mul3A_473 = arith.constant 128 : i32
    %mul3A_474 = arith.muli %and3A_472, %mul3A_473 : i32
    %dma_start3A_475 = arith.constant 0 : i32
    %dma_start3A_476 = arith.constant 0 : i32
    %dma_start3A_477 = arith.constant 0 : i32
    %dma_start3A_478 = tpu.memref_slice %arg6[%dma_start3A_475, %dma_start3A_476, %dma_start3A_477] : memref<2x64x128xf32, #tpu.memory_space<vmem>> -> memref<1x64x128xf32, #tpu.memory_space<vmem>>
    %dma_start3A_479 = tpu.memref_squeeze %dma_start3A_478 : memref<1x64x128xf32, #tpu.memory_space<vmem>> -> memref<64x128xf32, #tpu.memory_space<vmem>>
    %dma_start3A_480 = arith.constant 0 : i32
    %dma_start3A_481 = tpu.memref_slice %arg2[%shift_right_arithmetic3A_468, %dma_start3A_480, %mul3A_474] : memref<64x64x8192xf32, #tpu.memory_space<hbm>> -> memref<1x64x128xf32, #tpu.memory_space<hbm>>
    %dma_start3A_482 = tpu.memref_squeeze %dma_start3A_481 : memref<1x64x128xf32, #tpu.memory_space<hbm>> -> memref<64x128xf32, #tpu.memory_space<hbm>>
    %dma_start3A_483 = arith.constant 0 : i32
    %dma_start3A_484 = arith.constant 0 : i32
    %dma_start3A_485 = tpu.memref_slice %arg6[%dma_start3A_475, %dma_start3A_483, %dma_start3A_484] : memref<2x64x128xf32, #tpu.memory_space<vmem>> -> memref<1x64x128xf32, #tpu.memory_space<vmem>>
    %dma_start3A_486 = tpu.memref_squeeze %dma_start3A_485 : memref<1x64x128xf32, #tpu.memory_space<vmem>> -> memref<64x128xf32, #tpu.memory_space<vmem>>
    %dma_start3A_487 = arith.constant 0 : i32
    %dma_start3A_488 = tpu.memref_slice %arg2[%shift_right_arithmetic3A_468, %dma_start3A_487, %mul3A_474] : memref<64x64x8192xf32, #tpu.memory_space<hbm>> -> memref<1x64x128xf32, #tpu.memory_space<hbm>>
    %dma_start3A_489 = tpu.memref_squeeze %dma_start3A_488 : memref<1x64x128xf32, #tpu.memory_space<hbm>> -> memref<64x128xf32, #tpu.memory_space<hbm>>
    tpu.enqueue_dma source(%dma_start3A_489 : memref<64x128xf32, #tpu.memory_space<hbm>>) target(%dma_start3A_486 : memref<64x128xf32, #tpu.memory_space<vmem>>) target_semaphore(%arg8 : memref<!tpu.dma_semaphore, #tpu.memory_space<semaphore_mem>>)
    %slice3A_490 = vector.extract_strided_slice %get3A_3 {offsets = [5], sizes = [1], strides = [1]} : vector<16xi32> to vector<1xi32>
    %squeeze3A_491 = vector.extract %slice3A_490[0] : i32 from vector<1xi32>
    %shift_right_arithmetic3A_492 = arith.constant 13 : i32
    %shift_right_arithmetic3A_493 = arith.shrsi %squeeze3A_491, %shift_right_arithmetic3A_492 : i32
    %shift_right_arithmetic3A_494 = arith.constant 7 : i32
    %shift_right_arithmetic3A_495 = arith.shrsi %squeeze3A_491, %shift_right_arithmetic3A_494 : i32
    %and3A_496 = arith.constant 63 : i32
    %and3A_497 = arith.andi %shift_right_arithmetic3A_495, %and3A_496 : i32
    %mul3A_498 = arith.constant 128 : i32
    %mul3A_499 = arith.muli %and3A_497, %mul3A_498 : i32
    %dma_wait3A_500 = arith.constant 1 : i32
    %dma_wait3A_501 = arith.constant 0 : i32
    %dma_wait3A_502 = arith.constant 0 : i32
    %dma_wait3A_503 = tpu.memref_slice %arg6[%dma_wait3A_500, %dma_wait3A_501, %dma_wait3A_502] : memref<2x64x128xf32, #tpu.memory_space<vmem>> -> memref<1x64x128xf32, #tpu.memory_space<vmem>>
    %dma_wait3A_504 = tpu.memref_squeeze %dma_wait3A_503 : memref<1x64x128xf32, #tpu.memory_space<vmem>> -> memref<64x128xf32, #tpu.memory_space<vmem>>
    %dma_wait3A_505 = arith.constant 0 : i32
    %dma_wait3A_506 = tpu.memref_slice %arg2[%shift_right_arithmetic3A_493, %dma_wait3A_505, %mul3A_499] : memref<64x64x8192xf32, #tpu.memory_space<hbm>> -> memref<1x64x128xf32, #tpu.memory_space<hbm>>
    %dma_wait3A_507 = tpu.memref_squeeze %dma_wait3A_506 : memref<1x64x128xf32, #tpu.memory_space<hbm>> -> memref<64x128xf32, #tpu.memory_space<hbm>>
    %dma_wait3A_508 = arith.constant 0 : i32
    %dma_wait3A_509 = arith.constant 0 : i32
    %dma_wait3A_510 = tpu.memref_slice %arg6[%dma_wait3A_500, %dma_wait3A_508, %dma_wait3A_509] : memref<2x64x128xf32, #tpu.memory_space<vmem>> -> memref<1x64x128xf32, #tpu.memory_space<vmem>>
    %dma_wait3A_511 = tpu.memref_squeeze %dma_wait3A_510 : memref<1x64x128xf32, #tpu.memory_space<vmem>> -> memref<64x128xf32, #tpu.memory_space<vmem>>
    %dma_wait3A_512 = arith.constant 0 : i32
    %dma_wait3A_513 = tpu.memref_slice %arg2[%shift_right_arithmetic3A_493, %dma_wait3A_512, %mul3A_499] : memref<64x64x8192xf32, #tpu.memory_space<hbm>> -> memref<1x64x128xf32, #tpu.memory_space<hbm>>
    %dma_wait3A_514 = tpu.memref_squeeze %dma_wait3A_513 : memref<1x64x128xf32, #tpu.memory_space<hbm>> -> memref<64x128xf32, #tpu.memory_space<hbm>>
    tpu.wait_dma2 semaphore(%arg9 : memref<!tpu.dma_semaphore, #tpu.memory_space<semaphore_mem>>) src(%dma_wait3A_514 : memref<64x128xf32, #tpu.memory_space<hbm>>) dst(%dma_wait3A_511 : memref<64x128xf32, #tpu.memory_space<vmem>>)
    %slice3A_515 = vector.extract_strided_slice %get3A_3 {offsets = [5], sizes = [1], strides = [1]} : vector<16xi32> to vector<1xi32>
    %squeeze3A_516 = vector.extract %slice3A_515[0] : i32 from vector<1xi32>
    %and3A_517 = arith.constant 127 : i32
    %and3A_518 = arith.andi %squeeze3A_516, %and3A_517 : i32
    %broadcast_in_dim3A_519 = vector.broadcast %and3A_518 : i32 to vector<16xi32>
    %broadcast_in_dim3A_520 = arith.constant 1 : i32
    %broadcast_in_dim3A_521 = vector.broadcast %broadcast_in_dim3A_520 : i32 to vector<16xi32>
    %add3A_522 = arith.constant 0 : i32
    %add3A_523 = vector.broadcast %add3A_522 : i32 to vector<16xi32>
    %add3A_524 = arith.addi %iota3A, %add3A_523 : vector<16xi32>
    %gather3A_525 = tpu.vector_load_idx %arg6[%broadcast_in_dim3A_521, %add3A_524, %broadcast_in_dim3A_519] : memref<2x64x128xf32, #tpu.memory_space<vmem>>[vector<16xi32>, vector<16xi32>, vector<16xi32>], vector<16xf32>,
    %swap3A_526 = arith.constant 5 : i32
    %swap3A_527 = arith.index_cast %swap3A_526 : i32 to index
    %swap3A_528 = arith.constant 0 : index
    %swap3A_529 = tpu.vector_load %arg7[%swap3A_527, %swap3A_528] {strides = array<i32>} : memref<16x64xf32, #tpu.memory_space<vmem>>, vector<16xf32>,
    tpu.vector_store %arg7[%swap3A_527, %swap3A_528], %gather3A_525 {strides = array<i32>} : memref<16x64xf32, #tpu.memory_space<vmem>>, vector<16xf32>,
    %add3A_530 = arith.constant 16 : i32
    %add3A_531 = vector.broadcast %add3A_530 : i32 to vector<16xi32>
    %add3A_532 = arith.addi %iota3A, %add3A_531 : vector<16xi32>
    %gather3A_533 = tpu.vector_load_idx %arg6[%broadcast_in_dim3A_521, %add3A_532, %broadcast_in_dim3A_519] : memref<2x64x128xf32, #tpu.memory_space<vmem>>[vector<16xi32>, vector<16xi32>, vector<16xi32>], vector<16xf32>,
    %swap3A_534 = arith.constant 5 : i32
    %swap3A_535 = arith.index_cast %swap3A_534 : i32 to index
    %swap3A_536 = arith.constant 16 : index
    %swap3A_537 = tpu.vector_load %arg7[%swap3A_535, %swap3A_536] {strides = array<i32>} : memref<16x64xf32, #tpu.memory_space<vmem>>, vector<16xf32>,
    tpu.vector_store %arg7[%swap3A_535, %swap3A_536], %gather3A_533 {strides = array<i32>} : memref<16x64xf32, #tpu.memory_space<vmem>>, vector<16xf32>,
    %add3A_538 = arith.constant 32 : i32
    %add3A_539 = vector.broadcast %add3A_538 : i32 to vector<16xi32>
    %add3A_540 = arith.addi %iota3A, %add3A_539 : vector<16xi32>
    %gather3A_541 = tpu.vector_load_idx %arg6[%broadcast_in_dim3A_521, %add3A_540, %broadcast_in_dim3A_519] : memref<2x64x128xf32, #tpu.memory_space<vmem>>[vector<16xi32>, vector<16xi32>, vector<16xi32>], vector<16xf32>,
    %swap3A_542 = arith.constant 5 : i32
    %swap3A_543 = arith.index_cast %swap3A_542 : i32 to index
    %swap3A_544 = arith.constant 32 : index
    %swap3A_545 = tpu.vector_load %arg7[%swap3A_543, %swap3A_544] {strides = array<i32>} : memref<16x64xf32, #tpu.memory_space<vmem>>, vector<16xf32>,
    tpu.vector_store %arg7[%swap3A_543, %swap3A_544], %gather3A_541 {strides = array<i32>} : memref<16x64xf32, #tpu.memory_space<vmem>>, vector<16xf32>,
    %add3A_546 = arith.constant 48 : i32
    %add3A_547 = vector.broadcast %add3A_546 : i32 to vector<16xi32>
    %add3A_548 = arith.addi %iota3A, %add3A_547 : vector<16xi32>
    %gather3A_549 = tpu.vector_load_idx %arg6[%broadcast_in_dim3A_521, %add3A_548, %broadcast_in_dim3A_519] : memref<2x64x128xf32, #tpu.memory_space<vmem>>[vector<16xi32>, vector<16xi32>, vector<16xi32>], vector<16xf32>,
    %swap3A_550 = arith.constant 5 : i32
    %swap3A_551 = arith.index_cast %swap3A_550 : i32 to index
    %swap3A_552 = arith.constant 48 : index
    %swap3A_553 = tpu.vector_load %arg7[%swap3A_551, %swap3A_552] {strides = array<i32>} : memref<16x64xf32, #tpu.memory_space<vmem>>, vector<16xf32>,
    tpu.vector_store %arg7[%swap3A_551, %swap3A_552], %gather3A_549 {strides = array<i32>} : memref<16x64xf32, #tpu.memory_space<vmem>>, vector<16xf32>,
    %slice3A_554 = vector.extract_strided_slice %get3A_3 {offsets = [7], sizes = [1], strides = [1]} : vector<16xi32> to vector<1xi32>
    %squeeze3A_555 = vector.extract %slice3A_554[0] : i32 from vector<1xi32>
    %shift_right_arithmetic3A_556 = arith.constant 13 : i32
    %shift_right_arithmetic3A_557 = arith.shrsi %squeeze3A_555, %shift_right_arithmetic3A_556 : i32
    %shift_right_arithmetic3A_558 = arith.constant 7 : i32
    %shift_right_arithmetic3A_559 = arith.shrsi %squeeze3A_555, %shift_right_arithmetic3A_558 : i32
    %and3A_560 = arith.constant 63 : i32
    %and3A_561 = arith.andi %shift_right_arithmetic3A_559, %and3A_560 : i32
    %mul3A_562 = arith.constant 128 : i32
    %mul3A_563 = arith.muli %and3A_561, %mul3A_562 : i32
    %dma_start3A_564 = arith.constant 1 : i32
    %dma_start3A_565 = arith.constant 0 : i32
    %dma_start3A_566 = arith.constant 0 : i32
    %dma_start3A_567 = tpu.memref_slice %arg6[%dma_start3A_564, %dma_start3A_565, %dma_start3A_566] : memref<2x64x128xf32, #tpu.memory_space<vmem>> -> memref<1x64x128xf32, #tpu.memory_space<vmem>>
    %dma_start3A_568 = tpu.memref_squeeze %dma_start3A_567 : memref<1x64x128xf32, #tpu.memory_space<vmem>> -> memref<64x128xf32, #tpu.memory_space<vmem>>
    %dma_start3A_569 = arith.constant 0 : i32
    %dma_start3A_570 = tpu.memref_slice %arg2[%shift_right_arithmetic3A_557, %dma_start3A_569, %mul3A_563] : memref<64x64x8192xf32, #tpu.memory_space<hbm>> -> memref<1x64x128xf32, #tpu.memory_space<hbm>>
    %dma_start3A_571 = tpu.memref_squeeze %dma_start3A_570 : memref<1x64x128xf32, #tpu.memory_space<hbm>> -> memref<64x128xf32, #tpu.memory_space<hbm>>
    %dma_start3A_572 = arith.constant 0 : i32
    %dma_start3A_573 = arith.constant 0 : i32
    %dma_start3A_574 = tpu.memref_slice %arg6[%dma_start3A_564, %dma_start3A_572, %dma_start3A_573] : memref<2x64x128xf32, #tpu.memory_space<vmem>> -> memref<1x64x128xf32, #tpu.memory_space<vmem>>
    %dma_start3A_575 = tpu.memref_squeeze %dma_start3A_574 : memref<1x64x128xf32, #tpu.memory_space<vmem>> -> memref<64x128xf32, #tpu.memory_space<vmem>>
    %dma_start3A_576 = arith.constant 0 : i32
    %dma_start3A_577 = tpu.memref_slice %arg2[%shift_right_arithmetic3A_557, %dma_start3A_576, %mul3A_563] : memref<64x64x8192xf32, #tpu.memory_space<hbm>> -> memref<1x64x128xf32, #tpu.memory_space<hbm>>
    %dma_start3A_578 = tpu.memref_squeeze %dma_start3A_577 : memref<1x64x128xf32, #tpu.memory_space<hbm>> -> memref<64x128xf32, #tpu.memory_space<hbm>>
    tpu.enqueue_dma source(%dma_start3A_578 : memref<64x128xf32, #tpu.memory_space<hbm>>) target(%dma_start3A_575 : memref<64x128xf32, #tpu.memory_space<vmem>>) target_semaphore(%arg9 : memref<!tpu.dma_semaphore, #tpu.memory_space<semaphore_mem>>)
    %slice3A_579 = vector.extract_strided_slice %get3A_3 {offsets = [6], sizes = [1], strides = [1]} : vector<16xi32> to vector<1xi32>
    %squeeze3A_580 = vector.extract %slice3A_579[0] : i32 from vector<1xi32>
    %shift_right_arithmetic3A_581 = arith.constant 13 : i32
    %shift_right_arithmetic3A_582 = arith.shrsi %squeeze3A_580, %shift_right_arithmetic3A_581 : i32
    %shift_right_arithmetic3A_583 = arith.constant 7 : i32
    %shift_right_arithmetic3A_584 = arith.shrsi %squeeze3A_580, %shift_right_arithmetic3A_583 : i32
    %and3A_585 = arith.constant 63 : i32
    %and3A_586 = arith.andi %shift_right_arithmetic3A_584, %and3A_585 : i32
    %mul3A_587 = arith.constant 128 : i32
    %mul3A_588 = arith.muli %and3A_586, %mul3A_587 : i32
    %dma_wait3A_589 = arith.constant 0 : i32
    %dma_wait3A_590 = arith.constant 0 : i32
    %dma_wait3A_591 = arith.constant 0 : i32
    %dma_wait3A_592 = tpu.memref_slice %arg6[%dma_wait3A_589, %dma_wait3A_590, %dma_wait3A_591] : memref<2x64x128xf32, #tpu.memory_space<vmem>> -> memref<1x64x128xf32, #tpu.memory_space<vmem>>
    %dma_wait3A_593 = tpu.memref_squeeze %dma_wait3A_592 : memref<1x64x128xf32, #tpu.memory_space<vmem>> -> memref<64x128xf32, #tpu.memory_space<vmem>>
    %dma_wait3A_594 = arith.constant 0 : i32
    %dma_wait3A_595 = tpu.memref_slice %arg2[%shift_right_arithmetic3A_582, %dma_wait3A_594, %mul3A_588] : memref<64x64x8192xf32, #tpu.memory_space<hbm>> -> memref<1x64x128xf32, #tpu.memory_space<hbm>>
    %dma_wait3A_596 = tpu.memref_squeeze %dma_wait3A_595 : memref<1x64x128xf32, #tpu.memory_space<hbm>> -> memref<64x128xf32, #tpu.memory_space<hbm>>
    %dma_wait3A_597 = arith.constant 0 : i32
    %dma_wait3A_598 = arith.constant 0 : i32
    %dma_wait3A_599 = tpu.memref_slice %arg6[%dma_wait3A_589, %dma_wait3A_597, %dma_wait3A_598] : memref<2x64x128xf32, #tpu.memory_space<vmem>> -> memref<1x64x128xf32, #tpu.memory_space<vmem>>
    %dma_wait3A_600 = tpu.memref_squeeze %dma_wait3A_599 : memref<1x64x128xf32, #tpu.memory_space<vmem>> -> memref<64x128xf32, #tpu.memory_space<vmem>>
    %dma_wait3A_601 = arith.constant 0 : i32
    %dma_wait3A_602 = tpu.memref_slice %arg2[%shift_right_arithmetic3A_582, %dma_wait3A_601, %mul3A_588] : memref<64x64x8192xf32, #tpu.memory_space<hbm>> -> memref<1x64x128xf32, #tpu.memory_space<hbm>>
    %dma_wait3A_603 = tpu.memref_squeeze %dma_wait3A_602 : memref<1x64x128xf32, #tpu.memory_space<hbm>> -> memref<64x128xf32, #tpu.memory_space<hbm>>
    tpu.wait_dma2 semaphore(%arg8 : memref<!tpu.dma_semaphore, #tpu.memory_space<semaphore_mem>>) src(%dma_wait3A_603 : memref<64x128xf32, #tpu.memory_space<hbm>>) dst(%dma_wait3A_600 : memref<64x128xf32, #tpu.memory_space<vmem>>)
    %slice3A_604 = vector.extract_strided_slice %get3A_3 {offsets = [6], sizes = [1], strides = [1]} : vector<16xi32> to vector<1xi32>
    %squeeze3A_605 = vector.extract %slice3A_604[0] : i32 from vector<1xi32>
    %and3A_606 = arith.constant 127 : i32
    %and3A_607 = arith.andi %squeeze3A_605, %and3A_606 : i32
    %broadcast_in_dim3A_608 = vector.broadcast %and3A_607 : i32 to vector<16xi32>
    %broadcast_in_dim3A_609 = arith.constant 0 : i32
    %broadcast_in_dim3A_610 = vector.broadcast %broadcast_in_dim3A_609 : i32 to vector<16xi32>
    %add3A_611 = arith.constant 0 : i32
    %add3A_612 = vector.broadcast %add3A_611 : i32 to vector<16xi32>
    %add3A_613 = arith.addi %iota3A, %add3A_612 : vector<16xi32>
    %gather3A_614 = tpu.vector_load_idx %arg6[%broadcast_in_dim3A_610, %add3A_613, %broadcast_in_dim3A_608] : memref<2x64x128xf32, #tpu.memory_space<vmem>>[vector<16xi32>, vector<16xi32>, vector<16xi32>], vector<16xf32>,
    %swap3A_615 = arith.constant 6 : i32
    %swap3A_616 = arith.index_cast %swap3A_615 : i32 to index
    %swap3A_617 = arith.constant 0 : index
    %swap3A_618 = tpu.vector_load %arg7[%swap3A_616, %swap3A_617] {strides = array<i32>} : memref<16x64xf32, #tpu.memory_space<vmem>>, vector<16xf32>,
    tpu.vector_store %arg7[%swap3A_616, %swap3A_617], %gather3A_614 {strides = array<i32>} : memref<16x64xf32, #tpu.memory_space<vmem>>, vector<16xf32>,
    %add3A_619 = arith.constant 16 : i32
    %add3A_620 = vector.broadcast %add3A_619 : i32 to vector<16xi32>
    %add3A_621 = arith.addi %iota3A, %add3A_620 : vector<16xi32>
    %gather3A_622 = tpu.vector_load_idx %arg6[%broadcast_in_dim3A_610, %add3A_621, %broadcast_in_dim3A_608] : memref<2x64x128xf32, #tpu.memory_space<vmem>>[vector<16xi32>, vector<16xi32>, vector<16xi32>], vector<16xf32>,
    %swap3A_623 = arith.constant 6 : i32
    %swap3A_624 = arith.index_cast %swap3A_623 : i32 to index
    %swap3A_625 = arith.constant 16 : index
    %swap3A_626 = tpu.vector_load %arg7[%swap3A_624, %swap3A_625] {strides = array<i32>} : memref<16x64xf32, #tpu.memory_space<vmem>>, vector<16xf32>,
    tpu.vector_store %arg7[%swap3A_624, %swap3A_625], %gather3A_622 {strides = array<i32>} : memref<16x64xf32, #tpu.memory_space<vmem>>, vector<16xf32>,
    %add3A_627 = arith.constant 32 : i32
    %add3A_628 = vector.broadcast %add3A_627 : i32 to vector<16xi32>
    %add3A_629 = arith.addi %iota3A, %add3A_628 : vector<16xi32>
    %gather3A_630 = tpu.vector_load_idx %arg6[%broadcast_in_dim3A_610, %add3A_629, %broadcast_in_dim3A_608] : memref<2x64x128xf32, #tpu.memory_space<vmem>>[vector<16xi32>, vector<16xi32>, vector<16xi32>], vector<16xf32>,
    %swap3A_631 = arith.constant 6 : i32
    %swap3A_632 = arith.index_cast %swap3A_631 : i32 to index
    %swap3A_633 = arith.constant 32 : index
    %swap3A_634 = tpu.vector_load %arg7[%swap3A_632, %swap3A_633] {strides = array<i32>} : memref<16x64xf32, #tpu.memory_space<vmem>>, vector<16xf32>,
    tpu.vector_store %arg7[%swap3A_632, %swap3A_633], %gather3A_630 {strides = array<i32>} : memref<16x64xf32, #tpu.memory_space<vmem>>, vector<16xf32>,
    %add3A_635 = arith.constant 48 : i32
    %add3A_636 = vector.broadcast %add3A_635 : i32 to vector<16xi32>
    %add3A_637 = arith.addi %iota3A, %add3A_636 : vector<16xi32>
    %gather3A_638 = tpu.vector_load_idx %arg6[%broadcast_in_dim3A_610, %add3A_637, %broadcast_in_dim3A_608] : memref<2x64x128xf32, #tpu.memory_space<vmem>>[vector<16xi32>, vector<16xi32>, vector<16xi32>], vector<16xf32>,
    %swap3A_639 = arith.constant 6 : i32
    %swap3A_640 = arith.index_cast %swap3A_639 : i32 to index
    %swap3A_641 = arith.constant 48 : index
    %swap3A_642 = tpu.vector_load %arg7[%swap3A_640, %swap3A_641] {strides = array<i32>} : memref<16x64xf32, #tpu.memory_space<vmem>>, vector<16xf32>,
    tpu.vector_store %arg7[%swap3A_640, %swap3A_641], %gather3A_638 {strides = array<i32>} : memref<16x64xf32, #tpu.memory_space<vmem>>, vector<16xf32>,
    %slice3A_643 = vector.extract_strided_slice %get3A_3 {offsets = [8], sizes = [1], strides = [1]} : vector<16xi32> to vector<1xi32>
    %squeeze3A_644 = vector.extract %slice3A_643[0] : i32 from vector<1xi32>
    %shift_right_arithmetic3A_645 = arith.constant 13 : i32
    %shift_right_arithmetic3A_646 = arith.shrsi %squeeze3A_644, %shift_right_arithmetic3A_645 : i32
    %shift_right_arithmetic3A_647 = arith.constant 7 : i32
    %shift_right_arithmetic3A_648 = arith.shrsi %squeeze3A_644, %shift_right_arithmetic3A_647 : i32
    %and3A_649 = arith.constant 63 : i32
    %and3A_650 = arith.andi %shift_right_arithmetic3A_648, %and3A_649 : i32
    %mul3A_651 = arith.constant 128 : i32
    %mul3A_652 = arith.muli %and3A_650, %mul3A_651 : i32
    %dma_start3A_653 = arith.constant 0 : i32
    %dma_start3A_654 = arith.constant 0 : i32
    %dma_start3A_655 = arith.constant 0 : i32
    %dma_start3A_656 = tpu.memref_slice %arg6[%dma_start3A_653, %dma_start3A_654, %dma_start3A_655] : memref<2x64x128xf32, #tpu.memory_space<vmem>> -> memref<1x64x128xf32, #tpu.memory_space<vmem>>
    %dma_start3A_657 = tpu.memref_squeeze %dma_start3A_656 : memref<1x64x128xf32, #tpu.memory_space<vmem>> -> memref<64x128xf32, #tpu.memory_space<vmem>>
    %dma_start3A_658 = arith.constant 0 : i32
    %dma_start3A_659 = tpu.memref_slice %arg2[%shift_right_arithmetic3A_646, %dma_start3A_658, %mul3A_652] : memref<64x64x8192xf32, #tpu.memory_space<hbm>> -> memref<1x64x128xf32, #tpu.memory_space<hbm>>
    %dma_start3A_660 = tpu.memref_squeeze %dma_start3A_659 : memref<1x64x128xf32, #tpu.memory_space<hbm>> -> memref<64x128xf32, #tpu.memory_space<hbm>>
    %dma_start3A_661 = arith.constant 0 : i32
    %dma_start3A_662 = arith.constant 0 : i32
    %dma_start3A_663 = tpu.memref_slice %arg6[%dma_start3A_653, %dma_start3A_661, %dma_start3A_662] : memref<2x64x128xf32, #tpu.memory_space<vmem>> -> memref<1x64x128xf32, #tpu.memory_space<vmem>>
    %dma_start3A_664 = tpu.memref_squeeze %dma_start3A_663 : memref<1x64x128xf32, #tpu.memory_space<vmem>> -> memref<64x128xf32, #tpu.memory_space<vmem>>
    %dma_start3A_665 = arith.constant 0 : i32
    %dma_start3A_666 = tpu.memref_slice %arg2[%shift_right_arithmetic3A_646, %dma_start3A_665, %mul3A_652] : memref<64x64x8192xf32, #tpu.memory_space<hbm>> -> memref<1x64x128xf32, #tpu.memory_space<hbm>>
    %dma_start3A_667 = tpu.memref_squeeze %dma_start3A_666 : memref<1x64x128xf32, #tpu.memory_space<hbm>> -> memref<64x128xf32, #tpu.memory_space<hbm>>
    tpu.enqueue_dma source(%dma_start3A_667 : memref<64x128xf32, #tpu.memory_space<hbm>>) target(%dma_start3A_664 : memref<64x128xf32, #tpu.memory_space<vmem>>) target_semaphore(%arg8 : memref<!tpu.dma_semaphore, #tpu.memory_space<semaphore_mem>>)
    %slice3A_668 = vector.extract_strided_slice %get3A_3 {offsets = [7], sizes = [1], strides = [1]} : vector<16xi32> to vector<1xi32>
    %squeeze3A_669 = vector.extract %slice3A_668[0] : i32 from vector<1xi32>
    %shift_right_arithmetic3A_670 = arith.constant 13 : i32
    %shift_right_arithmetic3A_671 = arith.shrsi %squeeze3A_669, %shift_right_arithmetic3A_670 : i32
    %shift_right_arithmetic3A_672 = arith.constant 7 : i32
    %shift_right_arithmetic3A_673 = arith.shrsi %squeeze3A_669, %shift_right_arithmetic3A_672 : i32
    %and3A_674 = arith.constant 63 : i32
    %and3A_675 = arith.andi %shift_right_arithmetic3A_673, %and3A_674 : i32
    %mul3A_676 = arith.constant 128 : i32
    %mul3A_677 = arith.muli %and3A_675, %mul3A_676 : i32
    %dma_wait3A_678 = arith.constant 1 : i32
    %dma_wait3A_679 = arith.constant 0 : i32
    %dma_wait3A_680 = arith.constant 0 : i32
    %dma_wait3A_681 = tpu.memref_slice %arg6[%dma_wait3A_678, %dma_wait3A_679, %dma_wait3A_680] : memref<2x64x128xf32, #tpu.memory_space<vmem>> -> memref<1x64x128xf32, #tpu.memory_space<vmem>>
    %dma_wait3A_682 = tpu.memref_squeeze %dma_wait3A_681 : memref<1x64x128xf32, #tpu.memory_space<vmem>> -> memref<64x128xf32, #tpu.memory_space<vmem>>
    %dma_wait3A_683 = arith.constant 0 : i32
    %dma_wait3A_684 = tpu.memref_slice %arg2[%shift_right_arithmetic3A_671, %dma_wait3A_683, %mul3A_677] : memref<64x64x8192xf32, #tpu.memory_space<hbm>> -> memref<1x64x128xf32, #tpu.memory_space<hbm>>
    %dma_wait3A_685 = tpu.memref_squeeze %dma_wait3A_684 : memref<1x64x128xf32, #tpu.memory_space<hbm>> -> memref<64x128xf32, #tpu.memory_space<hbm>>
    %dma_wait3A_686 = arith.constant 0 : i32
    %dma_wait3A_687 = arith.constant 0 : i32
    %dma_wait3A_688 = tpu.memref_slice %arg6[%dma_wait3A_678, %dma_wait3A_686, %dma_wait3A_687] : memref<2x64x128xf32, #tpu.memory_space<vmem>> -> memref<1x64x128xf32, #tpu.memory_space<vmem>>
    %dma_wait3A_689 = tpu.memref_squeeze %dma_wait3A_688 : memref<1x64x128xf32, #tpu.memory_space<vmem>> -> memref<64x128xf32, #tpu.memory_space<vmem>>
    %dma_wait3A_690 = arith.constant 0 : i32
    %dma_wait3A_691 = tpu.memref_slice %arg2[%shift_right_arithmetic3A_671, %dma_wait3A_690, %mul3A_677] : memref<64x64x8192xf32, #tpu.memory_space<hbm>> -> memref<1x64x128xf32, #tpu.memory_space<hbm>>
    %dma_wait3A_692 = tpu.memref_squeeze %dma_wait3A_691 : memref<1x64x128xf32, #tpu.memory_space<hbm>> -> memref<64x128xf32, #tpu.memory_space<hbm>>
    tpu.wait_dma2 semaphore(%arg9 : memref<!tpu.dma_semaphore, #tpu.memory_space<semaphore_mem>>) src(%dma_wait3A_692 : memref<64x128xf32, #tpu.memory_space<hbm>>) dst(%dma_wait3A_689 : memref<64x128xf32, #tpu.memory_space<vmem>>)
    %slice3A_693 = vector.extract_strided_slice %get3A_3 {offsets = [7], sizes = [1], strides = [1]} : vector<16xi32> to vector<1xi32>
    %squeeze3A_694 = vector.extract %slice3A_693[0] : i32 from vector<1xi32>
    %and3A_695 = arith.constant 127 : i32
    %and3A_696 = arith.andi %squeeze3A_694, %and3A_695 : i32
    %broadcast_in_dim3A_697 = vector.broadcast %and3A_696 : i32 to vector<16xi32>
    %broadcast_in_dim3A_698 = arith.constant 1 : i32
    %broadcast_in_dim3A_699 = vector.broadcast %broadcast_in_dim3A_698 : i32 to vector<16xi32>
    %add3A_700 = arith.constant 0 : i32
    %add3A_701 = vector.broadcast %add3A_700 : i32 to vector<16xi32>
    %add3A_702 = arith.addi %iota3A, %add3A_701 : vector<16xi32>
    %gather3A_703 = tpu.vector_load_idx %arg6[%broadcast_in_dim3A_699, %add3A_702, %broadcast_in_dim3A_697] : memref<2x64x128xf32, #tpu.memory_space<vmem>>[vector<16xi32>, vector<16xi32>, vector<16xi32>], vector<16xf32>,
    %swap3A_704 = arith.constant 7 : i32
    %swap3A_705 = arith.index_cast %swap3A_704 : i32 to index
    %swap3A_706 = arith.constant 0 : index
    %swap3A_707 = tpu.vector_load %arg7[%swap3A_705, %swap3A_706] {strides = array<i32>} : memref<16x64xf32, #tpu.memory_space<vmem>>, vector<16xf32>,
    tpu.vector_store %arg7[%swap3A_705, %swap3A_706], %gather3A_703 {strides = array<i32>} : memref<16x64xf32, #tpu.memory_space<vmem>>, vector<16xf32>,
    %add3A_708 = arith.constant 16 : i32
    %add3A_709 = vector.broadcast %add3A_708 : i32 to vector<16xi32>
    %add3A_710 = arith.addi %iota3A, %add3A_709 : vector<16xi32>
    %gather3A_711 = tpu.vector_load_idx %arg6[%broadcast_in_dim3A_699, %add3A_710, %broadcast_in_dim3A_697] : memref<2x64x128xf32, #tpu.memory_space<vmem>>[vector<16xi32>, vector<16xi32>, vector<16xi32>], vector<16xf32>,
    %swap3A_712 = arith.constant 7 : i32
    %swap3A_713 = arith.index_cast %swap3A_712 : i32 to index
    %swap3A_714 = arith.constant 16 : index
    %swap3A_715 = tpu.vector_load %arg7[%swap3A_713, %swap3A_714] {strides = array<i32>} : memref<16x64xf32, #tpu.memory_space<vmem>>, vector<16xf32>,
    tpu.vector_store %arg7[%swap3A_713, %swap3A_714], %gather3A_711 {strides = array<i32>} : memref<16x64xf32, #tpu.memory_space<vmem>>, vector<16xf32>,
    %add3A_716 = arith.constant 32 : i32
    %add3A_717 = vector.broadcast %add3A_716 : i32 to vector<16xi32>
    %add3A_718 = arith.addi %iota3A, %add3A_717 : vector<16xi32>
    %gather3A_719 = tpu.vector_load_idx %arg6[%broadcast_in_dim3A_699, %add3A_718, %broadcast_in_dim3A_697] : memref<2x64x128xf32, #tpu.memory_space<vmem>>[vector<16xi32>, vector<16xi32>, vector<16xi32>], vector<16xf32>,
    %swap3A_720 = arith.constant 7 : i32
    %swap3A_721 = arith.index_cast %swap3A_720 : i32 to index
    %swap3A_722 = arith.constant 32 : index
    %swap3A_723 = tpu.vector_load %arg7[%swap3A_721, %swap3A_722] {strides = array<i32>} : memref<16x64xf32, #tpu.memory_space<vmem>>, vector<16xf32>,
    tpu.vector_store %arg7[%swap3A_721, %swap3A_722], %gather3A_719 {strides = array<i32>} : memref<16x64xf32, #tpu.memory_space<vmem>>, vector<16xf32>,
    %add3A_724 = arith.constant 48 : i32
    %add3A_725 = vector.broadcast %add3A_724 : i32 to vector<16xi32>
    %add3A_726 = arith.addi %iota3A, %add3A_725 : vector<16xi32>
    %gather3A_727 = tpu.vector_load_idx %arg6[%broadcast_in_dim3A_699, %add3A_726, %broadcast_in_dim3A_697] : memref<2x64x128xf32, #tpu.memory_space<vmem>>[vector<16xi32>, vector<16xi32>, vector<16xi32>], vector<16xf32>,
    %swap3A_728 = arith.constant 7 : i32
    %swap3A_729 = arith.index_cast %swap3A_728 : i32 to index
    %swap3A_730 = arith.constant 48 : index
    %swap3A_731 = tpu.vector_load %arg7[%swap3A_729, %swap3A_730] {strides = array<i32>} : memref<16x64xf32, #tpu.memory_space<vmem>>, vector<16xf32>,
    tpu.vector_store %arg7[%swap3A_729, %swap3A_730], %gather3A_727 {strides = array<i32>} : memref<16x64xf32, #tpu.memory_space<vmem>>, vector<16xf32>,
    %slice3A_732 = vector.extract_strided_slice %get3A_3 {offsets = [9], sizes = [1], strides = [1]} : vector<16xi32> to vector<1xi32>
    %squeeze3A_733 = vector.extract %slice3A_732[0] : i32 from vector<1xi32>
    %shift_right_arithmetic3A_734 = arith.constant 13 : i32
    %shift_right_arithmetic3A_735 = arith.shrsi %squeeze3A_733, %shift_right_arithmetic3A_734 : i32
    %shift_right_arithmetic3A_736 = arith.constant 7 : i32
    %shift_right_arithmetic3A_737 = arith.shrsi %squeeze3A_733, %shift_right_arithmetic3A_736 : i32
    %and3A_738 = arith.constant 63 : i32
    %and3A_739 = arith.andi %shift_right_arithmetic3A_737, %and3A_738 : i32
    %mul3A_740 = arith.constant 128 : i32
    %mul3A_741 = arith.muli %and3A_739, %mul3A_740 : i32
    %dma_start3A_742 = arith.constant 1 : i32
    %dma_start3A_743 = arith.constant 0 : i32
    %dma_start3A_744 = arith.constant 0 : i32
    %dma_start3A_745 = tpu.memref_slice %arg6[%dma_start3A_742, %dma_start3A_743, %dma_start3A_744] : memref<2x64x128xf32, #tpu.memory_space<vmem>> -> memref<1x64x128xf32, #tpu.memory_space<vmem>>
    %dma_start3A_746 = tpu.memref_squeeze %dma_start3A_745 : memref<1x64x128xf32, #tpu.memory_space<vmem>> -> memref<64x128xf32, #tpu.memory_space<vmem>>
    %dma_start3A_747 = arith.constant 0 : i32
    %dma_start3A_748 = tpu.memref_slice %arg2[%shift_right_arithmetic3A_735, %dma_start3A_747, %mul3A_741] : memref<64x64x8192xf32, #tpu.memory_space<hbm>> -> memref<1x64x128xf32, #tpu.memory_space<hbm>>
    %dma_start3A_749 = tpu.memref_squeeze %dma_start3A_748 : memref<1x64x128xf32, #tpu.memory_space<hbm>> -> memref<64x128xf32, #tpu.memory_space<hbm>>
    %dma_start3A_750 = arith.constant 0 : i32
    %dma_start3A_751 = arith.constant 0 : i32
    %dma_start3A_752 = tpu.memref_slice %arg6[%dma_start3A_742, %dma_start3A_750, %dma_start3A_751] : memref<2x64x128xf32, #tpu.memory_space<vmem>> -> memref<1x64x128xf32, #tpu.memory_space<vmem>>
    %dma_start3A_753 = tpu.memref_squeeze %dma_start3A_752 : memref<1x64x128xf32, #tpu.memory_space<vmem>> -> memref<64x128xf32, #tpu.memory_space<vmem>>
    %dma_start3A_754 = arith.constant 0 : i32
    %dma_start3A_755 = tpu.memref_slice %arg2[%shift_right_arithmetic3A_735, %dma_start3A_754, %mul3A_741] : memref<64x64x8192xf32, #tpu.memory_space<hbm>> -> memref<1x64x128xf32, #tpu.memory_space<hbm>>
    %dma_start3A_756 = tpu.memref_squeeze %dma_start3A_755 : memref<1x64x128xf32, #tpu.memory_space<hbm>> -> memref<64x128xf32, #tpu.memory_space<hbm>>
    tpu.enqueue_dma source(%dma_start3A_756 : memref<64x128xf32, #tpu.memory_space<hbm>>) target(%dma_start3A_753 : memref<64x128xf32, #tpu.memory_space<vmem>>) target_semaphore(%arg9 : memref<!tpu.dma_semaphore, #tpu.memory_space<semaphore_mem>>)
    %slice3A_757 = vector.extract_strided_slice %get3A_3 {offsets = [8], sizes = [1], strides = [1]} : vector<16xi32> to vector<1xi32>
    %squeeze3A_758 = vector.extract %slice3A_757[0] : i32 from vector<1xi32>
    %shift_right_arithmetic3A_759 = arith.constant 13 : i32
    %shift_right_arithmetic3A_760 = arith.shrsi %squeeze3A_758, %shift_right_arithmetic3A_759 : i32
    %shift_right_arithmetic3A_761 = arith.constant 7 : i32
    %shift_right_arithmetic3A_762 = arith.shrsi %squeeze3A_758, %shift_right_arithmetic3A_761 : i32
    %and3A_763 = arith.constant 63 : i32
    %and3A_764 = arith.andi %shift_right_arithmetic3A_762, %and3A_763 : i32
    %mul3A_765 = arith.constant 128 : i32
    %mul3A_766 = arith.muli %and3A_764, %mul3A_765 : i32
    %dma_wait3A_767 = arith.constant 0 : i32
    %dma_wait3A_768 = arith.constant 0 : i32
    %dma_wait3A_769 = arith.constant 0 : i32
    %dma_wait3A_770 = tpu.memref_slice %arg6[%dma_wait3A_767, %dma_wait3A_768, %dma_wait3A_769] : memref<2x64x128xf32, #tpu.memory_space<vmem>> -> memref<1x64x128xf32, #tpu.memory_space<vmem>>
    %dma_wait3A_771 = tpu.memref_squeeze %dma_wait3A_770 : memref<1x64x128xf32, #tpu.memory_space<vmem>> -> memref<64x128xf32, #tpu.memory_space<vmem>>
    %dma_wait3A_772 = arith.constant 0 : i32
    %dma_wait3A_773 = tpu.memref_slice %arg2[%shift_right_arithmetic3A_760, %dma_wait3A_772, %mul3A_766] : memref<64x64x8192xf32, #tpu.memory_space<hbm>> -> memref<1x64x128xf32, #tpu.memory_space<hbm>>
    %dma_wait3A_774 = tpu.memref_squeeze %dma_wait3A_773 : memref<1x64x128xf32, #tpu.memory_space<hbm>> -> memref<64x128xf32, #tpu.memory_space<hbm>>
    %dma_wait3A_775 = arith.constant 0 : i32
    %dma_wait3A_776 = arith.constant 0 : i32
    %dma_wait3A_777 = tpu.memref_slice %arg6[%dma_wait3A_767, %dma_wait3A_775, %dma_wait3A_776] : memref<2x64x128xf32, #tpu.memory_space<vmem>> -> memref<1x64x128xf32, #tpu.memory_space<vmem>>
    %dma_wait3A_778 = tpu.memref_squeeze %dma_wait3A_777 : memref<1x64x128xf32, #tpu.memory_space<vmem>> -> memref<64x128xf32, #tpu.memory_space<vmem>>
    %dma_wait3A_779 = arith.constant 0 : i32
    %dma_wait3A_780 = tpu.memref_slice %arg2[%shift_right_arithmetic3A_760, %dma_wait3A_779, %mul3A_766] : memref<64x64x8192xf32, #tpu.memory_space<hbm>> -> memref<1x64x128xf32, #tpu.memory_space<hbm>>
    %dma_wait3A_781 = tpu.memref_squeeze %dma_wait3A_780 : memref<1x64x128xf32, #tpu.memory_space<hbm>> -> memref<64x128xf32, #tpu.memory_space<hbm>>
    tpu.wait_dma2 semaphore(%arg8 : memref<!tpu.dma_semaphore, #tpu.memory_space<semaphore_mem>>) src(%dma_wait3A_781 : memref<64x128xf32, #tpu.memory_space<hbm>>) dst(%dma_wait3A_778 : memref<64x128xf32, #tpu.memory_space<vmem>>)
    %slice3A_782 = vector.extract_strided_slice %get3A_3 {offsets = [8], sizes = [1], strides = [1]} : vector<16xi32> to vector<1xi32>
    %squeeze3A_783 = vector.extract %slice3A_782[0] : i32 from vector<1xi32>
    %and3A_784 = arith.constant 127 : i32
    %and3A_785 = arith.andi %squeeze3A_783, %and3A_784 : i32
    %broadcast_in_dim3A_786 = vector.broadcast %and3A_785 : i32 to vector<16xi32>
    %broadcast_in_dim3A_787 = arith.constant 0 : i32
    %broadcast_in_dim3A_788 = vector.broadcast %broadcast_in_dim3A_787 : i32 to vector<16xi32>
    %add3A_789 = arith.constant 0 : i32
    %add3A_790 = vector.broadcast %add3A_789 : i32 to vector<16xi32>
    %add3A_791 = arith.addi %iota3A, %add3A_790 : vector<16xi32>
    %gather3A_792 = tpu.vector_load_idx %arg6[%broadcast_in_dim3A_788, %add3A_791, %broadcast_in_dim3A_786] : memref<2x64x128xf32, #tpu.memory_space<vmem>>[vector<16xi32>, vector<16xi32>, vector<16xi32>], vector<16xf32>,
    %swap3A_793 = arith.constant 8 : i32
    %swap3A_794 = arith.index_cast %swap3A_793 : i32 to index
    %swap3A_795 = arith.constant 0 : index
    %swap3A_796 = tpu.vector_load %arg7[%swap3A_794, %swap3A_795] {strides = array<i32>} : memref<16x64xf32, #tpu.memory_space<vmem>>, vector<16xf32>,
    tpu.vector_store %arg7[%swap3A_794, %swap3A_795], %gather3A_792 {strides = array<i32>} : memref<16x64xf32, #tpu.memory_space<vmem>>, vector<16xf32>,
    %add3A_797 = arith.constant 16 : i32
    %add3A_798 = vector.broadcast %add3A_797 : i32 to vector<16xi32>
    %add3A_799 = arith.addi %iota3A, %add3A_798 : vector<16xi32>
    %gather3A_800 = tpu.vector_load_idx %arg6[%broadcast_in_dim3A_788, %add3A_799, %broadcast_in_dim3A_786] : memref<2x64x128xf32, #tpu.memory_space<vmem>>[vector<16xi32>, vector<16xi32>, vector<16xi32>], vector<16xf32>,
    %swap3A_801 = arith.constant 8 : i32
    %swap3A_802 = arith.index_cast %swap3A_801 : i32 to index
    %swap3A_803 = arith.constant 16 : index
    %swap3A_804 = tpu.vector_load %arg7[%swap3A_802, %swap3A_803] {strides = array<i32>} : memref<16x64xf32, #tpu.memory_space<vmem>>, vector<16xf32>,
    tpu.vector_store %arg7[%swap3A_802, %swap3A_803], %gather3A_800 {strides = array<i32>} : memref<16x64xf32, #tpu.memory_space<vmem>>, vector<16xf32>,
    %add3A_805 = arith.constant 32 : i32
    %add3A_806 = vector.broadcast %add3A_805 : i32 to vector<16xi32>
    %add3A_807 = arith.addi %iota3A, %add3A_806 : vector<16xi32>
    %gather3A_808 = tpu.vector_load_idx %arg6[%broadcast_in_dim3A_788, %add3A_807, %broadcast_in_dim3A_786] : memref<2x64x128xf32, #tpu.memory_space<vmem>>[vector<16xi32>, vector<16xi32>, vector<16xi32>], vector<16xf32>,
    %swap3A_809 = arith.constant 8 : i32
    %swap3A_810 = arith.index_cast %swap3A_809 : i32 to index
    %swap3A_811 = arith.constant 32 : index
    %swap3A_812 = tpu.vector_load %arg7[%swap3A_810, %swap3A_811] {strides = array<i32>} : memref<16x64xf32, #tpu.memory_space<vmem>>, vector<16xf32>,
    tpu.vector_store %arg7[%swap3A_810, %swap3A_811], %gather3A_808 {strides = array<i32>} : memref<16x64xf32, #tpu.memory_space<vmem>>, vector<16xf32>,
    %add3A_813 = arith.constant 48 : i32
    %add3A_814 = vector.broadcast %add3A_813 : i32 to vector<16xi32>
    %add3A_815 = arith.addi %iota3A, %add3A_814 : vector<16xi32>
    %gather3A_816 = tpu.vector_load_idx %arg6[%broadcast_in_dim3A_788, %add3A_815, %broadcast_in_dim3A_786] : memref<2x64x128xf32, #tpu.memory_space<vmem>>[vector<16xi32>, vector<16xi32>, vector<16xi32>], vector<16xf32>,
    %swap3A_817 = arith.constant 8 : i32
    %swap3A_818 = arith.index_cast %swap3A_817 : i32 to index
    %swap3A_819 = arith.constant 48 : index
    %swap3A_820 = tpu.vector_load %arg7[%swap3A_818, %swap3A_819] {strides = array<i32>} : memref<16x64xf32, #tpu.memory_space<vmem>>, vector<16xf32>,
    tpu.vector_store %arg7[%swap3A_818, %swap3A_819], %gather3A_816 {strides = array<i32>} : memref<16x64xf32, #tpu.memory_space<vmem>>, vector<16xf32>,
    %slice3A_821 = vector.extract_strided_slice %get3A_3 {offsets = [10], sizes = [1], strides = [1]} : vector<16xi32> to vector<1xi32>
    %squeeze3A_822 = vector.extract %slice3A_821[0] : i32 from vector<1xi32>
    %shift_right_arithmetic3A_823 = arith.constant 13 : i32
    %shift_right_arithmetic3A_824 = arith.shrsi %squeeze3A_822, %shift_right_arithmetic3A_823 : i32
    %shift_right_arithmetic3A_825 = arith.constant 7 : i32
    %shift_right_arithmetic3A_826 = arith.shrsi %squeeze3A_822, %shift_right_arithmetic3A_825 : i32
    %and3A_827 = arith.constant 63 : i32
    %and3A_828 = arith.andi %shift_right_arithmetic3A_826, %and3A_827 : i32
    %mul3A_829 = arith.constant 128 : i32
    %mul3A_830 = arith.muli %and3A_828, %mul3A_829 : i32
    %dma_start3A_831 = arith.constant 0 : i32
    %dma_start3A_832 = arith.constant 0 : i32
    %dma_start3A_833 = arith.constant 0 : i32
    %dma_start3A_834 = tpu.memref_slice %arg6[%dma_start3A_831, %dma_start3A_832, %dma_start3A_833] : memref<2x64x128xf32, #tpu.memory_space<vmem>> -> memref<1x64x128xf32, #tpu.memory_space<vmem>>
    %dma_start3A_835 = tpu.memref_squeeze %dma_start3A_834 : memref<1x64x128xf32, #tpu.memory_space<vmem>> -> memref<64x128xf32, #tpu.memory_space<vmem>>
    %dma_start3A_836 = arith.constant 0 : i32
    %dma_start3A_837 = tpu.memref_slice %arg2[%shift_right_arithmetic3A_824, %dma_start3A_836, %mul3A_830] : memref<64x64x8192xf32, #tpu.memory_space<hbm>> -> memref<1x64x128xf32, #tpu.memory_space<hbm>>
    %dma_start3A_838 = tpu.memref_squeeze %dma_start3A_837 : memref<1x64x128xf32, #tpu.memory_space<hbm>> -> memref<64x128xf32, #tpu.memory_space<hbm>>
    %dma_start3A_839 = arith.constant 0 : i32
    %dma_start3A_840 = arith.constant 0 : i32
    %dma_start3A_841 = tpu.memref_slice %arg6[%dma_start3A_831, %dma_start3A_839, %dma_start3A_840] : memref<2x64x128xf32, #tpu.memory_space<vmem>> -> memref<1x64x128xf32, #tpu.memory_space<vmem>>
    %dma_start3A_842 = tpu.memref_squeeze %dma_start3A_841 : memref<1x64x128xf32, #tpu.memory_space<vmem>> -> memref<64x128xf32, #tpu.memory_space<vmem>>
    %dma_start3A_843 = arith.constant 0 : i32
    %dma_start3A_844 = tpu.memref_slice %arg2[%shift_right_arithmetic3A_824, %dma_start3A_843, %mul3A_830] : memref<64x64x8192xf32, #tpu.memory_space<hbm>> -> memref<1x64x128xf32, #tpu.memory_space<hbm>>
    %dma_start3A_845 = tpu.memref_squeeze %dma_start3A_844 : memref<1x64x128xf32, #tpu.memory_space<hbm>> -> memref<64x128xf32, #tpu.memory_space<hbm>>
    tpu.enqueue_dma source(%dma_start3A_845 : memref<64x128xf32, #tpu.memory_space<hbm>>) target(%dma_start3A_842 : memref<64x128xf32, #tpu.memory_space<vmem>>) target_semaphore(%arg8 : memref<!tpu.dma_semaphore, #tpu.memory_space<semaphore_mem>>)
    %slice3A_846 = vector.extract_strided_slice %get3A_3 {offsets = [9], sizes = [1], strides = [1]} : vector<16xi32> to vector<1xi32>
    %squeeze3A_847 = vector.extract %slice3A_846[0] : i32 from vector<1xi32>
    %shift_right_arithmetic3A_848 = arith.constant 13 : i32
    %shift_right_arithmetic3A_849 = arith.shrsi %squeeze3A_847, %shift_right_arithmetic3A_848 : i32
    %shift_right_arithmetic3A_850 = arith.constant 7 : i32
    %shift_right_arithmetic3A_851 = arith.shrsi %squeeze3A_847, %shift_right_arithmetic3A_850 : i32
    %and3A_852 = arith.constant 63 : i32
    %and3A_853 = arith.andi %shift_right_arithmetic3A_851, %and3A_852 : i32
    %mul3A_854 = arith.constant 128 : i32
    %mul3A_855 = arith.muli %and3A_853, %mul3A_854 : i32
    %dma_wait3A_856 = arith.constant 1 : i32
    %dma_wait3A_857 = arith.constant 0 : i32
    %dma_wait3A_858 = arith.constant 0 : i32
    %dma_wait3A_859 = tpu.memref_slice %arg6[%dma_wait3A_856, %dma_wait3A_857, %dma_wait3A_858] : memref<2x64x128xf32, #tpu.memory_space<vmem>> -> memref<1x64x128xf32, #tpu.memory_space<vmem>>
    %dma_wait3A_860 = tpu.memref_squeeze %dma_wait3A_859 : memref<1x64x128xf32, #tpu.memory_space<vmem>> -> memref<64x128xf32, #tpu.memory_space<vmem>>
    %dma_wait3A_861 = arith.constant 0 : i32
    %dma_wait3A_862 = tpu.memref_slice %arg2[%shift_right_arithmetic3A_849, %dma_wait3A_861, %mul3A_855] : memref<64x64x8192xf32, #tpu.memory_space<hbm>> -> memref<1x64x128xf32, #tpu.memory_space<hbm>>
    %dma_wait3A_863 = tpu.memref_squeeze %dma_wait3A_862 : memref<1x64x128xf32, #tpu.memory_space<hbm>> -> memref<64x128xf32, #tpu.memory_space<hbm>>
    %dma_wait3A_864 = arith.constant 0 : i32
    %dma_wait3A_865 = arith.constant 0 : i32
    %dma_wait3A_866 = tpu.memref_slice %arg6[%dma_wait3A_856, %dma_wait3A_864, %dma_wait3A_865] : memref<2x64x128xf32, #tpu.memory_space<vmem>> -> memref<1x64x128xf32, #tpu.memory_space<vmem>>
    %dma_wait3A_867 = tpu.memref_squeeze %dma_wait3A_866 : memref<1x64x128xf32, #tpu.memory_space<vmem>> -> memref<64x128xf32, #tpu.memory_space<vmem>>
    %dma_wait3A_868 = arith.constant 0 : i32
    %dma_wait3A_869 = tpu.memref_slice %arg2[%shift_right_arithmetic3A_849, %dma_wait3A_868, %mul3A_855] : memref<64x64x8192xf32, #tpu.memory_space<hbm>> -> memref<1x64x128xf32, #tpu.memory_space<hbm>>
    %dma_wait3A_870 = tpu.memref_squeeze %dma_wait3A_869 : memref<1x64x128xf32, #tpu.memory_space<hbm>> -> memref<64x128xf32, #tpu.memory_space<hbm>>
    tpu.wait_dma2 semaphore(%arg9 : memref<!tpu.dma_semaphore, #tpu.memory_space<semaphore_mem>>) src(%dma_wait3A_870 : memref<64x128xf32, #tpu.memory_space<hbm>>) dst(%dma_wait3A_867 : memref<64x128xf32, #tpu.memory_space<vmem>>)
    %slice3A_871 = vector.extract_strided_slice %get3A_3 {offsets = [9], sizes = [1], strides = [1]} : vector<16xi32> to vector<1xi32>
    %squeeze3A_872 = vector.extract %slice3A_871[0] : i32 from vector<1xi32>
    %and3A_873 = arith.constant 127 : i32
    %and3A_874 = arith.andi %squeeze3A_872, %and3A_873 : i32
    %broadcast_in_dim3A_875 = vector.broadcast %and3A_874 : i32 to vector<16xi32>
    %broadcast_in_dim3A_876 = arith.constant 1 : i32
    %broadcast_in_dim3A_877 = vector.broadcast %broadcast_in_dim3A_876 : i32 to vector<16xi32>
    %add3A_878 = arith.constant 0 : i32
    %add3A_879 = vector.broadcast %add3A_878 : i32 to vector<16xi32>
    %add3A_880 = arith.addi %iota3A, %add3A_879 : vector<16xi32>
    %gather3A_881 = tpu.vector_load_idx %arg6[%broadcast_in_dim3A_877, %add3A_880, %broadcast_in_dim3A_875] : memref<2x64x128xf32, #tpu.memory_space<vmem>>[vector<16xi32>, vector<16xi32>, vector<16xi32>], vector<16xf32>,
    %swap3A_882 = arith.constant 9 : i32
    %swap3A_883 = arith.index_cast %swap3A_882 : i32 to index
    %swap3A_884 = arith.constant 0 : index
    %swap3A_885 = tpu.vector_load %arg7[%swap3A_883, %swap3A_884] {strides = array<i32>} : memref<16x64xf32, #tpu.memory_space<vmem>>, vector<16xf32>,
    tpu.vector_store %arg7[%swap3A_883, %swap3A_884], %gather3A_881 {strides = array<i32>} : memref<16x64xf32, #tpu.memory_space<vmem>>, vector<16xf32>,
    %add3A_886 = arith.constant 16 : i32
    %add3A_887 = vector.broadcast %add3A_886 : i32 to vector<16xi32>
    %add3A_888 = arith.addi %iota3A, %add3A_887 : vector<16xi32>
    %gather3A_889 = tpu.vector_load_idx %arg6[%broadcast_in_dim3A_877, %add3A_888, %broadcast_in_dim3A_875] : memref<2x64x128xf32, #tpu.memory_space<vmem>>[vector<16xi32>, vector<16xi32>, vector<16xi32>], vector<16xf32>,
    %swap3A_890 = arith.constant 9 : i32
    %swap3A_891 = arith.index_cast %swap3A_890 : i32 to index
    %swap3A_892 = arith.constant 16 : index
    %swap3A_893 = tpu.vector_load %arg7[%swap3A_891, %swap3A_892] {strides = array<i32>} : memref<16x64xf32, #tpu.memory_space<vmem>>, vector<16xf32>,
    tpu.vector_store %arg7[%swap3A_891, %swap3A_892], %gather3A_889 {strides = array<i32>} : memref<16x64xf32, #tpu.memory_space<vmem>>, vector<16xf32>,
    %add3A_894 = arith.constant 32 : i32
    %add3A_895 = vector.broadcast %add3A_894 : i32 to vector<16xi32>
    %add3A_896 = arith.addi %iota3A, %add3A_895 : vector<16xi32>
    %gather3A_897 = tpu.vector_load_idx %arg6[%broadcast_in_dim3A_877, %add3A_896, %broadcast_in_dim3A_875] : memref<2x64x128xf32, #tpu.memory_space<vmem>>[vector<16xi32>, vector<16xi32>, vector<16xi32>], vector<16xf32>,
    %swap3A_898 = arith.constant 9 : i32
    %swap3A_899 = arith.index_cast %swap3A_898 : i32 to index
    %swap3A_900 = arith.constant 32 : index
    %swap3A_901 = tpu.vector_load %arg7[%swap3A_899, %swap3A_900] {strides = array<i32>} : memref<16x64xf32, #tpu.memory_space<vmem>>, vector<16xf32>,
    tpu.vector_store %arg7[%swap3A_899, %swap3A_900], %gather3A_897 {strides = array<i32>} : memref<16x64xf32, #tpu.memory_space<vmem>>, vector<16xf32>,
    %add3A_902 = arith.constant 48 : i32
    %add3A_903 = vector.broadcast %add3A_902 : i32 to vector<16xi32>
    %add3A_904 = arith.addi %iota3A, %add3A_903 : vector<16xi32>
    %gather3A_905 = tpu.vector_load_idx %arg6[%broadcast_in_dim3A_877, %add3A_904, %broadcast_in_dim3A_875] : memref<2x64x128xf32, #tpu.memory_space<vmem>>[vector<16xi32>, vector<16xi32>, vector<16xi32>], vector<16xf32>,
    %swap3A_906 = arith.constant 9 : i32
    %swap3A_907 = arith.index_cast %swap3A_906 : i32 to index
    %swap3A_908 = arith.constant 48 : index
    %swap3A_909 = tpu.vector_load %arg7[%swap3A_907, %swap3A_908] {strides = array<i32>} : memref<16x64xf32, #tpu.memory_space<vmem>>, vector<16xf32>,
    tpu.vector_store %arg7[%swap3A_907, %swap3A_908], %gather3A_905 {strides = array<i32>} : memref<16x64xf32, #tpu.memory_space<vmem>>, vector<16xf32>,
    %slice3A_910 = vector.extract_strided_slice %get3A_3 {offsets = [11], sizes = [1], strides = [1]} : vector<16xi32> to vector<1xi32>
    %squeeze3A_911 = vector.extract %slice3A_910[0] : i32 from vector<1xi32>
    %shift_right_arithmetic3A_912 = arith.constant 13 : i32
    %shift_right_arithmetic3A_913 = arith.shrsi %squeeze3A_911, %shift_right_arithmetic3A_912 : i32
    %shift_right_arithmetic3A_914 = arith.constant 7 : i32
    %shift_right_arithmetic3A_915 = arith.shrsi %squeeze3A_911, %shift_right_arithmetic3A_914 : i32
    %and3A_916 = arith.constant 63 : i32
    %and3A_917 = arith.andi %shift_right_arithmetic3A_915, %and3A_916 : i32
    %mul3A_918 = arith.constant 128 : i32
    %mul3A_919 = arith.muli %and3A_917, %mul3A_918 : i32
    %dma_start3A_920 = arith.constant 1 : i32
    %dma_start3A_921 = arith.constant 0 : i32
    %dma_start3A_922 = arith.constant 0 : i32
    %dma_start3A_923 = tpu.memref_slice %arg6[%dma_start3A_920, %dma_start3A_921, %dma_start3A_922] : memref<2x64x128xf32, #tpu.memory_space<vmem>> -> memref<1x64x128xf32, #tpu.memory_space<vmem>>
    %dma_start3A_924 = tpu.memref_squeeze %dma_start3A_923 : memref<1x64x128xf32, #tpu.memory_space<vmem>> -> memref<64x128xf32, #tpu.memory_space<vmem>>
    %dma_start3A_925 = arith.constant 0 : i32
    %dma_start3A_926 = tpu.memref_slice %arg2[%shift_right_arithmetic3A_913, %dma_start3A_925, %mul3A_919] : memref<64x64x8192xf32, #tpu.memory_space<hbm>> -> memref<1x64x128xf32, #tpu.memory_space<hbm>>
    %dma_start3A_927 = tpu.memref_squeeze %dma_start3A_926 : memref<1x64x128xf32, #tpu.memory_space<hbm>> -> memref<64x128xf32, #tpu.memory_space<hbm>>
    %dma_start3A_928 = arith.constant 0 : i32
    %dma_start3A_929 = arith.constant 0 : i32
    %dma_start3A_930 = tpu.memref_slice %arg6[%dma_start3A_920, %dma_start3A_928, %dma_start3A_929] : memref<2x64x128xf32, #tpu.memory_space<vmem>> -> memref<1x64x128xf32, #tpu.memory_space<vmem>>
    %dma_start3A_931 = tpu.memref_squeeze %dma_start3A_930 : memref<1x64x128xf32, #tpu.memory_space<vmem>> -> memref<64x128xf32, #tpu.memory_space<vmem>>
    %dma_start3A_932 = arith.constant 0 : i32
    %dma_start3A_933 = tpu.memref_slice %arg2[%shift_right_arithmetic3A_913, %dma_start3A_932, %mul3A_919] : memref<64x64x8192xf32, #tpu.memory_space<hbm>> -> memref<1x64x128xf32, #tpu.memory_space<hbm>>
    %dma_start3A_934 = tpu.memref_squeeze %dma_start3A_933 : memref<1x64x128xf32, #tpu.memory_space<hbm>> -> memref<64x128xf32, #tpu.memory_space<hbm>>
    tpu.enqueue_dma source(%dma_start3A_934 : memref<64x128xf32, #tpu.memory_space<hbm>>) target(%dma_start3A_931 : memref<64x128xf32, #tpu.memory_space<vmem>>) target_semaphore(%arg9 : memref<!tpu.dma_semaphore, #tpu.memory_space<semaphore_mem>>)
    %slice3A_935 = vector.extract_strided_slice %get3A_3 {offsets = [10], sizes = [1], strides = [1]} : vector<16xi32> to vector<1xi32>
    %squeeze3A_936 = vector.extract %slice3A_935[0] : i32 from vector<1xi32>
    %shift_right_arithmetic3A_937 = arith.constant 13 : i32
    %shift_right_arithmetic3A_938 = arith.shrsi %squeeze3A_936, %shift_right_arithmetic3A_937 : i32
    %shift_right_arithmetic3A_939 = arith.constant 7 : i32
    %shift_right_arithmetic3A_940 = arith.shrsi %squeeze3A_936, %shift_right_arithmetic3A_939 : i32
    %and3A_941 = arith.constant 63 : i32
    %and3A_942 = arith.andi %shift_right_arithmetic3A_940, %and3A_941 : i32
    %mul3A_943 = arith.constant 128 : i32
    %mul3A_944 = arith.muli %and3A_942, %mul3A_943 : i32
    %dma_wait3A_945 = arith.constant 0 : i32
    %dma_wait3A_946 = arith.constant 0 : i32
    %dma_wait3A_947 = arith.constant 0 : i32
    %dma_wait3A_948 = tpu.memref_slice %arg6[%dma_wait3A_945, %dma_wait3A_946, %dma_wait3A_947] : memref<2x64x128xf32, #tpu.memory_space<vmem>> -> memref<1x64x128xf32, #tpu.memory_space<vmem>>
    %dma_wait3A_949 = tpu.memref_squeeze %dma_wait3A_948 : memref<1x64x128xf32, #tpu.memory_space<vmem>> -> memref<64x128xf32, #tpu.memory_space<vmem>>
    %dma_wait3A_950 = arith.constant 0 : i32
    %dma_wait3A_951 = tpu.memref_slice %arg2[%shift_right_arithmetic3A_938, %dma_wait3A_950, %mul3A_944] : memref<64x64x8192xf32, #tpu.memory_space<hbm>> -> memref<1x64x128xf32, #tpu.memory_space<hbm>>
    %dma_wait3A_952 = tpu.memref_squeeze %dma_wait3A_951 : memref<1x64x128xf32, #tpu.memory_space<hbm>> -> memref<64x128xf32, #tpu.memory_space<hbm>>
    %dma_wait3A_953 = arith.constant 0 : i32
    %dma_wait3A_954 = arith.constant 0 : i32
    %dma_wait3A_955 = tpu.memref_slice %arg6[%dma_wait3A_945, %dma_wait3A_953, %dma_wait3A_954] : memref<2x64x128xf32, #tpu.memory_space<vmem>> -> memref<1x64x128xf32, #tpu.memory_space<vmem>>
    %dma_wait3A_956 = tpu.memref_squeeze %dma_wait3A_955 : memref<1x64x128xf32, #tpu.memory_space<vmem>> -> memref<64x128xf32, #tpu.memory_space<vmem>>
    %dma_wait3A_957 = arith.constant 0 : i32
    %dma_wait3A_958 = tpu.memref_slice %arg2[%shift_right_arithmetic3A_938, %dma_wait3A_957, %mul3A_944] : memref<64x64x8192xf32, #tpu.memory_space<hbm>> -> memref<1x64x128xf32, #tpu.memory_space<hbm>>
    %dma_wait3A_959 = tpu.memref_squeeze %dma_wait3A_958 : memref<1x64x128xf32, #tpu.memory_space<hbm>> -> memref<64x128xf32, #tpu.memory_space<hbm>>
    tpu.wait_dma2 semaphore(%arg8 : memref<!tpu.dma_semaphore, #tpu.memory_space<semaphore_mem>>) src(%dma_wait3A_959 : memref<64x128xf32, #tpu.memory_space<hbm>>) dst(%dma_wait3A_956 : memref<64x128xf32, #tpu.memory_space<vmem>>)
    %slice3A_960 = vector.extract_strided_slice %get3A_3 {offsets = [10], sizes = [1], strides = [1]} : vector<16xi32> to vector<1xi32>
    %squeeze3A_961 = vector.extract %slice3A_960[0] : i32 from vector<1xi32>
    %and3A_962 = arith.constant 127 : i32
    %and3A_963 = arith.andi %squeeze3A_961, %and3A_962 : i32
    %broadcast_in_dim3A_964 = vector.broadcast %and3A_963 : i32 to vector<16xi32>
    %broadcast_in_dim3A_965 = arith.constant 0 : i32
    %broadcast_in_dim3A_966 = vector.broadcast %broadcast_in_dim3A_965 : i32 to vector<16xi32>
    %add3A_967 = arith.constant 0 : i32
    %add3A_968 = vector.broadcast %add3A_967 : i32 to vector<16xi32>
    %add3A_969 = arith.addi %iota3A, %add3A_968 : vector<16xi32>
    %gather3A_970 = tpu.vector_load_idx %arg6[%broadcast_in_dim3A_966, %add3A_969, %broadcast_in_dim3A_964] : memref<2x64x128xf32, #tpu.memory_space<vmem>>[vector<16xi32>, vector<16xi32>, vector<16xi32>], vector<16xf32>,
    %swap3A_971 = arith.constant 10 : i32
    %swap3A_972 = arith.index_cast %swap3A_971 : i32 to index
    %swap3A_973 = arith.constant 0 : index
    %swap3A_974 = tpu.vector_load %arg7[%swap3A_972, %swap3A_973] {strides = array<i32>} : memref<16x64xf32, #tpu.memory_space<vmem>>, vector<16xf32>,
    tpu.vector_store %arg7[%swap3A_972, %swap3A_973], %gather3A_970 {strides = array<i32>} : memref<16x64xf32, #tpu.memory_space<vmem>>, vector<16xf32>,
    %add3A_975 = arith.constant 16 : i32
    %add3A_976 = vector.broadcast %add3A_975 : i32 to vector<16xi32>
    %add3A_977 = arith.addi %iota3A, %add3A_976 : vector<16xi32>
    %gather3A_978 = tpu.vector_load_idx %arg6[%broadcast_in_dim3A_966, %add3A_977, %broadcast_in_dim3A_964] : memref<2x64x128xf32, #tpu.memory_space<vmem>>[vector<16xi32>, vector<16xi32>, vector<16xi32>], vector<16xf32>,
    %swap3A_979 = arith.constant 10 : i32
    %swap3A_980 = arith.index_cast %swap3A_979 : i32 to index
    %swap3A_981 = arith.constant 16 : index
    %swap3A_982 = tpu.vector_load %arg7[%swap3A_980, %swap3A_981] {strides = array<i32>} : memref<16x64xf32, #tpu.memory_space<vmem>>, vector<16xf32>,
    tpu.vector_store %arg7[%swap3A_980, %swap3A_981], %gather3A_978 {strides = array<i32>} : memref<16x64xf32, #tpu.memory_space<vmem>>, vector<16xf32>,
    %add3A_983 = arith.constant 32 : i32
    %add3A_984 = vector.broadcast %add3A_983 : i32 to vector<16xi32>
    %add3A_985 = arith.addi %iota3A, %add3A_984 : vector<16xi32>
    %gather3A_986 = tpu.vector_load_idx %arg6[%broadcast_in_dim3A_966, %add3A_985, %broadcast_in_dim3A_964] : memref<2x64x128xf32, #tpu.memory_space<vmem>>[vector<16xi32>, vector<16xi32>, vector<16xi32>], vector<16xf32>,
    %swap3A_987 = arith.constant 10 : i32
    %swap3A_988 = arith.index_cast %swap3A_987 : i32 to index
    %swap3A_989 = arith.constant 32 : index
    %swap3A_990 = tpu.vector_load %arg7[%swap3A_988, %swap3A_989] {strides = array<i32>} : memref<16x64xf32, #tpu.memory_space<vmem>>, vector<16xf32>,
    tpu.vector_store %arg7[%swap3A_988, %swap3A_989], %gather3A_986 {strides = array<i32>} : memref<16x64xf32, #tpu.memory_space<vmem>>, vector<16xf32>,
    %add3A_991 = arith.constant 48 : i32
    %add3A_992 = vector.broadcast %add3A_991 : i32 to vector<16xi32>
    %add3A_993 = arith.addi %iota3A, %add3A_992 : vector<16xi32>
    %gather3A_994 = tpu.vector_load_idx %arg6[%broadcast_in_dim3A_966, %add3A_993, %broadcast_in_dim3A_964] : memref<2x64x128xf32, #tpu.memory_space<vmem>>[vector<16xi32>, vector<16xi32>, vector<16xi32>], vector<16xf32>,
    %swap3A_995 = arith.constant 10 : i32
    %swap3A_996 = arith.index_cast %swap3A_995 : i32 to index
    %swap3A_997 = arith.constant 48 : index
    %swap3A_998 = tpu.vector_load %arg7[%swap3A_996, %swap3A_997] {strides = array<i32>} : memref<16x64xf32, #tpu.memory_space<vmem>>, vector<16xf32>,
    tpu.vector_store %arg7[%swap3A_996, %swap3A_997], %gather3A_994 {strides = array<i32>} : memref<16x64xf32, #tpu.memory_space<vmem>>, vector<16xf32>,
    %slice3A_999 = vector.extract_strided_slice %get3A_3 {offsets = [12], sizes = [1], strides = [1]} : vector<16xi32> to vector<1xi32>
    %squeeze3A_1000 = vector.extract %slice3A_999[0] : i32 from vector<1xi32>
    %shift_right_arithmetic3A_1001 = arith.constant 13 : i32
    %shift_right_arithmetic3A_1002 = arith.shrsi %squeeze3A_1000, %shift_right_arithmetic3A_1001 : i32
    %shift_right_arithmetic3A_1003 = arith.constant 7 : i32
    %shift_right_arithmetic3A_1004 = arith.shrsi %squeeze3A_1000, %shift_right_arithmetic3A_1003 : i32
    %and3A_1005 = arith.constant 63 : i32
    %and3A_1006 = arith.andi %shift_right_arithmetic3A_1004, %and3A_1005 : i32
    %mul3A_1007 = arith.constant 128 : i32
    %mul3A_1008 = arith.muli %and3A_1006, %mul3A_1007 : i32
    %dma_start3A_1009 = arith.constant 0 : i32
    %dma_start3A_1010 = arith.constant 0 : i32
    %dma_start3A_1011 = arith.constant 0 : i32
    %dma_start3A_1012 = tpu.memref_slice %arg6[%dma_start3A_1009, %dma_start3A_1010, %dma_start3A_1011] : memref<2x64x128xf32, #tpu.memory_space<vmem>> -> memref<1x64x128xf32, #tpu.memory_space<vmem>>
    %dma_start3A_1013 = tpu.memref_squeeze %dma_start3A_1012 : memref<1x64x128xf32, #tpu.memory_space<vmem>> -> memref<64x128xf32, #tpu.memory_space<vmem>>
    %dma_start3A_1014 = arith.constant 0 : i32
    %dma_start3A_1015 = tpu.memref_slice %arg2[%shift_right_arithmetic3A_1002, %dma_start3A_1014, %mul3A_1008] : memref<64x64x8192xf32, #tpu.memory_space<hbm>> -> memref<1x64x128xf32, #tpu.memory_space<hbm>>
    %dma_start3A_1016 = tpu.memref_squeeze %dma_start3A_1015 : memref<1x64x128xf32, #tpu.memory_space<hbm>> -> memref<64x128xf32, #tpu.memory_space<hbm>>
    %dma_start3A_1017 = arith.constant 0 : i32
    %dma_start3A_1018 = arith.constant 0 : i32
    %dma_start3A_1019 = tpu.memref_slice %arg6[%dma_start3A_1009, %dma_start3A_1017, %dma_start3A_1018] : memref<2x64x128xf32, #tpu.memory_space<vmem>> -> memref<1x64x128xf32, #tpu.memory_space<vmem>>
    %dma_start3A_1020 = tpu.memref_squeeze %dma_start3A_1019 : memref<1x64x128xf32, #tpu.memory_space<vmem>> -> memref<64x128xf32, #tpu.memory_space<vmem>>
    %dma_start3A_1021 = arith.constant 0 : i32
    %dma_start3A_1022 = tpu.memref_slice %arg2[%shift_right_arithmetic3A_1002, %dma_start3A_1021, %mul3A_1008] : memref<64x64x8192xf32, #tpu.memory_space<hbm>> -> memref<1x64x128xf32, #tpu.memory_space<hbm>>
    %dma_start3A_1023 = tpu.memref_squeeze %dma_start3A_1022 : memref<1x64x128xf32, #tpu.memory_space<hbm>> -> memref<64x128xf32, #tpu.memory_space<hbm>>
    tpu.enqueue_dma source(%dma_start3A_1023 : memref<64x128xf32, #tpu.memory_space<hbm>>) target(%dma_start3A_1020 : memref<64x128xf32, #tpu.memory_space<vmem>>) target_semaphore(%arg8 : memref<!tpu.dma_semaphore, #tpu.memory_space<semaphore_mem>>)
    %slice3A_1024 = vector.extract_strided_slice %get3A_3 {offsets = [11], sizes = [1], strides = [1]} : vector<16xi32> to vector<1xi32>
    %squeeze3A_1025 = vector.extract %slice3A_1024[0] : i32 from vector<1xi32>
    %shift_right_arithmetic3A_1026 = arith.constant 13 : i32
    %shift_right_arithmetic3A_1027 = arith.shrsi %squeeze3A_1025, %shift_right_arithmetic3A_1026 : i32
    %shift_right_arithmetic3A_1028 = arith.constant 7 : i32
    %shift_right_arithmetic3A_1029 = arith.shrsi %squeeze3A_1025, %shift_right_arithmetic3A_1028 : i32
    %and3A_1030 = arith.constant 63 : i32
    %and3A_1031 = arith.andi %shift_right_arithmetic3A_1029, %and3A_1030 : i32
    %mul3A_1032 = arith.constant 128 : i32
    %mul3A_1033 = arith.muli %and3A_1031, %mul3A_1032 : i32
    %dma_wait3A_1034 = arith.constant 1 : i32
    %dma_wait3A_1035 = arith.constant 0 : i32
    %dma_wait3A_1036 = arith.constant 0 : i32
    %dma_wait3A_1037 = tpu.memref_slice %arg6[%dma_wait3A_1034, %dma_wait3A_1035, %dma_wait3A_1036] : memref<2x64x128xf32, #tpu.memory_space<vmem>> -> memref<1x64x128xf32, #tpu.memory_space<vmem>>
    %dma_wait3A_1038 = tpu.memref_squeeze %dma_wait3A_1037 : memref<1x64x128xf32, #tpu.memory_space<vmem>> -> memref<64x128xf32, #tpu.memory_space<vmem>>
    %dma_wait3A_1039 = arith.constant 0 : i32
    %dma_wait3A_1040 = tpu.memref_slice %arg2[%shift_right_arithmetic3A_1027, %dma_wait3A_1039, %mul3A_1033] : memref<64x64x8192xf32, #tpu.memory_space<hbm>> -> memref<1x64x128xf32, #tpu.memory_space<hbm>>
    %dma_wait3A_1041 = tpu.memref_squeeze %dma_wait3A_1040 : memref<1x64x128xf32, #tpu.memory_space<hbm>> -> memref<64x128xf32, #tpu.memory_space<hbm>>
    %dma_wait3A_1042 = arith.constant 0 : i32
    %dma_wait3A_1043 = arith.constant 0 : i32
    %dma_wait3A_1044 = tpu.memref_slice %arg6[%dma_wait3A_1034, %dma_wait3A_1042, %dma_wait3A_1043] : memref<2x64x128xf32, #tpu.memory_space<vmem>> -> memref<1x64x128xf32, #tpu.memory_space<vmem>>
    %dma_wait3A_1045 = tpu.memref_squeeze %dma_wait3A_1044 : memref<1x64x128xf32, #tpu.memory_space<vmem>> -> memref<64x128xf32, #tpu.memory_space<vmem>>
    %dma_wait3A_1046 = arith.constant 0 : i32
    %dma_wait3A_1047 = tpu.memref_slice %arg2[%shift_right_arithmetic3A_1027, %dma_wait3A_1046, %mul3A_1033] : memref<64x64x8192xf32, #tpu.memory_space<hbm>> -> memref<1x64x128xf32, #tpu.memory_space<hbm>>
    %dma_wait3A_1048 = tpu.memref_squeeze %dma_wait3A_1047 : memref<1x64x128xf32, #tpu.memory_space<hbm>> -> memref<64x128xf32, #tpu.memory_space<hbm>>
    tpu.wait_dma2 semaphore(%arg9 : memref<!tpu.dma_semaphore, #tpu.memory_space<semaphore_mem>>) src(%dma_wait3A_1048 : memref<64x128xf32, #tpu.memory_space<hbm>>) dst(%dma_wait3A_1045 : memref<64x128xf32, #tpu.memory_space<vmem>>)
    %slice3A_1049 = vector.extract_strided_slice %get3A_3 {offsets = [11], sizes = [1], strides = [1]} : vector<16xi32> to vector<1xi32>
    %squeeze3A_1050 = vector.extract %slice3A_1049[0] : i32 from vector<1xi32>
    %and3A_1051 = arith.constant 127 : i32
    %and3A_1052 = arith.andi %squeeze3A_1050, %and3A_1051 : i32
    %broadcast_in_dim3A_1053 = vector.broadcast %and3A_1052 : i32 to vector<16xi32>
    %broadcast_in_dim3A_1054 = arith.constant 1 : i32
    %broadcast_in_dim3A_1055 = vector.broadcast %broadcast_in_dim3A_1054 : i32 to vector<16xi32>
    %add3A_1056 = arith.constant 0 : i32
    %add3A_1057 = vector.broadcast %add3A_1056 : i32 to vector<16xi32>
    %add3A_1058 = arith.addi %iota3A, %add3A_1057 : vector<16xi32>
    %gather3A_1059 = tpu.vector_load_idx %arg6[%broadcast_in_dim3A_1055, %add3A_1058, %broadcast_in_dim3A_1053] : memref<2x64x128xf32, #tpu.memory_space<vmem>>[vector<16xi32>, vector<16xi32>, vector<16xi32>], vector<16xf32>,
    %swap3A_1060 = arith.constant 11 : i32
    %swap3A_1061 = arith.index_cast %swap3A_1060 : i32 to index
    %swap3A_1062 = arith.constant 0 : index
    %swap3A_1063 = tpu.vector_load %arg7[%swap3A_1061, %swap3A_1062] {strides = array<i32>} : memref<16x64xf32, #tpu.memory_space<vmem>>, vector<16xf32>,
    tpu.vector_store %arg7[%swap3A_1061, %swap3A_1062], %gather3A_1059 {strides = array<i32>} : memref<16x64xf32, #tpu.memory_space<vmem>>, vector<16xf32>,
    %add3A_1064 = arith.constant 16 : i32
    %add3A_1065 = vector.broadcast %add3A_1064 : i32 to vector<16xi32>
    %add3A_1066 = arith.addi %iota3A, %add3A_1065 : vector<16xi32>
    %gather3A_1067 = tpu.vector_load_idx %arg6[%broadcast_in_dim3A_1055, %add3A_1066, %broadcast_in_dim3A_1053] : memref<2x64x128xf32, #tpu.memory_space<vmem>>[vector<16xi32>, vector<16xi32>, vector<16xi32>], vector<16xf32>,
    %swap3A_1068 = arith.constant 11 : i32
    %swap3A_1069 = arith.index_cast %swap3A_1068 : i32 to index
    %swap3A_1070 = arith.constant 16 : index
    %swap3A_1071 = tpu.vector_load %arg7[%swap3A_1069, %swap3A_1070] {strides = array<i32>} : memref<16x64xf32, #tpu.memory_space<vmem>>, vector<16xf32>,
    tpu.vector_store %arg7[%swap3A_1069, %swap3A_1070], %gather3A_1067 {strides = array<i32>} : memref<16x64xf32, #tpu.memory_space<vmem>>, vector<16xf32>,
    %add3A_1072 = arith.constant 32 : i32
    %add3A_1073 = vector.broadcast %add3A_1072 : i32 to vector<16xi32>
    %add3A_1074 = arith.addi %iota3A, %add3A_1073 : vector<16xi32>
    %gather3A_1075 = tpu.vector_load_idx %arg6[%broadcast_in_dim3A_1055, %add3A_1074, %broadcast_in_dim3A_1053] : memref<2x64x128xf32, #tpu.memory_space<vmem>>[vector<16xi32>, vector<16xi32>, vector<16xi32>], vector<16xf32>,
    %swap3A_1076 = arith.constant 11 : i32
    %swap3A_1077 = arith.index_cast %swap3A_1076 : i32 to index
    %swap3A_1078 = arith.constant 32 : index
    %swap3A_1079 = tpu.vector_load %arg7[%swap3A_1077, %swap3A_1078] {strides = array<i32>} : memref<16x64xf32, #tpu.memory_space<vmem>>, vector<16xf32>,
    tpu.vector_store %arg7[%swap3A_1077, %swap3A_1078], %gather3A_1075 {strides = array<i32>} : memref<16x64xf32, #tpu.memory_space<vmem>>, vector<16xf32>,
    %add3A_1080 = arith.constant 48 : i32
    %add3A_1081 = vector.broadcast %add3A_1080 : i32 to vector<16xi32>
    %add3A_1082 = arith.addi %iota3A, %add3A_1081 : vector<16xi32>
    %gather3A_1083 = tpu.vector_load_idx %arg6[%broadcast_in_dim3A_1055, %add3A_1082, %broadcast_in_dim3A_1053] : memref<2x64x128xf32, #tpu.memory_space<vmem>>[vector<16xi32>, vector<16xi32>, vector<16xi32>], vector<16xf32>,
    %swap3A_1084 = arith.constant 11 : i32
    %swap3A_1085 = arith.index_cast %swap3A_1084 : i32 to index
    %swap3A_1086 = arith.constant 48 : index
    %swap3A_1087 = tpu.vector_load %arg7[%swap3A_1085, %swap3A_1086] {strides = array<i32>} : memref<16x64xf32, #tpu.memory_space<vmem>>, vector<16xf32>,
    tpu.vector_store %arg7[%swap3A_1085, %swap3A_1086], %gather3A_1083 {strides = array<i32>} : memref<16x64xf32, #tpu.memory_space<vmem>>, vector<16xf32>,
    %slice3A_1088 = vector.extract_strided_slice %get3A_3 {offsets = [13], sizes = [1], strides = [1]} : vector<16xi32> to vector<1xi32>
    %squeeze3A_1089 = vector.extract %slice3A_1088[0] : i32 from vector<1xi32>
    %shift_right_arithmetic3A_1090 = arith.constant 13 : i32
    %shift_right_arithmetic3A_1091 = arith.shrsi %squeeze3A_1089, %shift_right_arithmetic3A_1090 : i32
    %shift_right_arithmetic3A_1092 = arith.constant 7 : i32
    %shift_right_arithmetic3A_1093 = arith.shrsi %squeeze3A_1089, %shift_right_arithmetic3A_1092 : i32
    %and3A_1094 = arith.constant 63 : i32
    %and3A_1095 = arith.andi %shift_right_arithmetic3A_1093, %and3A_1094 : i32
    %mul3A_1096 = arith.constant 128 : i32
    %mul3A_1097 = arith.muli %and3A_1095, %mul3A_1096 : i32
    %dma_start3A_1098 = arith.constant 1 : i32
    %dma_start3A_1099 = arith.constant 0 : i32
    %dma_start3A_1100 = arith.constant 0 : i32
    %dma_start3A_1101 = tpu.memref_slice %arg6[%dma_start3A_1098, %dma_start3A_1099, %dma_start3A_1100] : memref<2x64x128xf32, #tpu.memory_space<vmem>> -> memref<1x64x128xf32, #tpu.memory_space<vmem>>
    %dma_start3A_1102 = tpu.memref_squeeze %dma_start3A_1101 : memref<1x64x128xf32, #tpu.memory_space<vmem>> -> memref<64x128xf32, #tpu.memory_space<vmem>>
    %dma_start3A_1103 = arith.constant 0 : i32
    %dma_start3A_1104 = tpu.memref_slice %arg2[%shift_right_arithmetic3A_1091, %dma_start3A_1103, %mul3A_1097] : memref<64x64x8192xf32, #tpu.memory_space<hbm>> -> memref<1x64x128xf32, #tpu.memory_space<hbm>>
    %dma_start3A_1105 = tpu.memref_squeeze %dma_start3A_1104 : memref<1x64x128xf32, #tpu.memory_space<hbm>> -> memref<64x128xf32, #tpu.memory_space<hbm>>
    %dma_start3A_1106 = arith.constant 0 : i32
    %dma_start3A_1107 = arith.constant 0 : i32
    %dma_start3A_1108 = tpu.memref_slice %arg6[%dma_start3A_1098, %dma_start3A_1106, %dma_start3A_1107] : memref<2x64x128xf32, #tpu.memory_space<vmem>> -> memref<1x64x128xf32, #tpu.memory_space<vmem>>
    %dma_start3A_1109 = tpu.memref_squeeze %dma_start3A_1108 : memref<1x64x128xf32, #tpu.memory_space<vmem>> -> memref<64x128xf32, #tpu.memory_space<vmem>>
    %dma_start3A_1110 = arith.constant 0 : i32
    %dma_start3A_1111 = tpu.memref_slice %arg2[%shift_right_arithmetic3A_1091, %dma_start3A_1110, %mul3A_1097] : memref<64x64x8192xf32, #tpu.memory_space<hbm>> -> memref<1x64x128xf32, #tpu.memory_space<hbm>>
    %dma_start3A_1112 = tpu.memref_squeeze %dma_start3A_1111 : memref<1x64x128xf32, #tpu.memory_space<hbm>> -> memref<64x128xf32, #tpu.memory_space<hbm>>
    tpu.enqueue_dma source(%dma_start3A_1112 : memref<64x128xf32, #tpu.memory_space<hbm>>) target(%dma_start3A_1109 : memref<64x128xf32, #tpu.memory_space<vmem>>) target_semaphore(%arg9 : memref<!tpu.dma_semaphore, #tpu.memory_space<semaphore_mem>>)
    %slice3A_1113 = vector.extract_strided_slice %get3A_3 {offsets = [12], sizes = [1], strides = [1]} : vector<16xi32> to vector<1xi32>
    %squeeze3A_1114 = vector.extract %slice3A_1113[0] : i32 from vector<1xi32>
    %shift_right_arithmetic3A_1115 = arith.constant 13 : i32
    %shift_right_arithmetic3A_1116 = arith.shrsi %squeeze3A_1114, %shift_right_arithmetic3A_1115 : i32
    %shift_right_arithmetic3A_1117 = arith.constant 7 : i32
    %shift_right_arithmetic3A_1118 = arith.shrsi %squeeze3A_1114, %shift_right_arithmetic3A_1117 : i32
    %and3A_1119 = arith.constant 63 : i32
    %and3A_1120 = arith.andi %shift_right_arithmetic3A_1118, %and3A_1119 : i32
    %mul3A_1121 = arith.constant 128 : i32
    %mul3A_1122 = arith.muli %and3A_1120, %mul3A_1121 : i32
    %dma_wait3A_1123 = arith.constant 0 : i32
    %dma_wait3A_1124 = arith.constant 0 : i32
    %dma_wait3A_1125 = arith.constant 0 : i32
    %dma_wait3A_1126 = tpu.memref_slice %arg6[%dma_wait3A_1123, %dma_wait3A_1124, %dma_wait3A_1125] : memref<2x64x128xf32, #tpu.memory_space<vmem>> -> memref<1x64x128xf32, #tpu.memory_space<vmem>>
    %dma_wait3A_1127 = tpu.memref_squeeze %dma_wait3A_1126 : memref<1x64x128xf32, #tpu.memory_space<vmem>> -> memref<64x128xf32, #tpu.memory_space<vmem>>
    %dma_wait3A_1128 = arith.constant 0 : i32
    %dma_wait3A_1129 = tpu.memref_slice %arg2[%shift_right_arithmetic3A_1116, %dma_wait3A_1128, %mul3A_1122] : memref<64x64x8192xf32, #tpu.memory_space<hbm>> -> memref<1x64x128xf32, #tpu.memory_space<hbm>>
    %dma_wait3A_1130 = tpu.memref_squeeze %dma_wait3A_1129 : memref<1x64x128xf32, #tpu.memory_space<hbm>> -> memref<64x128xf32, #tpu.memory_space<hbm>>
    %dma_wait3A_1131 = arith.constant 0 : i32
    %dma_wait3A_1132 = arith.constant 0 : i32
    %dma_wait3A_1133 = tpu.memref_slice %arg6[%dma_wait3A_1123, %dma_wait3A_1131, %dma_wait3A_1132] : memref<2x64x128xf32, #tpu.memory_space<vmem>> -> memref<1x64x128xf32, #tpu.memory_space<vmem>>
    %dma_wait3A_1134 = tpu.memref_squeeze %dma_wait3A_1133 : memref<1x64x128xf32, #tpu.memory_space<vmem>> -> memref<64x128xf32, #tpu.memory_space<vmem>>
    %dma_wait3A_1135 = arith.constant 0 : i32
    %dma_wait3A_1136 = tpu.memref_slice %arg2[%shift_right_arithmetic3A_1116, %dma_wait3A_1135, %mul3A_1122] : memref<64x64x8192xf32, #tpu.memory_space<hbm>> -> memref<1x64x128xf32, #tpu.memory_space<hbm>>
    %dma_wait3A_1137 = tpu.memref_squeeze %dma_wait3A_1136 : memref<1x64x128xf32, #tpu.memory_space<hbm>> -> memref<64x128xf32, #tpu.memory_space<hbm>>
    tpu.wait_dma2 semaphore(%arg8 : memref<!tpu.dma_semaphore, #tpu.memory_space<semaphore_mem>>) src(%dma_wait3A_1137 : memref<64x128xf32, #tpu.memory_space<hbm>>) dst(%dma_wait3A_1134 : memref<64x128xf32, #tpu.memory_space<vmem>>)
    %slice3A_1138 = vector.extract_strided_slice %get3A_3 {offsets = [12], sizes = [1], strides = [1]} : vector<16xi32> to vector<1xi32>
    %squeeze3A_1139 = vector.extract %slice3A_1138[0] : i32 from vector<1xi32>
    %and3A_1140 = arith.constant 127 : i32
    %and3A_1141 = arith.andi %squeeze3A_1139, %and3A_1140 : i32
    %broadcast_in_dim3A_1142 = vector.broadcast %and3A_1141 : i32 to vector<16xi32>
    %broadcast_in_dim3A_1143 = arith.constant 0 : i32
    %broadcast_in_dim3A_1144 = vector.broadcast %broadcast_in_dim3A_1143 : i32 to vector<16xi32>
    %add3A_1145 = arith.constant 0 : i32
    %add3A_1146 = vector.broadcast %add3A_1145 : i32 to vector<16xi32>
    %add3A_1147 = arith.addi %iota3A, %add3A_1146 : vector<16xi32>
    %gather3A_1148 = tpu.vector_load_idx %arg6[%broadcast_in_dim3A_1144, %add3A_1147, %broadcast_in_dim3A_1142] : memref<2x64x128xf32, #tpu.memory_space<vmem>>[vector<16xi32>, vector<16xi32>, vector<16xi32>], vector<16xf32>,
    %swap3A_1149 = arith.constant 12 : i32
    %swap3A_1150 = arith.index_cast %swap3A_1149 : i32 to index
    %swap3A_1151 = arith.constant 0 : index
    %swap3A_1152 = tpu.vector_load %arg7[%swap3A_1150, %swap3A_1151] {strides = array<i32>} : memref<16x64xf32, #tpu.memory_space<vmem>>, vector<16xf32>,
    tpu.vector_store %arg7[%swap3A_1150, %swap3A_1151], %gather3A_1148 {strides = array<i32>} : memref<16x64xf32, #tpu.memory_space<vmem>>, vector<16xf32>,
    %add3A_1153 = arith.constant 16 : i32
    %add3A_1154 = vector.broadcast %add3A_1153 : i32 to vector<16xi32>
    %add3A_1155 = arith.addi %iota3A, %add3A_1154 : vector<16xi32>
    %gather3A_1156 = tpu.vector_load_idx %arg6[%broadcast_in_dim3A_1144, %add3A_1155, %broadcast_in_dim3A_1142] : memref<2x64x128xf32, #tpu.memory_space<vmem>>[vector<16xi32>, vector<16xi32>, vector<16xi32>], vector<16xf32>,
    %swap3A_1157 = arith.constant 12 : i32
    %swap3A_1158 = arith.index_cast %swap3A_1157 : i32 to index
    %swap3A_1159 = arith.constant 16 : index
    %swap3A_1160 = tpu.vector_load %arg7[%swap3A_1158, %swap3A_1159] {strides = array<i32>} : memref<16x64xf32, #tpu.memory_space<vmem>>, vector<16xf32>,
    tpu.vector_store %arg7[%swap3A_1158, %swap3A_1159], %gather3A_1156 {strides = array<i32>} : memref<16x64xf32, #tpu.memory_space<vmem>>, vector<16xf32>,
    %add3A_1161 = arith.constant 32 : i32
    %add3A_1162 = vector.broadcast %add3A_1161 : i32 to vector<16xi32>
    %add3A_1163 = arith.addi %iota3A, %add3A_1162 : vector<16xi32>
    %gather3A_1164 = tpu.vector_load_idx %arg6[%broadcast_in_dim3A_1144, %add3A_1163, %broadcast_in_dim3A_1142] : memref<2x64x128xf32, #tpu.memory_space<vmem>>[vector<16xi32>, vector<16xi32>, vector<16xi32>], vector<16xf32>,
    %swap3A_1165 = arith.constant 12 : i32
    %swap3A_1166 = arith.index_cast %swap3A_1165 : i32 to index
    %swap3A_1167 = arith.constant 32 : index
    %swap3A_1168 = tpu.vector_load %arg7[%swap3A_1166, %swap3A_1167] {strides = array<i32>} : memref<16x64xf32, #tpu.memory_space<vmem>>, vector<16xf32>,
    tpu.vector_store %arg7[%swap3A_1166, %swap3A_1167], %gather3A_1164 {strides = array<i32>} : memref<16x64xf32, #tpu.memory_space<vmem>>, vector<16xf32>,
    %add3A_1169 = arith.constant 48 : i32
    %add3A_1170 = vector.broadcast %add3A_1169 : i32 to vector<16xi32>
    %add3A_1171 = arith.addi %iota3A, %add3A_1170 : vector<16xi32>
    %gather3A_1172 = tpu.vector_load_idx %arg6[%broadcast_in_dim3A_1144, %add3A_1171, %broadcast_in_dim3A_1142] : memref<2x64x128xf32, #tpu.memory_space<vmem>>[vector<16xi32>, vector<16xi32>, vector<16xi32>], vector<16xf32>,
    %swap3A_1173 = arith.constant 12 : i32
    %swap3A_1174 = arith.index_cast %swap3A_1173 : i32 to index
    %swap3A_1175 = arith.constant 48 : index
    %swap3A_1176 = tpu.vector_load %arg7[%swap3A_1174, %swap3A_1175] {strides = array<i32>} : memref<16x64xf32, #tpu.memory_space<vmem>>, vector<16xf32>,
    tpu.vector_store %arg7[%swap3A_1174, %swap3A_1175], %gather3A_1172 {strides = array<i32>} : memref<16x64xf32, #tpu.memory_space<vmem>>, vector<16xf32>,
    %slice3A_1177 = vector.extract_strided_slice %get3A_3 {offsets = [14], sizes = [1], strides = [1]} : vector<16xi32> to vector<1xi32>
    %squeeze3A_1178 = vector.extract %slice3A_1177[0] : i32 from vector<1xi32>
    %shift_right_arithmetic3A_1179 = arith.constant 13 : i32
    %shift_right_arithmetic3A_1180 = arith.shrsi %squeeze3A_1178, %shift_right_arithmetic3A_1179 : i32
    %shift_right_arithmetic3A_1181 = arith.constant 7 : i32
    %shift_right_arithmetic3A_1182 = arith.shrsi %squeeze3A_1178, %shift_right_arithmetic3A_1181 : i32
    %and3A_1183 = arith.constant 63 : i32
    %and3A_1184 = arith.andi %shift_right_arithmetic3A_1182, %and3A_1183 : i32
    %mul3A_1185 = arith.constant 128 : i32
    %mul3A_1186 = arith.muli %and3A_1184, %mul3A_1185 : i32
    %dma_start3A_1187 = arith.constant 0 : i32
    %dma_start3A_1188 = arith.constant 0 : i32
    %dma_start3A_1189 = arith.constant 0 : i32
    %dma_start3A_1190 = tpu.memref_slice %arg6[%dma_start3A_1187, %dma_start3A_1188, %dma_start3A_1189] : memref<2x64x128xf32, #tpu.memory_space<vmem>> -> memref<1x64x128xf32, #tpu.memory_space<vmem>>
    %dma_start3A_1191 = tpu.memref_squeeze %dma_start3A_1190 : memref<1x64x128xf32, #tpu.memory_space<vmem>> -> memref<64x128xf32, #tpu.memory_space<vmem>>
    %dma_start3A_1192 = arith.constant 0 : i32
    %dma_start3A_1193 = tpu.memref_slice %arg2[%shift_right_arithmetic3A_1180, %dma_start3A_1192, %mul3A_1186] : memref<64x64x8192xf32, #tpu.memory_space<hbm>> -> memref<1x64x128xf32, #tpu.memory_space<hbm>>
    %dma_start3A_1194 = tpu.memref_squeeze %dma_start3A_1193 : memref<1x64x128xf32, #tpu.memory_space<hbm>> -> memref<64x128xf32, #tpu.memory_space<hbm>>
    %dma_start3A_1195 = arith.constant 0 : i32
    %dma_start3A_1196 = arith.constant 0 : i32
    %dma_start3A_1197 = tpu.memref_slice %arg6[%dma_start3A_1187, %dma_start3A_1195, %dma_start3A_1196] : memref<2x64x128xf32, #tpu.memory_space<vmem>> -> memref<1x64x128xf32, #tpu.memory_space<vmem>>
    %dma_start3A_1198 = tpu.memref_squeeze %dma_start3A_1197 : memref<1x64x128xf32, #tpu.memory_space<vmem>> -> memref<64x128xf32, #tpu.memory_space<vmem>>
    %dma_start3A_1199 = arith.constant 0 : i32
    %dma_start3A_1200 = tpu.memref_slice %arg2[%shift_right_arithmetic3A_1180, %dma_start3A_1199, %mul3A_1186] : memref<64x64x8192xf32, #tpu.memory_space<hbm>> -> memref<1x64x128xf32, #tpu.memory_space<hbm>>
    %dma_start3A_1201 = tpu.memref_squeeze %dma_start3A_1200 : memref<1x64x128xf32, #tpu.memory_space<hbm>> -> memref<64x128xf32, #tpu.memory_space<hbm>>
    tpu.enqueue_dma source(%dma_start3A_1201 : memref<64x128xf32, #tpu.memory_space<hbm>>) target(%dma_start3A_1198 : memref<64x128xf32, #tpu.memory_space<vmem>>) target_semaphore(%arg8 : memref<!tpu.dma_semaphore, #tpu.memory_space<semaphore_mem>>)
    %slice3A_1202 = vector.extract_strided_slice %get3A_3 {offsets = [13], sizes = [1], strides = [1]} : vector<16xi32> to vector<1xi32>
    %squeeze3A_1203 = vector.extract %slice3A_1202[0] : i32 from vector<1xi32>
    %shift_right_arithmetic3A_1204 = arith.constant 13 : i32
    %shift_right_arithmetic3A_1205 = arith.shrsi %squeeze3A_1203, %shift_right_arithmetic3A_1204 : i32
    %shift_right_arithmetic3A_1206 = arith.constant 7 : i32
    %shift_right_arithmetic3A_1207 = arith.shrsi %squeeze3A_1203, %shift_right_arithmetic3A_1206 : i32
    %and3A_1208 = arith.constant 63 : i32
    %and3A_1209 = arith.andi %shift_right_arithmetic3A_1207, %and3A_1208 : i32
    %mul3A_1210 = arith.constant 128 : i32
    %mul3A_1211 = arith.muli %and3A_1209, %mul3A_1210 : i32
    %dma_wait3A_1212 = arith.constant 1 : i32
    %dma_wait3A_1213 = arith.constant 0 : i32
    %dma_wait3A_1214 = arith.constant 0 : i32
    %dma_wait3A_1215 = tpu.memref_slice %arg6[%dma_wait3A_1212, %dma_wait3A_1213, %dma_wait3A_1214] : memref<2x64x128xf32, #tpu.memory_space<vmem>> -> memref<1x64x128xf32, #tpu.memory_space<vmem>>
    %dma_wait3A_1216 = tpu.memref_squeeze %dma_wait3A_1215 : memref<1x64x128xf32, #tpu.memory_space<vmem>> -> memref<64x128xf32, #tpu.memory_space<vmem>>
    %dma_wait3A_1217 = arith.constant 0 : i32
    %dma_wait3A_1218 = tpu.memref_slice %arg2[%shift_right_arithmetic3A_1205, %dma_wait3A_1217, %mul3A_1211] : memref<64x64x8192xf32, #tpu.memory_space<hbm>> -> memref<1x64x128xf32, #tpu.memory_space<hbm>>
    %dma_wait3A_1219 = tpu.memref_squeeze %dma_wait3A_1218 : memref<1x64x128xf32, #tpu.memory_space<hbm>> -> memref<64x128xf32, #tpu.memory_space<hbm>>
    %dma_wait3A_1220 = arith.constant 0 : i32
    %dma_wait3A_1221 = arith.constant 0 : i32
    %dma_wait3A_1222 = tpu.memref_slice %arg6[%dma_wait3A_1212, %dma_wait3A_1220, %dma_wait3A_1221] : memref<2x64x128xf32, #tpu.memory_space<vmem>> -> memref<1x64x128xf32, #tpu.memory_space<vmem>>
    %dma_wait3A_1223 = tpu.memref_squeeze %dma_wait3A_1222 : memref<1x64x128xf32, #tpu.memory_space<vmem>> -> memref<64x128xf32, #tpu.memory_space<vmem>>
    %dma_wait3A_1224 = arith.constant 0 : i32
    %dma_wait3A_1225 = tpu.memref_slice %arg2[%shift_right_arithmetic3A_1205, %dma_wait3A_1224, %mul3A_1211] : memref<64x64x8192xf32, #tpu.memory_space<hbm>> -> memref<1x64x128xf32, #tpu.memory_space<hbm>>
    %dma_wait3A_1226 = tpu.memref_squeeze %dma_wait3A_1225 : memref<1x64x128xf32, #tpu.memory_space<hbm>> -> memref<64x128xf32, #tpu.memory_space<hbm>>
    tpu.wait_dma2 semaphore(%arg9 : memref<!tpu.dma_semaphore, #tpu.memory_space<semaphore_mem>>) src(%dma_wait3A_1226 : memref<64x128xf32, #tpu.memory_space<hbm>>) dst(%dma_wait3A_1223 : memref<64x128xf32, #tpu.memory_space<vmem>>)
    %slice3A_1227 = vector.extract_strided_slice %get3A_3 {offsets = [13], sizes = [1], strides = [1]} : vector<16xi32> to vector<1xi32>
    %squeeze3A_1228 = vector.extract %slice3A_1227[0] : i32 from vector<1xi32>
    %and3A_1229 = arith.constant 127 : i32
    %and3A_1230 = arith.andi %squeeze3A_1228, %and3A_1229 : i32
    %broadcast_in_dim3A_1231 = vector.broadcast %and3A_1230 : i32 to vector<16xi32>
    %broadcast_in_dim3A_1232 = arith.constant 1 : i32
    %broadcast_in_dim3A_1233 = vector.broadcast %broadcast_in_dim3A_1232 : i32 to vector<16xi32>
    %add3A_1234 = arith.constant 0 : i32
    %add3A_1235 = vector.broadcast %add3A_1234 : i32 to vector<16xi32>
    %add3A_1236 = arith.addi %iota3A, %add3A_1235 : vector<16xi32>
    %gather3A_1237 = tpu.vector_load_idx %arg6[%broadcast_in_dim3A_1233, %add3A_1236, %broadcast_in_dim3A_1231] : memref<2x64x128xf32, #tpu.memory_space<vmem>>[vector<16xi32>, vector<16xi32>, vector<16xi32>], vector<16xf32>,
    %swap3A_1238 = arith.constant 13 : i32
    %swap3A_1239 = arith.index_cast %swap3A_1238 : i32 to index
    %swap3A_1240 = arith.constant 0 : index
    %swap3A_1241 = tpu.vector_load %arg7[%swap3A_1239, %swap3A_1240] {strides = array<i32>} : memref<16x64xf32, #tpu.memory_space<vmem>>, vector<16xf32>,
    tpu.vector_store %arg7[%swap3A_1239, %swap3A_1240], %gather3A_1237 {strides = array<i32>} : memref<16x64xf32, #tpu.memory_space<vmem>>, vector<16xf32>,
    %add3A_1242 = arith.constant 16 : i32
    %add3A_1243 = vector.broadcast %add3A_1242 : i32 to vector<16xi32>
    %add3A_1244 = arith.addi %iota3A, %add3A_1243 : vector<16xi32>
    %gather3A_1245 = tpu.vector_load_idx %arg6[%broadcast_in_dim3A_1233, %add3A_1244, %broadcast_in_dim3A_1231] : memref<2x64x128xf32, #tpu.memory_space<vmem>>[vector<16xi32>, vector<16xi32>, vector<16xi32>], vector<16xf32>,
    %swap3A_1246 = arith.constant 13 : i32
    %swap3A_1247 = arith.index_cast %swap3A_1246 : i32 to index
    %swap3A_1248 = arith.constant 16 : index
    %swap3A_1249 = tpu.vector_load %arg7[%swap3A_1247, %swap3A_1248] {strides = array<i32>} : memref<16x64xf32, #tpu.memory_space<vmem>>, vector<16xf32>,
    tpu.vector_store %arg7[%swap3A_1247, %swap3A_1248], %gather3A_1245 {strides = array<i32>} : memref<16x64xf32, #tpu.memory_space<vmem>>, vector<16xf32>,
    %add3A_1250 = arith.constant 32 : i32
    %add3A_1251 = vector.broadcast %add3A_1250 : i32 to vector<16xi32>
    %add3A_1252 = arith.addi %iota3A, %add3A_1251 : vector<16xi32>
    %gather3A_1253 = tpu.vector_load_idx %arg6[%broadcast_in_dim3A_1233, %add3A_1252, %broadcast_in_dim3A_1231] : memref<2x64x128xf32, #tpu.memory_space<vmem>>[vector<16xi32>, vector<16xi32>, vector<16xi32>], vector<16xf32>,
    %swap3A_1254 = arith.constant 13 : i32
    %swap3A_1255 = arith.index_cast %swap3A_1254 : i32 to index
    %swap3A_1256 = arith.constant 32 : index
    %swap3A_1257 = tpu.vector_load %arg7[%swap3A_1255, %swap3A_1256] {strides = array<i32>} : memref<16x64xf32, #tpu.memory_space<vmem>>, vector<16xf32>,
    tpu.vector_store %arg7[%swap3A_1255, %swap3A_1256], %gather3A_1253 {strides = array<i32>} : memref<16x64xf32, #tpu.memory_space<vmem>>, vector<16xf32>,
    %add3A_1258 = arith.constant 48 : i32
    %add3A_1259 = vector.broadcast %add3A_1258 : i32 to vector<16xi32>
    %add3A_1260 = arith.addi %iota3A, %add3A_1259 : vector<16xi32>
    %gather3A_1261 = tpu.vector_load_idx %arg6[%broadcast_in_dim3A_1233, %add3A_1260, %broadcast_in_dim3A_1231] : memref<2x64x128xf32, #tpu.memory_space<vmem>>[vector<16xi32>, vector<16xi32>, vector<16xi32>], vector<16xf32>,
    %swap3A_1262 = arith.constant 13 : i32
    %swap3A_1263 = arith.index_cast %swap3A_1262 : i32 to index
    %swap3A_1264 = arith.constant 48 : index
    %swap3A_1265 = tpu.vector_load %arg7[%swap3A_1263, %swap3A_1264] {strides = array<i32>} : memref<16x64xf32, #tpu.memory_space<vmem>>, vector<16xf32>,
    tpu.vector_store %arg7[%swap3A_1263, %swap3A_1264], %gather3A_1261 {strides = array<i32>} : memref<16x64xf32, #tpu.memory_space<vmem>>, vector<16xf32>,
    %slice3A_1266 = vector.extract_strided_slice %get3A_3 {offsets = [15], sizes = [1], strides = [1]} : vector<16xi32> to vector<1xi32>
    %squeeze3A_1267 = vector.extract %slice3A_1266[0] : i32 from vector<1xi32>
    %shift_right_arithmetic3A_1268 = arith.constant 13 : i32
    %shift_right_arithmetic3A_1269 = arith.shrsi %squeeze3A_1267, %shift_right_arithmetic3A_1268 : i32
    %shift_right_arithmetic3A_1270 = arith.constant 7 : i32
    %shift_right_arithmetic3A_1271 = arith.shrsi %squeeze3A_1267, %shift_right_arithmetic3A_1270 : i32
    %and3A_1272 = arith.constant 63 : i32
    %and3A_1273 = arith.andi %shift_right_arithmetic3A_1271, %and3A_1272 : i32
    %mul3A_1274 = arith.constant 128 : i32
    %mul3A_1275 = arith.muli %and3A_1273, %mul3A_1274 : i32
    %dma_start3A_1276 = arith.constant 1 : i32
    %dma_start3A_1277 = arith.constant 0 : i32
    %dma_start3A_1278 = arith.constant 0 : i32
    %dma_start3A_1279 = tpu.memref_slice %arg6[%dma_start3A_1276, %dma_start3A_1277, %dma_start3A_1278] : memref<2x64x128xf32, #tpu.memory_space<vmem>> -> memref<1x64x128xf32, #tpu.memory_space<vmem>>
    %dma_start3A_1280 = tpu.memref_squeeze %dma_start3A_1279 : memref<1x64x128xf32, #tpu.memory_space<vmem>> -> memref<64x128xf32, #tpu.memory_space<vmem>>
    %dma_start3A_1281 = arith.constant 0 : i32
    %dma_start3A_1282 = tpu.memref_slice %arg2[%shift_right_arithmetic3A_1269, %dma_start3A_1281, %mul3A_1275] : memref<64x64x8192xf32, #tpu.memory_space<hbm>> -> memref<1x64x128xf32, #tpu.memory_space<hbm>>
    %dma_start3A_1283 = tpu.memref_squeeze %dma_start3A_1282 : memref<1x64x128xf32, #tpu.memory_space<hbm>> -> memref<64x128xf32, #tpu.memory_space<hbm>>
    %dma_start3A_1284 = arith.constant 0 : i32
    %dma_start3A_1285 = arith.constant 0 : i32
    %dma_start3A_1286 = tpu.memref_slice %arg6[%dma_start3A_1276, %dma_start3A_1284, %dma_start3A_1285] : memref<2x64x128xf32, #tpu.memory_space<vmem>> -> memref<1x64x128xf32, #tpu.memory_space<vmem>>
    %dma_start3A_1287 = tpu.memref_squeeze %dma_start3A_1286 : memref<1x64x128xf32, #tpu.memory_space<vmem>> -> memref<64x128xf32, #tpu.memory_space<vmem>>
    %dma_start3A_1288 = arith.constant 0 : i32
    %dma_start3A_1289 = tpu.memref_slice %arg2[%shift_right_arithmetic3A_1269, %dma_start3A_1288, %mul3A_1275] : memref<64x64x8192xf32, #tpu.memory_space<hbm>> -> memref<1x64x128xf32, #tpu.memory_space<hbm>>
    %dma_start3A_1290 = tpu.memref_squeeze %dma_start3A_1289 : memref<1x64x128xf32, #tpu.memory_space<hbm>> -> memref<64x128xf32, #tpu.memory_space<hbm>>
    tpu.enqueue_dma source(%dma_start3A_1290 : memref<64x128xf32, #tpu.memory_space<hbm>>) target(%dma_start3A_1287 : memref<64x128xf32, #tpu.memory_space<vmem>>) target_semaphore(%arg9 : memref<!tpu.dma_semaphore, #tpu.memory_space<semaphore_mem>>)
    %slice3A_1291 = vector.extract_strided_slice %get3A_3 {offsets = [14], sizes = [1], strides = [1]} : vector<16xi32> to vector<1xi32>
    %squeeze3A_1292 = vector.extract %slice3A_1291[0] : i32 from vector<1xi32>
    %shift_right_arithmetic3A_1293 = arith.constant 13 : i32
    %shift_right_arithmetic3A_1294 = arith.shrsi %squeeze3A_1292, %shift_right_arithmetic3A_1293 : i32
    %shift_right_arithmetic3A_1295 = arith.constant 7 : i32
    %shift_right_arithmetic3A_1296 = arith.shrsi %squeeze3A_1292, %shift_right_arithmetic3A_1295 : i32
    %and3A_1297 = arith.constant 63 : i32
    %and3A_1298 = arith.andi %shift_right_arithmetic3A_1296, %and3A_1297 : i32
    %mul3A_1299 = arith.constant 128 : i32
    %mul3A_1300 = arith.muli %and3A_1298, %mul3A_1299 : i32
    %dma_wait3A_1301 = arith.constant 0 : i32
    %dma_wait3A_1302 = arith.constant 0 : i32
    %dma_wait3A_1303 = arith.constant 0 : i32
    %dma_wait3A_1304 = tpu.memref_slice %arg6[%dma_wait3A_1301, %dma_wait3A_1302, %dma_wait3A_1303] : memref<2x64x128xf32, #tpu.memory_space<vmem>> -> memref<1x64x128xf32, #tpu.memory_space<vmem>>
    %dma_wait3A_1305 = tpu.memref_squeeze %dma_wait3A_1304 : memref<1x64x128xf32, #tpu.memory_space<vmem>> -> memref<64x128xf32, #tpu.memory_space<vmem>>
    %dma_wait3A_1306 = arith.constant 0 : i32
    %dma_wait3A_1307 = tpu.memref_slice %arg2[%shift_right_arithmetic3A_1294, %dma_wait3A_1306, %mul3A_1300] : memref<64x64x8192xf32, #tpu.memory_space<hbm>> -> memref<1x64x128xf32, #tpu.memory_space<hbm>>
    %dma_wait3A_1308 = tpu.memref_squeeze %dma_wait3A_1307 : memref<1x64x128xf32, #tpu.memory_space<hbm>> -> memref<64x128xf32, #tpu.memory_space<hbm>>
    %dma_wait3A_1309 = arith.constant 0 : i32
    %dma_wait3A_1310 = arith.constant 0 : i32
    %dma_wait3A_1311 = tpu.memref_slice %arg6[%dma_wait3A_1301, %dma_wait3A_1309, %dma_wait3A_1310] : memref<2x64x128xf32, #tpu.memory_space<vmem>> -> memref<1x64x128xf32, #tpu.memory_space<vmem>>
    %dma_wait3A_1312 = tpu.memref_squeeze %dma_wait3A_1311 : memref<1x64x128xf32, #tpu.memory_space<vmem>> -> memref<64x128xf32, #tpu.memory_space<vmem>>
    %dma_wait3A_1313 = arith.constant 0 : i32
    %dma_wait3A_1314 = tpu.memref_slice %arg2[%shift_right_arithmetic3A_1294, %dma_wait3A_1313, %mul3A_1300] : memref<64x64x8192xf32, #tpu.memory_space<hbm>> -> memref<1x64x128xf32, #tpu.memory_space<hbm>>
    %dma_wait3A_1315 = tpu.memref_squeeze %dma_wait3A_1314 : memref<1x64x128xf32, #tpu.memory_space<hbm>> -> memref<64x128xf32, #tpu.memory_space<hbm>>
    tpu.wait_dma2 semaphore(%arg8 : memref<!tpu.dma_semaphore, #tpu.memory_space<semaphore_mem>>) src(%dma_wait3A_1315 : memref<64x128xf32, #tpu.memory_space<hbm>>) dst(%dma_wait3A_1312 : memref<64x128xf32, #tpu.memory_space<vmem>>)
    %slice3A_1316 = vector.extract_strided_slice %get3A_3 {offsets = [14], sizes = [1], strides = [1]} : vector<16xi32> to vector<1xi32>
    %squeeze3A_1317 = vector.extract %slice3A_1316[0] : i32 from vector<1xi32>
    %and3A_1318 = arith.constant 127 : i32
    %and3A_1319 = arith.andi %squeeze3A_1317, %and3A_1318 : i32
    %broadcast_in_dim3A_1320 = vector.broadcast %and3A_1319 : i32 to vector<16xi32>
    %broadcast_in_dim3A_1321 = arith.constant 0 : i32
    %broadcast_in_dim3A_1322 = vector.broadcast %broadcast_in_dim3A_1321 : i32 to vector<16xi32>
    %add3A_1323 = arith.constant 0 : i32
    %add3A_1324 = vector.broadcast %add3A_1323 : i32 to vector<16xi32>
    %add3A_1325 = arith.addi %iota3A, %add3A_1324 : vector<16xi32>
    %gather3A_1326 = tpu.vector_load_idx %arg6[%broadcast_in_dim3A_1322, %add3A_1325, %broadcast_in_dim3A_1320] : memref<2x64x128xf32, #tpu.memory_space<vmem>>[vector<16xi32>, vector<16xi32>, vector<16xi32>], vector<16xf32>,
    %swap3A_1327 = arith.constant 14 : i32
    %swap3A_1328 = arith.index_cast %swap3A_1327 : i32 to index
    %swap3A_1329 = arith.constant 0 : index
    %swap3A_1330 = tpu.vector_load %arg7[%swap3A_1328, %swap3A_1329] {strides = array<i32>} : memref<16x64xf32, #tpu.memory_space<vmem>>, vector<16xf32>,
    tpu.vector_store %arg7[%swap3A_1328, %swap3A_1329], %gather3A_1326 {strides = array<i32>} : memref<16x64xf32, #tpu.memory_space<vmem>>, vector<16xf32>,
    %add3A_1331 = arith.constant 16 : i32
    %add3A_1332 = vector.broadcast %add3A_1331 : i32 to vector<16xi32>
    %add3A_1333 = arith.addi %iota3A, %add3A_1332 : vector<16xi32>
    %gather3A_1334 = tpu.vector_load_idx %arg6[%broadcast_in_dim3A_1322, %add3A_1333, %broadcast_in_dim3A_1320] : memref<2x64x128xf32, #tpu.memory_space<vmem>>[vector<16xi32>, vector<16xi32>, vector<16xi32>], vector<16xf32>,
    %swap3A_1335 = arith.constant 14 : i32
    %swap3A_1336 = arith.index_cast %swap3A_1335 : i32 to index
    %swap3A_1337 = arith.constant 16 : index
    %swap3A_1338 = tpu.vector_load %arg7[%swap3A_1336, %swap3A_1337] {strides = array<i32>} : memref<16x64xf32, #tpu.memory_space<vmem>>, vector<16xf32>,
    tpu.vector_store %arg7[%swap3A_1336, %swap3A_1337], %gather3A_1334 {strides = array<i32>} : memref<16x64xf32, #tpu.memory_space<vmem>>, vector<16xf32>,
    %add3A_1339 = arith.constant 32 : i32
    %add3A_1340 = vector.broadcast %add3A_1339 : i32 to vector<16xi32>
    %add3A_1341 = arith.addi %iota3A, %add3A_1340 : vector<16xi32>
    %gather3A_1342 = tpu.vector_load_idx %arg6[%broadcast_in_dim3A_1322, %add3A_1341, %broadcast_in_dim3A_1320] : memref<2x64x128xf32, #tpu.memory_space<vmem>>[vector<16xi32>, vector<16xi32>, vector<16xi32>], vector<16xf32>,
    %swap3A_1343 = arith.constant 14 : i32
    %swap3A_1344 = arith.index_cast %swap3A_1343 : i32 to index
    %swap3A_1345 = arith.constant 32 : index
    %swap3A_1346 = tpu.vector_load %arg7[%swap3A_1344, %swap3A_1345] {strides = array<i32>} : memref<16x64xf32, #tpu.memory_space<vmem>>, vector<16xf32>,
    tpu.vector_store %arg7[%swap3A_1344, %swap3A_1345], %gather3A_1342 {strides = array<i32>} : memref<16x64xf32, #tpu.memory_space<vmem>>, vector<16xf32>,
    %add3A_1347 = arith.constant 48 : i32
    %add3A_1348 = vector.broadcast %add3A_1347 : i32 to vector<16xi32>
    %add3A_1349 = arith.addi %iota3A, %add3A_1348 : vector<16xi32>
    %gather3A_1350 = tpu.vector_load_idx %arg6[%broadcast_in_dim3A_1322, %add3A_1349, %broadcast_in_dim3A_1320] : memref<2x64x128xf32, #tpu.memory_space<vmem>>[vector<16xi32>, vector<16xi32>, vector<16xi32>], vector<16xf32>,
    %swap3A_1351 = arith.constant 14 : i32
    %swap3A_1352 = arith.index_cast %swap3A_1351 : i32 to index
    %swap3A_1353 = arith.constant 48 : index
    %swap3A_1354 = tpu.vector_load %arg7[%swap3A_1352, %swap3A_1353] {strides = array<i32>} : memref<16x64xf32, #tpu.memory_space<vmem>>, vector<16xf32>,
    tpu.vector_store %arg7[%swap3A_1352, %swap3A_1353], %gather3A_1350 {strides = array<i32>} : memref<16x64xf32, #tpu.memory_space<vmem>>, vector<16xf32>,
    %slice3A_1355 = vector.extract_strided_slice %get3A_3 {offsets = [15], sizes = [1], strides = [1]} : vector<16xi32> to vector<1xi32>
    %squeeze3A_1356 = vector.extract %slice3A_1355[0] : i32 from vector<1xi32>
    %shift_right_arithmetic3A_1357 = arith.constant 13 : i32
    %shift_right_arithmetic3A_1358 = arith.shrsi %squeeze3A_1356, %shift_right_arithmetic3A_1357 : i32
    %shift_right_arithmetic3A_1359 = arith.constant 7 : i32
    %shift_right_arithmetic3A_1360 = arith.shrsi %squeeze3A_1356, %shift_right_arithmetic3A_1359 : i32
    %and3A_1361 = arith.constant 63 : i32
    %and3A_1362 = arith.andi %shift_right_arithmetic3A_1360, %and3A_1361 : i32
    %mul3A_1363 = arith.constant 128 : i32
    %mul3A_1364 = arith.muli %and3A_1362, %mul3A_1363 : i32
    %dma_wait3A_1365 = arith.constant 1 : i32
    %dma_wait3A_1366 = arith.constant 0 : i32
    %dma_wait3A_1367 = arith.constant 0 : i32
    %dma_wait3A_1368 = tpu.memref_slice %arg6[%dma_wait3A_1365, %dma_wait3A_1366, %dma_wait3A_1367] : memref<2x64x128xf32, #tpu.memory_space<vmem>> -> memref<1x64x128xf32, #tpu.memory_space<vmem>>
    %dma_wait3A_1369 = tpu.memref_squeeze %dma_wait3A_1368 : memref<1x64x128xf32, #tpu.memory_space<vmem>> -> memref<64x128xf32, #tpu.memory_space<vmem>>
    %dma_wait3A_1370 = arith.constant 0 : i32
    %dma_wait3A_1371 = tpu.memref_slice %arg2[%shift_right_arithmetic3A_1358, %dma_wait3A_1370, %mul3A_1364] : memref<64x64x8192xf32, #tpu.memory_space<hbm>> -> memref<1x64x128xf32, #tpu.memory_space<hbm>>
    %dma_wait3A_1372 = tpu.memref_squeeze %dma_wait3A_1371 : memref<1x64x128xf32, #tpu.memory_space<hbm>> -> memref<64x128xf32, #tpu.memory_space<hbm>>
    %dma_wait3A_1373 = arith.constant 0 : i32
    %dma_wait3A_1374 = arith.constant 0 : i32
    %dma_wait3A_1375 = tpu.memref_slice %arg6[%dma_wait3A_1365, %dma_wait3A_1373, %dma_wait3A_1374] : memref<2x64x128xf32, #tpu.memory_space<vmem>> -> memref<1x64x128xf32, #tpu.memory_space<vmem>>
    %dma_wait3A_1376 = tpu.memref_squeeze %dma_wait3A_1375 : memref<1x64x128xf32, #tpu.memory_space<vmem>> -> memref<64x128xf32, #tpu.memory_space<vmem>>
    %dma_wait3A_1377 = arith.constant 0 : i32
    %dma_wait3A_1378 = tpu.memref_slice %arg2[%shift_right_arithmetic3A_1358, %dma_wait3A_1377, %mul3A_1364] : memref<64x64x8192xf32, #tpu.memory_space<hbm>> -> memref<1x64x128xf32, #tpu.memory_space<hbm>>
    %dma_wait3A_1379 = tpu.memref_squeeze %dma_wait3A_1378 : memref<1x64x128xf32, #tpu.memory_space<hbm>> -> memref<64x128xf32, #tpu.memory_space<hbm>>
    tpu.wait_dma2 semaphore(%arg9 : memref<!tpu.dma_semaphore, #tpu.memory_space<semaphore_mem>>) src(%dma_wait3A_1379 : memref<64x128xf32, #tpu.memory_space<hbm>>) dst(%dma_wait3A_1376 : memref<64x128xf32, #tpu.memory_space<vmem>>)
    %slice3A_1380 = vector.extract_strided_slice %get3A_3 {offsets = [15], sizes = [1], strides = [1]} : vector<16xi32> to vector<1xi32>
    %squeeze3A_1381 = vector.extract %slice3A_1380[0] : i32 from vector<1xi32>
    %and3A_1382 = arith.constant 127 : i32
    %and3A_1383 = arith.andi %squeeze3A_1381, %and3A_1382 : i32
    %broadcast_in_dim3A_1384 = vector.broadcast %and3A_1383 : i32 to vector<16xi32>
    %broadcast_in_dim3A_1385 = arith.constant 1 : i32
    %broadcast_in_dim3A_1386 = vector.broadcast %broadcast_in_dim3A_1385 : i32 to vector<16xi32>
    %add3A_1387 = arith.constant 0 : i32
    %add3A_1388 = vector.broadcast %add3A_1387 : i32 to vector<16xi32>
    %add3A_1389 = arith.addi %iota3A, %add3A_1388 : vector<16xi32>
    %gather3A_1390 = tpu.vector_load_idx %arg6[%broadcast_in_dim3A_1386, %add3A_1389, %broadcast_in_dim3A_1384] : memref<2x64x128xf32, #tpu.memory_space<vmem>>[vector<16xi32>, vector<16xi32>, vector<16xi32>], vector<16xf32>,
    %swap3A_1391 = arith.constant 15 : i32
    %swap3A_1392 = arith.index_cast %swap3A_1391 : i32 to index
    %swap3A_1393 = arith.constant 0 : index
    %swap3A_1394 = tpu.vector_load %arg7[%swap3A_1392, %swap3A_1393] {strides = array<i32>} : memref<16x64xf32, #tpu.memory_space<vmem>>, vector<16xf32>,
    tpu.vector_store %arg7[%swap3A_1392, %swap3A_1393], %gather3A_1390 {strides = array<i32>} : memref<16x64xf32, #tpu.memory_space<vmem>>, vector<16xf32>,
    %add3A_1395 = arith.constant 16 : i32
    %add3A_1396 = vector.broadcast %add3A_1395 : i32 to vector<16xi32>
    %add3A_1397 = arith.addi %iota3A, %add3A_1396 : vector<16xi32>
    %gather3A_1398 = tpu.vector_load_idx %arg6[%broadcast_in_dim3A_1386, %add3A_1397, %broadcast_in_dim3A_1384] : memref<2x64x128xf32, #tpu.memory_space<vmem>>[vector<16xi32>, vector<16xi32>, vector<16xi32>], vector<16xf32>,
    %swap3A_1399 = arith.constant 15 : i32
    %swap3A_1400 = arith.index_cast %swap3A_1399 : i32 to index
    %swap3A_1401 = arith.constant 16 : index
    %swap3A_1402 = tpu.vector_load %arg7[%swap3A_1400, %swap3A_1401] {strides = array<i32>} : memref<16x64xf32, #tpu.memory_space<vmem>>, vector<16xf32>,
    tpu.vector_store %arg7[%swap3A_1400, %swap3A_1401], %gather3A_1398 {strides = array<i32>} : memref<16x64xf32, #tpu.memory_space<vmem>>, vector<16xf32>,
    %add3A_1403 = arith.constant 32 : i32
    %add3A_1404 = vector.broadcast %add3A_1403 : i32 to vector<16xi32>
    %add3A_1405 = arith.addi %iota3A, %add3A_1404 : vector<16xi32>
    %gather3A_1406 = tpu.vector_load_idx %arg6[%broadcast_in_dim3A_1386, %add3A_1405, %broadcast_in_dim3A_1384] : memref<2x64x128xf32, #tpu.memory_space<vmem>>[vector<16xi32>, vector<16xi32>, vector<16xi32>], vector<16xf32>,
    %swap3A_1407 = arith.constant 15 : i32
    %swap3A_1408 = arith.index_cast %swap3A_1407 : i32 to index
    %swap3A_1409 = arith.constant 32 : index
    %swap3A_1410 = tpu.vector_load %arg7[%swap3A_1408, %swap3A_1409] {strides = array<i32>} : memref<16x64xf32, #tpu.memory_space<vmem>>, vector<16xf32>,
    tpu.vector_store %arg7[%swap3A_1408, %swap3A_1409], %gather3A_1406 {strides = array<i32>} : memref<16x64xf32, #tpu.memory_space<vmem>>, vector<16xf32>,
    %add3A_1411 = arith.constant 48 : i32
    %add3A_1412 = vector.broadcast %add3A_1411 : i32 to vector<16xi32>
    %add3A_1413 = arith.addi %iota3A, %add3A_1412 : vector<16xi32>
    %gather3A_1414 = tpu.vector_load_idx %arg6[%broadcast_in_dim3A_1386, %add3A_1413, %broadcast_in_dim3A_1384] : memref<2x64x128xf32, #tpu.memory_space<vmem>>[vector<16xi32>, vector<16xi32>, vector<16xi32>], vector<16xf32>,
    %swap3A_1415 = arith.constant 15 : i32
    %swap3A_1416 = arith.index_cast %swap3A_1415 : i32 to index
    %swap3A_1417 = arith.constant 48 : index
    %swap3A_1418 = tpu.vector_load %arg7[%swap3A_1416, %swap3A_1417] {strides = array<i32>} : memref<16x64xf32, #tpu.memory_space<vmem>>, vector<16xf32>,
    tpu.vector_store %arg7[%swap3A_1416, %swap3A_1417], %gather3A_1414 {strides = array<i32>} : memref<16x64xf32, #tpu.memory_space<vmem>>, vector<16xf32>,
    "tpu.region"() ({
      %run_scoped3A = tpu.sem_alloc : memref<!tpu.dma_semaphore, #tpu.memory_space<semaphore_mem>>
      %dma_start3A_1419 = arith.constant 0 : i32
      %dma_start3A_1420 = tpu.memref_slice %arg4[%mul3A_2, %dma_start3A_1419] : memref<512x64xf32, #tpu.memory_space<hbm>> -> memref<16x64xf32, #tpu.memory_space<hbm>>
      %dma_start3A_1421 = arith.constant 0 : i32
      %dma_start3A_1422 = tpu.memref_slice %arg4[%mul3A_2, %dma_start3A_1421] : memref<512x64xf32, #tpu.memory_space<hbm>> -> memref<16x64xf32, #tpu.memory_space<hbm>>
      tpu.enqueue_dma source(%arg7 : memref<16x64xf32, #tpu.memory_space<vmem>>) target(%dma_start3A_1422 : memref<16x64xf32, #tpu.memory_space<hbm>>) target_semaphore(%run_scoped3A : memref<!tpu.dma_semaphore, #tpu.memory_space<semaphore_mem>>)
      %dma_wait3A_1423 = arith.constant 0 : i32
      %dma_wait3A_1424 = tpu.memref_slice %arg4[%mul3A_2, %dma_wait3A_1423] : memref<512x64xf32, #tpu.memory_space<hbm>> -> memref<16x64xf32, #tpu.memory_space<hbm>>
      %dma_wait3A_1425 = arith.constant 0 : i32
      %dma_wait3A_1426 = tpu.memref_slice %arg4[%mul3A_2, %dma_wait3A_1425] : memref<512x64xf32, #tpu.memory_space<hbm>> -> memref<16x64xf32, #tpu.memory_space<hbm>>
      tpu.wait_dma2 semaphore(%run_scoped3A : memref<!tpu.dma_semaphore, #tpu.memory_space<semaphore_mem>>) src(%arg7 : memref<16x64xf32, #tpu.memory_space<vmem>>) dst(%dma_wait3A_1426 : memref<16x64xf32, #tpu.memory_space<hbm>>)
      tpu.yield
    }) : () -> ()
    return
  }
}

module attributes {stable_mosaic.version = 14 : i64} {
  func.func @_fused_body(%arg0: i32, %arg1: memref<4x64x8192xf32, #tpu.memory_space<vmem>>, %arg2: memref<32x64xbf16, #tpu.memory_space<vmem>>, %arg3: memref<32x1xf32, #tpu.memory_space<vmem>>, %arg4: memref<8x32xbf16, #tpu.memory_space<vmem>>, %arg5: memref<1x1xf32, #tpu.memory_space<vmem>>, %arg6: memref<1x8192xf32, #tpu.memory_space<vmem>>, %arg7: memref<64x8192xf32, #tpu.memory_space<vmem>>, %arg8: memref<64x8192xf32, #tpu.memory_space<vmem>>, %arg9: memref<64x8xi32, #tpu.memory_space<vmem>>, %arg10: memref<64x8xi32, #tpu.memory_space<vmem>>, %arg11: memref<64x8192xf32, #tpu.memory_space<vmem>>) attributes {dimension_semantics = [#tpu.dimension_semantics<arbitrary>], iteration_bounds = array<i64: 16>, scalar_prefetch = 0 : i64, scratch_operands = 1 : i64, tpu.core_type = #tpu.core_type<tc>, window_params = [{transform_indices = @transform_0, window_bounds = array<i64: 4, 64, 8192>}, {pipeline_mode = #tpu.pipeline_mode<synchronous>, transform_indices = @transform_1, window_bounds = array<i64: 32, 64>}, {pipeline_mode = #tpu.pipeline_mode<synchronous>, transform_indices = @transform_2, window_bounds = array<i64: 32, 1>}, {pipeline_mode = #tpu.pipeline_mode<synchronous>, transform_indices = @transform_3, window_bounds = array<i64: 8, 32>}, {pipeline_mode = #tpu.pipeline_mode<synchronous>, transform_indices = @transform_4, window_bounds = array<i64: 1, 1>}, {pipeline_mode = #tpu.pipeline_mode<synchronous>, transform_indices = @transform_5, window_bounds = array<i64: 1, 8192>}, {pipeline_mode = #tpu.pipeline_mode<synchronous>, transform_indices = @transform_6, window_bounds = array<i64: 64, 8192>}, {pipeline_mode = #tpu.pipeline_mode<synchronous>, transform_indices = @transform_7, window_bounds = array<i64: 64, 8192>}, {pipeline_mode = #tpu.pipeline_mode<synchronous>, transform_indices = @transform_8, window_bounds = array<i64: 64, 8>}, {pipeline_mode = #tpu.pipeline_mode<synchronous>, transform_indices = @transform_9, window_bounds = array<i64: 64, 8>}]} {
    %get3A = arith.constant 0 : index
    %get3A_0 = arith.constant 0 : index
    %get3A_1 = arith.constant 0 : index
    %get3A_2 = vector.load %arg1[%get3A, %get3A_0, %get3A_1] : memref<4x64x8192xf32, #tpu.memory_space<vmem>>, vector<1x64x8192xf32>
    %get3A_3 = vector.shape_cast %get3A_2 : vector<1x64x8192xf32> to vector<64x8192xf32>
    %get3A_4 = arith.constant 0 : index
    %get3A_5 = arith.constant 0 : index
    %get3A_6 = vector.load %arg2[%get3A_4, %get3A_5] : memref<32x64xbf16, #tpu.memory_space<vmem>>, vector<32x64xbf16>
    %convert_element_type3A = arith.truncf %get3A_3 : vector<64x8192xf32> to vector<64x8192xbf16>
    %dot_general3A = arith.constant dense<0.000000e+00> : vector<32x8192xf32>
    %dot_general3A_7 = tpu.matmul %get3A_6, %convert_element_type3A, %dot_general3A {dimension_numbers = #tpu.dot_dimension_numbers<[1], [0], [0], [1], [0, 0, 1, 1], [], []>, transpose_lhs_hint = false} : vector<32x64xbf16>, vector<64x8192xbf16>, vector<32x8192xf32> -> vector<32x8192xf32>
    %get3A_8 = arith.constant 0 : index
    %get3A_9 = arith.constant 0 : index
    %get3A_10 = vector.load %arg3[%get3A_8, %get3A_9] : memref<32x1xf32, #tpu.memory_space<vmem>>, vector<32x1xf32>
    %add3A = vector.broadcast %get3A_10 : vector<32x1xf32> to vector<32x8192xf32>
    %add3A_11 = arith.addf %dot_general3A_7, %add3A : vector<32x8192xf32>
    %div3A = arith.constant 1.41421354 : f32
    %div3A_12 = vector.broadcast %div3A : f32 to vector<32x8192xf32>
    %div3A_13 = arith.divf %add3A_11, %div3A_12 : vector<32x8192xf32>
    %jit3A = arith.constant -4.000000e+00 : f32
    %jit3A_14 = arith.constant 4.000000e+00 : f32
    %max3A = vector.broadcast %jit3A : f32 to vector<32x8192xf32>
    %max3A_15 = arith.maximumf %max3A, %div3A_13 : vector<32x8192xf32>
    %min3A = vector.broadcast %jit3A_14 : f32 to vector<32x8192xf32>
    %min3A_16 = arith.minimumf %min3A, %max3A_15 : vector<32x8192xf32>
    %mul3A = arith.mulf %min3A_16, %min3A_16 : vector<32x8192xf32>
    %mul3A_17 = arith.constant -2.72614237E-10 : f32
    %mul3A_18 = vector.broadcast %mul3A_17 : f32 to vector<32x8192xf32>
    %mul3A_19 = arith.mulf %mul3A_18, %mul3A : vector<32x8192xf32>
    %add3A_20 = arith.constant 2.77068146E-8 : f32
    %add3A_21 = vector.broadcast %add3A_20 : f32 to vector<32x8192xf32>
    %add3A_22 = arith.addf %mul3A_19, %add3A_21 : vector<32x8192xf32>
    %mul3A_23 = arith.mulf %add3A_22, %mul3A : vector<32x8192xf32>
    %add3A_24 = arith.constant -2.10102394E-6 : f32
    %add3A_25 = vector.broadcast %add3A_24 : f32 to vector<32x8192xf32>
    %add3A_26 = arith.addf %mul3A_23, %add3A_25 : vector<32x8192xf32>
    %mul3A_27 = arith.mulf %add3A_26, %mul3A : vector<32x8192xf32>
    %add3A_28 = arith.constant -5.69250624E-5 : f32
    %add3A_29 = vector.broadcast %add3A_28 : f32 to vector<32x8192xf32>
    %add3A_30 = arith.addf %mul3A_27, %add3A_29 : vector<32x8192xf32>
    %mul3A_31 = arith.mulf %add3A_30, %mul3A : vector<32x8192xf32>
    %add3A_32 = arith.constant -7.34990637E-4 : f32
    %add3A_33 = vector.broadcast %add3A_32 : f32 to vector<32x8192xf32>
    %add3A_34 = arith.addf %mul3A_31, %add3A_33 : vector<32x8192xf32>
    %mul3A_35 = arith.mulf %add3A_34, %mul3A : vector<32x8192xf32>
    %add3A_36 = arith.constant -2.954600e-03 : f32
    %add3A_37 = vector.broadcast %add3A_36 : f32 to vector<32x8192xf32>
    %add3A_38 = arith.addf %mul3A_35, %add3A_37 : vector<32x8192xf32>
    %mul3A_39 = arith.mulf %add3A_38, %mul3A : vector<32x8192xf32>
    %add3A_40 = arith.constant -0.0160960332 : f32
    %add3A_41 = vector.broadcast %add3A_40 : f32 to vector<32x8192xf32>
    %add3A_42 = arith.addf %mul3A_39, %add3A_41 : vector<32x8192xf32>
    %mul3A_43 = arith.mulf %min3A_16, %add3A_42 : vector<32x8192xf32>
    %mul3A_44 = arith.constant -1.45660715E-5 : f32
    %mul3A_45 = vector.broadcast %mul3A_44 : f32 to vector<32x8192xf32>
    %mul3A_46 = arith.mulf %mul3A_45, %mul3A : vector<32x8192xf32>
    %add3A_47 = arith.constant -2.13374049E-4 : f32
    %add3A_48 = vector.broadcast %add3A_47 : f32 to vector<32x8192xf32>
    %add3A_49 = arith.addf %mul3A_46, %add3A_48 : vector<32x8192xf32>
    %mul3A_50 = arith.mulf %add3A_49, %mul3A : vector<32x8192xf32>
    %add3A_51 = arith.constant -0.00168282702 : f32
    %add3A_52 = vector.broadcast %add3A_51 : f32 to vector<32x8192xf32>
    %add3A_53 = arith.addf %mul3A_50, %add3A_52 : vector<32x8192xf32>
    %mul3A_54 = arith.mulf %add3A_53, %mul3A : vector<32x8192xf32>
    %add3A_55 = arith.constant -0.00737332925 : f32
    %add3A_56 = vector.broadcast %add3A_55 : f32 to vector<32x8192xf32>
    %add3A_57 = arith.addf %mul3A_54, %add3A_56 : vector<32x8192xf32>
    %mul3A_58 = arith.mulf %add3A_57, %mul3A : vector<32x8192xf32>
    %add3A_59 = arith.constant -0.0142647391 : f32
    %add3A_60 = vector.broadcast %add3A_59 : f32 to vector<32x8192xf32>
    %add3A_61 = arith.addf %mul3A_58, %add3A_60 : vector<32x8192xf32>
    %div3A_62 = arith.divf %mul3A_43, %add3A_61 : vector<32x8192xf32>
    %add3A_63 = arith.constant 1.000000e+00 : f32
    %add3A_64 = vector.broadcast %add3A_63 : f32 to vector<32x8192xf32>
    %add3A_65 = arith.addf %div3A_62, %add3A_64 : vector<32x8192xf32>
    %mul3A_66 = arith.mulf %add3A_11, %add3A_65 : vector<32x8192xf32>
    %div3A_67 = arith.constant 2.000000e+00 : f32
    %div3A_68 = vector.broadcast %div3A_67 : f32 to vector<32x8192xf32>
    %div3A_69 = arith.divf %mul3A_66, %div3A_68 : vector<32x8192xf32>
    %get3A_70 = arith.constant 0 : index
    %get3A_71 = arith.constant 0 : index
    %get3A_72 = vector.load %arg4[%get3A_70, %get3A_71] : memref<8x32xbf16, #tpu.memory_space<vmem>>, vector<8x32xbf16>
    %convert_element_type3A_73 = arith.truncf %div3A_69 : vector<32x8192xf32> to vector<32x8192xbf16>
    %dot_general3A_74 = arith.constant dense<0.000000e+00> : vector<8x8192xf32>
    %dot_general3A_75 = tpu.matmul %get3A_72, %convert_element_type3A_73, %dot_general3A_74 {dimension_numbers = #tpu.dot_dimension_numbers<[1], [0], [0], [1], [0, 0, 1, 1], [], []>, transpose_lhs_hint = false} : vector<8x32xbf16>, vector<32x8192xbf16>, vector<8x8192xf32> -> vector<8x8192xf32>
    %slice3A = vector.extract_strided_slice %dot_general3A_75 {offsets = [0, 0], sizes = [1, 8192], strides = [1, 1]} : vector<8x8192xf32> to vector<1x8192xf32>
    %get3A_76 = arith.constant 0 : index
    %get3A_77 = arith.constant 0 : index
    %get3A_78 = vector.load %arg5[%get3A_76, %get3A_77] : memref<1x1xf32, #tpu.memory_space<vmem>>, vector<1x1xf32>
    %add3A_79 = vector.broadcast %get3A_78 : vector<1x1xf32> to vector<1x8192xf32>
    %add3A_80 = arith.addf %slice3A, %add3A_79 : vector<1x8192xf32>
    %mul3A_81 = arith.constant 4 : i32
    %mul3A_82 = arith.muli %arg0, %mul3A_81 : i32
    %add3A_83 = arith.constant 0 : i32
    %add3A_84 = arith.addi %mul3A_82, %add3A_83 : i32
    %swap3A = arith.index_cast %add3A_84 : i32 to index
    %swap3A_85 = arith.constant 0 : index
    %swap3A_86 = vector.load %arg11[%swap3A, %swap3A_85] : memref<64x8192xf32, #tpu.memory_space<vmem>>, vector<1x8192xf32>
    tpu.vector_store %arg11[%swap3A, %swap3A_85], %add3A_80 {strides = array<i32>} : memref<64x8192xf32, #tpu.memory_space<vmem>>, vector<1x8192xf32>,
    %get3A_87 = arith.constant 1 : index
    %get3A_88 = arith.constant 0 : index
    %get3A_89 = arith.constant 0 : index
    %get3A_90 = vector.load %arg1[%get3A_87, %get3A_88, %get3A_89] : memref<4x64x8192xf32, #tpu.memory_space<vmem>>, vector<1x64x8192xf32>
    %get3A_91 = vector.shape_cast %get3A_90 : vector<1x64x8192xf32> to vector<64x8192xf32>
    %get3A_92 = arith.constant 0 : index
    %get3A_93 = arith.constant 0 : index
    %get3A_94 = vector.load %arg2[%get3A_92, %get3A_93] : memref<32x64xbf16, #tpu.memory_space<vmem>>, vector<32x64xbf16>
    %convert_element_type3A_95 = arith.truncf %get3A_91 : vector<64x8192xf32> to vector<64x8192xbf16>
    %dot_general3A_96 = arith.constant dense<0.000000e+00> : vector<32x8192xf32>
    %dot_general3A_97 = tpu.matmul %get3A_94, %convert_element_type3A_95, %dot_general3A_96 {dimension_numbers = #tpu.dot_dimension_numbers<[1], [0], [0], [1], [0, 0, 1, 1], [], []>, transpose_lhs_hint = false} : vector<32x64xbf16>, vector<64x8192xbf16>, vector<32x8192xf32> -> vector<32x8192xf32>
    %get3A_98 = arith.constant 0 : index
    %get3A_99 = arith.constant 0 : index
    %get3A_100 = vector.load %arg3[%get3A_98, %get3A_99] : memref<32x1xf32, #tpu.memory_space<vmem>>, vector<32x1xf32>
    %add3A_101 = vector.broadcast %get3A_100 : vector<32x1xf32> to vector<32x8192xf32>
    %add3A_102 = arith.addf %dot_general3A_97, %add3A_101 : vector<32x8192xf32>
    %div3A_103 = arith.constant 1.41421354 : f32
    %div3A_104 = vector.broadcast %div3A_103 : f32 to vector<32x8192xf32>
    %div3A_105 = arith.divf %add3A_102, %div3A_104 : vector<32x8192xf32>
    %jit3A_106 = arith.constant -4.000000e+00 : f32
    %jit3A_107 = arith.constant 4.000000e+00 : f32
    %max3A_108 = vector.broadcast %jit3A_106 : f32 to vector<32x8192xf32>
    %max3A_109 = arith.maximumf %max3A_108, %div3A_105 : vector<32x8192xf32>
    %min3A_110 = vector.broadcast %jit3A_107 : f32 to vector<32x8192xf32>
    %min3A_111 = arith.minimumf %min3A_110, %max3A_109 : vector<32x8192xf32>
    %mul3A_112 = arith.mulf %min3A_111, %min3A_111 : vector<32x8192xf32>
    %mul3A_113 = arith.constant -2.72614237E-10 : f32
    %mul3A_114 = vector.broadcast %mul3A_113 : f32 to vector<32x8192xf32>
    %mul3A_115 = arith.mulf %mul3A_114, %mul3A_112 : vector<32x8192xf32>
    %add3A_116 = arith.constant 2.77068146E-8 : f32
    %add3A_117 = vector.broadcast %add3A_116 : f32 to vector<32x8192xf32>
    %add3A_118 = arith.addf %mul3A_115, %add3A_117 : vector<32x8192xf32>
    %mul3A_119 = arith.mulf %add3A_118, %mul3A_112 : vector<32x8192xf32>
    %add3A_120 = arith.constant -2.10102394E-6 : f32
    %add3A_121 = vector.broadcast %add3A_120 : f32 to vector<32x8192xf32>
    %add3A_122 = arith.addf %mul3A_119, %add3A_121 : vector<32x8192xf32>
    %mul3A_123 = arith.mulf %add3A_122, %mul3A_112 : vector<32x8192xf32>
    %add3A_124 = arith.constant -5.69250624E-5 : f32
    %add3A_125 = vector.broadcast %add3A_124 : f32 to vector<32x8192xf32>
    %add3A_126 = arith.addf %mul3A_123, %add3A_125 : vector<32x8192xf32>
    %mul3A_127 = arith.mulf %add3A_126, %mul3A_112 : vector<32x8192xf32>
    %add3A_128 = arith.constant -7.34990637E-4 : f32
    %add3A_129 = vector.broadcast %add3A_128 : f32 to vector<32x8192xf32>
    %add3A_130 = arith.addf %mul3A_127, %add3A_129 : vector<32x8192xf32>
    %mul3A_131 = arith.mulf %add3A_130, %mul3A_112 : vector<32x8192xf32>
    %add3A_132 = arith.constant -2.954600e-03 : f32
    %add3A_133 = vector.broadcast %add3A_132 : f32 to vector<32x8192xf32>
    %add3A_134 = arith.addf %mul3A_131, %add3A_133 : vector<32x8192xf32>
    %mul3A_135 = arith.mulf %add3A_134, %mul3A_112 : vector<32x8192xf32>
    %add3A_136 = arith.constant -0.0160960332 : f32
    %add3A_137 = vector.broadcast %add3A_136 : f32 to vector<32x8192xf32>
    %add3A_138 = arith.addf %mul3A_135, %add3A_137 : vector<32x8192xf32>
    %mul3A_139 = arith.mulf %min3A_111, %add3A_138 : vector<32x8192xf32>
    %mul3A_140 = arith.constant -1.45660715E-5 : f32
    %mul3A_141 = vector.broadcast %mul3A_140 : f32 to vector<32x8192xf32>
    %mul3A_142 = arith.mulf %mul3A_141, %mul3A_112 : vector<32x8192xf32>
    %add3A_143 = arith.constant -2.13374049E-4 : f32
    %add3A_144 = vector.broadcast %add3A_143 : f32 to vector<32x8192xf32>
    %add3A_145 = arith.addf %mul3A_142, %add3A_144 : vector<32x8192xf32>
    %mul3A_146 = arith.mulf %add3A_145, %mul3A_112 : vector<32x8192xf32>
    %add3A_147 = arith.constant -0.00168282702 : f32
    %add3A_148 = vector.broadcast %add3A_147 : f32 to vector<32x8192xf32>
    %add3A_149 = arith.addf %mul3A_146, %add3A_148 : vector<32x8192xf32>
    %mul3A_150 = arith.mulf %add3A_149, %mul3A_112 : vector<32x8192xf32>
    %add3A_151 = arith.constant -0.00737332925 : f32
    %add3A_152 = vector.broadcast %add3A_151 : f32 to vector<32x8192xf32>
    %add3A_153 = arith.addf %mul3A_150, %add3A_152 : vector<32x8192xf32>
    %mul3A_154 = arith.mulf %add3A_153, %mul3A_112 : vector<32x8192xf32>
    %add3A_155 = arith.constant -0.0142647391 : f32
    %add3A_156 = vector.broadcast %add3A_155 : f32 to vector<32x8192xf32>
    %add3A_157 = arith.addf %mul3A_154, %add3A_156 : vector<32x8192xf32>
    %div3A_158 = arith.divf %mul3A_139, %add3A_157 : vector<32x8192xf32>
    %add3A_159 = arith.constant 1.000000e+00 : f32
    %add3A_160 = vector.broadcast %add3A_159 : f32 to vector<32x8192xf32>
    %add3A_161 = arith.addf %div3A_158, %add3A_160 : vector<32x8192xf32>
    %mul3A_162 = arith.mulf %add3A_102, %add3A_161 : vector<32x8192xf32>
    %div3A_163 = arith.constant 2.000000e+00 : f32
    %div3A_164 = vector.broadcast %div3A_163 : f32 to vector<32x8192xf32>
    %div3A_165 = arith.divf %mul3A_162, %div3A_164 : vector<32x8192xf32>
    %get3A_166 = arith.constant 0 : index
    %get3A_167 = arith.constant 0 : index
    %get3A_168 = vector.load %arg4[%get3A_166, %get3A_167] : memref<8x32xbf16, #tpu.memory_space<vmem>>, vector<8x32xbf16>
    %convert_element_type3A_169 = arith.truncf %div3A_165 : vector<32x8192xf32> to vector<32x8192xbf16>
    %dot_general3A_170 = arith.constant dense<0.000000e+00> : vector<8x8192xf32>
    %dot_general3A_171 = tpu.matmul %get3A_168, %convert_element_type3A_169, %dot_general3A_170 {dimension_numbers = #tpu.dot_dimension_numbers<[1], [0], [0], [1], [0, 0, 1, 1], [], []>, transpose_lhs_hint = false} : vector<8x32xbf16>, vector<32x8192xbf16>, vector<8x8192xf32> -> vector<8x8192xf32>
    %slice3A_172 = vector.extract_strided_slice %dot_general3A_171 {offsets = [0, 0], sizes = [1, 8192], strides = [1, 1]} : vector<8x8192xf32> to vector<1x8192xf32>
    %get3A_173 = arith.constant 0 : index
    %get3A_174 = arith.constant 0 : index
    %get3A_175 = vector.load %arg5[%get3A_173, %get3A_174] : memref<1x1xf32, #tpu.memory_space<vmem>>, vector<1x1xf32>
    %add3A_176 = vector.broadcast %get3A_175 : vector<1x1xf32> to vector<1x8192xf32>
    %add3A_177 = arith.addf %slice3A_172, %add3A_176 : vector<1x8192xf32>
    %mul3A_178 = arith.constant 4 : i32
    %mul3A_179 = arith.muli %arg0, %mul3A_178 : i32
    %add3A_180 = arith.constant 1 : i32
    %add3A_181 = arith.addi %mul3A_179, %add3A_180 : i32
    %swap3A_182 = arith.index_cast %add3A_181 : i32 to index
    %swap3A_183 = arith.constant 0 : index
    %swap3A_184 = vector.load %arg11[%swap3A_182, %swap3A_183] : memref<64x8192xf32, #tpu.memory_space<vmem>>, vector<1x8192xf32>
    tpu.vector_store %arg11[%swap3A_182, %swap3A_183], %add3A_177 {strides = array<i32>} : memref<64x8192xf32, #tpu.memory_space<vmem>>, vector<1x8192xf32>,
    %get3A_185 = arith.constant 2 : index
    %get3A_186 = arith.constant 0 : index
    %get3A_187 = arith.constant 0 : index
    %get3A_188 = vector.load %arg1[%get3A_185, %get3A_186, %get3A_187] : memref<4x64x8192xf32, #tpu.memory_space<vmem>>, vector<1x64x8192xf32>
    %get3A_189 = vector.shape_cast %get3A_188 : vector<1x64x8192xf32> to vector<64x8192xf32>
    %get3A_190 = arith.constant 0 : index
    %get3A_191 = arith.constant 0 : index
    %get3A_192 = vector.load %arg2[%get3A_190, %get3A_191] : memref<32x64xbf16, #tpu.memory_space<vmem>>, vector<32x64xbf16>
    %convert_element_type3A_193 = arith.truncf %get3A_189 : vector<64x8192xf32> to vector<64x8192xbf16>
    %dot_general3A_194 = arith.constant dense<0.000000e+00> : vector<32x8192xf32>
    %dot_general3A_195 = tpu.matmul %get3A_192, %convert_element_type3A_193, %dot_general3A_194 {dimension_numbers = #tpu.dot_dimension_numbers<[1], [0], [0], [1], [0, 0, 1, 1], [], []>, transpose_lhs_hint = false} : vector<32x64xbf16>, vector<64x8192xbf16>, vector<32x8192xf32> -> vector<32x8192xf32>
    %get3A_196 = arith.constant 0 : index
    %get3A_197 = arith.constant 0 : index
    %get3A_198 = vector.load %arg3[%get3A_196, %get3A_197] : memref<32x1xf32, #tpu.memory_space<vmem>>, vector<32x1xf32>
    %add3A_199 = vector.broadcast %get3A_198 : vector<32x1xf32> to vector<32x8192xf32>
    %add3A_200 = arith.addf %dot_general3A_195, %add3A_199 : vector<32x8192xf32>
    %div3A_201 = arith.constant 1.41421354 : f32
    %div3A_202 = vector.broadcast %div3A_201 : f32 to vector<32x8192xf32>
    %div3A_203 = arith.divf %add3A_200, %div3A_202 : vector<32x8192xf32>
    %jit3A_204 = arith.constant -4.000000e+00 : f32
    %jit3A_205 = arith.constant 4.000000e+00 : f32
    %max3A_206 = vector.broadcast %jit3A_204 : f32 to vector<32x8192xf32>
    %max3A_207 = arith.maximumf %max3A_206, %div3A_203 : vector<32x8192xf32>
    %min3A_208 = vector.broadcast %jit3A_205 : f32 to vector<32x8192xf32>
    %min3A_209 = arith.minimumf %min3A_208, %max3A_207 : vector<32x8192xf32>
    %mul3A_210 = arith.mulf %min3A_209, %min3A_209 : vector<32x8192xf32>
    %mul3A_211 = arith.constant -2.72614237E-10 : f32
    %mul3A_212 = vector.broadcast %mul3A_211 : f32 to vector<32x8192xf32>
    %mul3A_213 = arith.mulf %mul3A_212, %mul3A_210 : vector<32x8192xf32>
    %add3A_214 = arith.constant 2.77068146E-8 : f32
    %add3A_215 = vector.broadcast %add3A_214 : f32 to vector<32x8192xf32>
    %add3A_216 = arith.addf %mul3A_213, %add3A_215 : vector<32x8192xf32>
    %mul3A_217 = arith.mulf %add3A_216, %mul3A_210 : vector<32x8192xf32>
    %add3A_218 = arith.constant -2.10102394E-6 : f32
    %add3A_219 = vector.broadcast %add3A_218 : f32 to vector<32x8192xf32>
    %add3A_220 = arith.addf %mul3A_217, %add3A_219 : vector<32x8192xf32>
    %mul3A_221 = arith.mulf %add3A_220, %mul3A_210 : vector<32x8192xf32>
    %add3A_222 = arith.constant -5.69250624E-5 : f32
    %add3A_223 = vector.broadcast %add3A_222 : f32 to vector<32x8192xf32>
    %add3A_224 = arith.addf %mul3A_221, %add3A_223 : vector<32x8192xf32>
    %mul3A_225 = arith.mulf %add3A_224, %mul3A_210 : vector<32x8192xf32>
    %add3A_226 = arith.constant -7.34990637E-4 : f32
    %add3A_227 = vector.broadcast %add3A_226 : f32 to vector<32x8192xf32>
    %add3A_228 = arith.addf %mul3A_225, %add3A_227 : vector<32x8192xf32>
    %mul3A_229 = arith.mulf %add3A_228, %mul3A_210 : vector<32x8192xf32>
    %add3A_230 = arith.constant -2.954600e-03 : f32
    %add3A_231 = vector.broadcast %add3A_230 : f32 to vector<32x8192xf32>
    %add3A_232 = arith.addf %mul3A_229, %add3A_231 : vector<32x8192xf32>
    %mul3A_233 = arith.mulf %add3A_232, %mul3A_210 : vector<32x8192xf32>
    %add3A_234 = arith.constant -0.0160960332 : f32
    %add3A_235 = vector.broadcast %add3A_234 : f32 to vector<32x8192xf32>
    %add3A_236 = arith.addf %mul3A_233, %add3A_235 : vector<32x8192xf32>
    %mul3A_237 = arith.mulf %min3A_209, %add3A_236 : vector<32x8192xf32>
    %mul3A_238 = arith.constant -1.45660715E-5 : f32
    %mul3A_239 = vector.broadcast %mul3A_238 : f32 to vector<32x8192xf32>
    %mul3A_240 = arith.mulf %mul3A_239, %mul3A_210 : vector<32x8192xf32>
    %add3A_241 = arith.constant -2.13374049E-4 : f32
    %add3A_242 = vector.broadcast %add3A_241 : f32 to vector<32x8192xf32>
    %add3A_243 = arith.addf %mul3A_240, %add3A_242 : vector<32x8192xf32>
    %mul3A_244 = arith.mulf %add3A_243, %mul3A_210 : vector<32x8192xf32>
    %add3A_245 = arith.constant -0.00168282702 : f32
    %add3A_246 = vector.broadcast %add3A_245 : f32 to vector<32x8192xf32>
    %add3A_247 = arith.addf %mul3A_244, %add3A_246 : vector<32x8192xf32>
    %mul3A_248 = arith.mulf %add3A_247, %mul3A_210 : vector<32x8192xf32>
    %add3A_249 = arith.constant -0.00737332925 : f32
    %add3A_250 = vector.broadcast %add3A_249 : f32 to vector<32x8192xf32>
    %add3A_251 = arith.addf %mul3A_248, %add3A_250 : vector<32x8192xf32>
    %mul3A_252 = arith.mulf %add3A_251, %mul3A_210 : vector<32x8192xf32>
    %add3A_253 = arith.constant -0.0142647391 : f32
    %add3A_254 = vector.broadcast %add3A_253 : f32 to vector<32x8192xf32>
    %add3A_255 = arith.addf %mul3A_252, %add3A_254 : vector<32x8192xf32>
    %div3A_256 = arith.divf %mul3A_237, %add3A_255 : vector<32x8192xf32>
    %add3A_257 = arith.constant 1.000000e+00 : f32
    %add3A_258 = vector.broadcast %add3A_257 : f32 to vector<32x8192xf32>
    %add3A_259 = arith.addf %div3A_256, %add3A_258 : vector<32x8192xf32>
    %mul3A_260 = arith.mulf %add3A_200, %add3A_259 : vector<32x8192xf32>
    %div3A_261 = arith.constant 2.000000e+00 : f32
    %div3A_262 = vector.broadcast %div3A_261 : f32 to vector<32x8192xf32>
    %div3A_263 = arith.divf %mul3A_260, %div3A_262 : vector<32x8192xf32>
    %get3A_264 = arith.constant 0 : index
    %get3A_265 = arith.constant 0 : index
    %get3A_266 = vector.load %arg4[%get3A_264, %get3A_265] : memref<8x32xbf16, #tpu.memory_space<vmem>>, vector<8x32xbf16>
    %convert_element_type3A_267 = arith.truncf %div3A_263 : vector<32x8192xf32> to vector<32x8192xbf16>
    %dot_general3A_268 = arith.constant dense<0.000000e+00> : vector<8x8192xf32>
    %dot_general3A_269 = tpu.matmul %get3A_266, %convert_element_type3A_267, %dot_general3A_268 {dimension_numbers = #tpu.dot_dimension_numbers<[1], [0], [0], [1], [0, 0, 1, 1], [], []>, transpose_lhs_hint = false} : vector<8x32xbf16>, vector<32x8192xbf16>, vector<8x8192xf32> -> vector<8x8192xf32>
    %slice3A_270 = vector.extract_strided_slice %dot_general3A_269 {offsets = [0, 0], sizes = [1, 8192], strides = [1, 1]} : vector<8x8192xf32> to vector<1x8192xf32>
    %get3A_271 = arith.constant 0 : index
    %get3A_272 = arith.constant 0 : index
    %get3A_273 = vector.load %arg5[%get3A_271, %get3A_272] : memref<1x1xf32, #tpu.memory_space<vmem>>, vector<1x1xf32>
    %add3A_274 = vector.broadcast %get3A_273 : vector<1x1xf32> to vector<1x8192xf32>
    %add3A_275 = arith.addf %slice3A_270, %add3A_274 : vector<1x8192xf32>
    %mul3A_276 = arith.constant 4 : i32
    %mul3A_277 = arith.muli %arg0, %mul3A_276 : i32
    %add3A_278 = arith.constant 2 : i32
    %add3A_279 = arith.addi %mul3A_277, %add3A_278 : i32
    %swap3A_280 = arith.index_cast %add3A_279 : i32 to index
    %swap3A_281 = arith.constant 0 : index
    %swap3A_282 = vector.load %arg11[%swap3A_280, %swap3A_281] : memref<64x8192xf32, #tpu.memory_space<vmem>>, vector<1x8192xf32>
    tpu.vector_store %arg11[%swap3A_280, %swap3A_281], %add3A_275 {strides = array<i32>} : memref<64x8192xf32, #tpu.memory_space<vmem>>, vector<1x8192xf32>,
    %get3A_283 = arith.constant 3 : index
    %get3A_284 = arith.constant 0 : index
    %get3A_285 = arith.constant 0 : index
    %get3A_286 = vector.load %arg1[%get3A_283, %get3A_284, %get3A_285] : memref<4x64x8192xf32, #tpu.memory_space<vmem>>, vector<1x64x8192xf32>
    %get3A_287 = vector.shape_cast %get3A_286 : vector<1x64x8192xf32> to vector<64x8192xf32>
    %get3A_288 = arith.constant 0 : index
    %get3A_289 = arith.constant 0 : index
    %get3A_290 = vector.load %arg2[%get3A_288, %get3A_289] : memref<32x64xbf16, #tpu.memory_space<vmem>>, vector<32x64xbf16>
    %convert_element_type3A_291 = arith.truncf %get3A_287 : vector<64x8192xf32> to vector<64x8192xbf16>
    %dot_general3A_292 = arith.constant dense<0.000000e+00> : vector<32x8192xf32>
    %dot_general3A_293 = tpu.matmul %get3A_290, %convert_element_type3A_291, %dot_general3A_292 {dimension_numbers = #tpu.dot_dimension_numbers<[1], [0], [0], [1], [0, 0, 1, 1], [], []>, transpose_lhs_hint = false} : vector<32x64xbf16>, vector<64x8192xbf16>, vector<32x8192xf32> -> vector<32x8192xf32>
    %get3A_294 = arith.constant 0 : index
    %get3A_295 = arith.constant 0 : index
    %get3A_296 = vector.load %arg3[%get3A_294, %get3A_295] : memref<32x1xf32, #tpu.memory_space<vmem>>, vector<32x1xf32>
    %add3A_297 = vector.broadcast %get3A_296 : vector<32x1xf32> to vector<32x8192xf32>
    %add3A_298 = arith.addf %dot_general3A_293, %add3A_297 : vector<32x8192xf32>
    %div3A_299 = arith.constant 1.41421354 : f32
    %div3A_300 = vector.broadcast %div3A_299 : f32 to vector<32x8192xf32>
    %div3A_301 = arith.divf %add3A_298, %div3A_300 : vector<32x8192xf32>
    %jit3A_302 = arith.constant -4.000000e+00 : f32
    %jit3A_303 = arith.constant 4.000000e+00 : f32
    %max3A_304 = vector.broadcast %jit3A_302 : f32 to vector<32x8192xf32>
    %max3A_305 = arith.maximumf %max3A_304, %div3A_301 : vector<32x8192xf32>
    %min3A_306 = vector.broadcast %jit3A_303 : f32 to vector<32x8192xf32>
    %min3A_307 = arith.minimumf %min3A_306, %max3A_305 : vector<32x8192xf32>
    %mul3A_308 = arith.mulf %min3A_307, %min3A_307 : vector<32x8192xf32>
    %mul3A_309 = arith.constant -2.72614237E-10 : f32
    %mul3A_310 = vector.broadcast %mul3A_309 : f32 to vector<32x8192xf32>
    %mul3A_311 = arith.mulf %mul3A_310, %mul3A_308 : vector<32x8192xf32>
    %add3A_312 = arith.constant 2.77068146E-8 : f32
    %add3A_313 = vector.broadcast %add3A_312 : f32 to vector<32x8192xf32>
    %add3A_314 = arith.addf %mul3A_311, %add3A_313 : vector<32x8192xf32>
    %mul3A_315 = arith.mulf %add3A_314, %mul3A_308 : vector<32x8192xf32>
    %add3A_316 = arith.constant -2.10102394E-6 : f32
    %add3A_317 = vector.broadcast %add3A_316 : f32 to vector<32x8192xf32>
    %add3A_318 = arith.addf %mul3A_315, %add3A_317 : vector<32x8192xf32>
    %mul3A_319 = arith.mulf %add3A_318, %mul3A_308 : vector<32x8192xf32>
    %add3A_320 = arith.constant -5.69250624E-5 : f32
    %add3A_321 = vector.broadcast %add3A_320 : f32 to vector<32x8192xf32>
    %add3A_322 = arith.addf %mul3A_319, %add3A_321 : vector<32x8192xf32>
    %mul3A_323 = arith.mulf %add3A_322, %mul3A_308 : vector<32x8192xf32>
    %add3A_324 = arith.constant -7.34990637E-4 : f32
    %add3A_325 = vector.broadcast %add3A_324 : f32 to vector<32x8192xf32>
    %add3A_326 = arith.addf %mul3A_323, %add3A_325 : vector<32x8192xf32>
    %mul3A_327 = arith.mulf %add3A_326, %mul3A_308 : vector<32x8192xf32>
    %add3A_328 = arith.constant -2.954600e-03 : f32
    %add3A_329 = vector.broadcast %add3A_328 : f32 to vector<32x8192xf32>
    %add3A_330 = arith.addf %mul3A_327, %add3A_329 : vector<32x8192xf32>
    %mul3A_331 = arith.mulf %add3A_330, %mul3A_308 : vector<32x8192xf32>
    %add3A_332 = arith.constant -0.0160960332 : f32
    %add3A_333 = vector.broadcast %add3A_332 : f32 to vector<32x8192xf32>
    %add3A_334 = arith.addf %mul3A_331, %add3A_333 : vector<32x8192xf32>
    %mul3A_335 = arith.mulf %min3A_307, %add3A_334 : vector<32x8192xf32>
    %mul3A_336 = arith.constant -1.45660715E-5 : f32
    %mul3A_337 = vector.broadcast %mul3A_336 : f32 to vector<32x8192xf32>
    %mul3A_338 = arith.mulf %mul3A_337, %mul3A_308 : vector<32x8192xf32>
    %add3A_339 = arith.constant -2.13374049E-4 : f32
    %add3A_340 = vector.broadcast %add3A_339 : f32 to vector<32x8192xf32>
    %add3A_341 = arith.addf %mul3A_338, %add3A_340 : vector<32x8192xf32>
    %mul3A_342 = arith.mulf %add3A_341, %mul3A_308 : vector<32x8192xf32>
    %add3A_343 = arith.constant -0.00168282702 : f32
    %add3A_344 = vector.broadcast %add3A_343 : f32 to vector<32x8192xf32>
    %add3A_345 = arith.addf %mul3A_342, %add3A_344 : vector<32x8192xf32>
    %mul3A_346 = arith.mulf %add3A_345, %mul3A_308 : vector<32x8192xf32>
    %add3A_347 = arith.constant -0.00737332925 : f32
    %add3A_348 = vector.broadcast %add3A_347 : f32 to vector<32x8192xf32>
    %add3A_349 = arith.addf %mul3A_346, %add3A_348 : vector<32x8192xf32>
    %mul3A_350 = arith.mulf %add3A_349, %mul3A_308 : vector<32x8192xf32>
    %add3A_351 = arith.constant -0.0142647391 : f32
    %add3A_352 = vector.broadcast %add3A_351 : f32 to vector<32x8192xf32>
    %add3A_353 = arith.addf %mul3A_350, %add3A_352 : vector<32x8192xf32>
    %div3A_354 = arith.divf %mul3A_335, %add3A_353 : vector<32x8192xf32>
    %add3A_355 = arith.constant 1.000000e+00 : f32
    %add3A_356 = vector.broadcast %add3A_355 : f32 to vector<32x8192xf32>
    %add3A_357 = arith.addf %div3A_354, %add3A_356 : vector<32x8192xf32>
    %mul3A_358 = arith.mulf %add3A_298, %add3A_357 : vector<32x8192xf32>
    %div3A_359 = arith.constant 2.000000e+00 : f32
    %div3A_360 = vector.broadcast %div3A_359 : f32 to vector<32x8192xf32>
    %div3A_361 = arith.divf %mul3A_358, %div3A_360 : vector<32x8192xf32>
    %get3A_362 = arith.constant 0 : index
    %get3A_363 = arith.constant 0 : index
    %get3A_364 = vector.load %arg4[%get3A_362, %get3A_363] : memref<8x32xbf16, #tpu.memory_space<vmem>>, vector<8x32xbf16>
    %convert_element_type3A_365 = arith.truncf %div3A_361 : vector<32x8192xf32> to vector<32x8192xbf16>
    %dot_general3A_366 = arith.constant dense<0.000000e+00> : vector<8x8192xf32>
    %dot_general3A_367 = tpu.matmul %get3A_364, %convert_element_type3A_365, %dot_general3A_366 {dimension_numbers = #tpu.dot_dimension_numbers<[1], [0], [0], [1], [0, 0, 1, 1], [], []>, transpose_lhs_hint = false} : vector<8x32xbf16>, vector<32x8192xbf16>, vector<8x8192xf32> -> vector<8x8192xf32>
    %slice3A_368 = vector.extract_strided_slice %dot_general3A_367 {offsets = [0, 0], sizes = [1, 8192], strides = [1, 1]} : vector<8x8192xf32> to vector<1x8192xf32>
    %get3A_369 = arith.constant 0 : index
    %get3A_370 = arith.constant 0 : index
    %get3A_371 = vector.load %arg5[%get3A_369, %get3A_370] : memref<1x1xf32, #tpu.memory_space<vmem>>, vector<1x1xf32>
    %add3A_372 = vector.broadcast %get3A_371 : vector<1x1xf32> to vector<1x8192xf32>
    %add3A_373 = arith.addf %slice3A_368, %add3A_372 : vector<1x8192xf32>
    %mul3A_374 = arith.constant 4 : i32
    %mul3A_375 = arith.muli %arg0, %mul3A_374 : i32
    %add3A_376 = arith.constant 3 : i32
    %add3A_377 = arith.addi %mul3A_375, %add3A_376 : i32
    %swap3A_378 = arith.index_cast %add3A_377 : i32 to index
    %swap3A_379 = arith.constant 0 : index
    %swap3A_380 = vector.load %arg11[%swap3A_378, %swap3A_379] : memref<64x8192xf32, #tpu.memory_space<vmem>>, vector<1x8192xf32>
    tpu.vector_store %arg11[%swap3A_378, %swap3A_379], %add3A_373 {strides = array<i32>} : memref<64x8192xf32, #tpu.memory_space<vmem>>, vector<1x8192xf32>,
    %eq3A = arith.constant 15 : i32
    %eq3A_381 = arith.cmpi eq, %arg0, %eq3A : i32
    %convert_element_type3A_382 = arith.extui %eq3A_381 : i1 to i32
    %cond3A = arith.constant 0 : i32
    %cond3A_383 = arith.cmpi ne, %convert_element_type3A_382, %cond3A : i32
    scf.if %cond3A_383 {
      %get3A_384 = arith.constant 0 : index
      %get3A_385 = arith.constant 0 : index
      %get3A_386 = vector.load %arg11[%get3A_384, %get3A_385] : memref<64x8192xf32, #tpu.memory_space<vmem>>, vector<64x8192xf32>
      %get3A_387 = arith.constant 0 : index
      %get3A_388 = arith.constant 0 : index
      %get3A_389 = vector.load %arg6[%get3A_387, %get3A_388] : memref<1x8192xf32, #tpu.memory_space<vmem>>, vector<1x8192xf32>
      %add3A_390 = vector.broadcast %get3A_389 : vector<1x8192xf32> to vector<64x8192xf32>
      %add3A_391 = arith.addf %get3A_386, %add3A_390 : vector<64x8192xf32>
      %reduce_max3A = arith.constant dense<0xFF800000> : vector<64xf32>
      %reduce_max3A_392 = vector.multi_reduction <maximumf>, %add3A_391, %reduce_max3A [1] : vector<64x8192xf32> to vector<64xf32>
      %broadcast_in_dim3A = vector.shape_cast %reduce_max3A_392 : vector<64xf32> to vector<64x1xf32>
      %sub3A = vector.broadcast %broadcast_in_dim3A : vector<64x1xf32> to vector<64x8192xf32>
      %sub3A_393 = arith.subf %add3A_391, %sub3A : vector<64x8192xf32>
      %exp3A = math.exp %sub3A_393 : vector<64x8192xf32>
      %reduce_sum3A = arith.constant dense<0.000000e+00> : vector<64xf32>
      %reduce_sum3A_394 = vector.multi_reduction <add>, %exp3A, %reduce_sum3A [1] : vector<64x8192xf32> to vector<64xf32>
      %broadcast_in_dim3A_395 = vector.shape_cast %reduce_sum3A_394 : vector<64xf32> to vector<64x1xf32>
      %div3A_396 = vector.broadcast %broadcast_in_dim3A_395 : vector<64x1xf32> to vector<64x8192xf32>
      %div3A_397 = arith.divf %exp3A, %div3A_396 : vector<64x8192xf32>
      %swap3A_398 = arith.constant 0 : index
      %swap3A_399 = arith.constant 0 : index
      %swap3A_400 = vector.load %arg7[%swap3A_398, %swap3A_399] : memref<64x8192xf32, #tpu.memory_space<vmem>>, vector<64x8192xf32>
      tpu.vector_store %arg7[%swap3A_398, %swap3A_399], %div3A_397 {strides = array<i32>} : memref<64x8192xf32, #tpu.memory_space<vmem>>, vector<64x8192xf32>,
      %iota3A = tpu.iota {dimensions = array<i32: 1>} : vector<64x8192xi32>
      %argmax3A = tpu.reduce_index %add3A_391 {axis = 1 : i32, kind = #tpu.reduction_kind<arg_max>} : vector<64x8192xf32> -> vector<64xi32>
      %reshape3A = vector.shape_cast %argmax3A : vector<64xi32> to vector<64x1xi32>
      %eq3A_401 = vector.broadcast %reshape3A : vector<64x1xi32> to vector<64x8192xi32>
      %eq3A_402 = arith.cmpi eq, %iota3A, %eq3A_401 : vector<64x8192xi32>
      %jit3A_403 = arith.constant 0xFF800000 : f32
      %broadcast_in_dim3A_404 = vector.broadcast %jit3A_403 : f32 to vector<64x8192xf32>
      %select_n3A = arith.select %eq3A_402, %broadcast_in_dim3A_404, %add3A_391 : vector<64x8192xi1>, vector<64x8192xf32>
      %argmax3A_405 = tpu.reduce_index %select_n3A {axis = 1 : i32, kind = #tpu.reduction_kind<arg_max>} : vector<64x8192xf32> -> vector<64xi32>
      %reshape3A_406 = vector.shape_cast %argmax3A_405 : vector<64xi32> to vector<64x1xi32>
      %eq3A_407 = vector.broadcast %reshape3A_406 : vector<64x1xi32> to vector<64x8192xi32>
      %eq3A_408 = arith.cmpi eq, %iota3A, %eq3A_407 : vector<64x8192xi32>
      %jit3A_409 = arith.constant 0xFF800000 : f32
      %broadcast_in_dim3A_410 = vector.broadcast %jit3A_409 : f32 to vector<64x8192xf32>
      %select_n3A_411 = arith.select %eq3A_408, %broadcast_in_dim3A_410, %select_n3A : vector<64x8192xi1>, vector<64x8192xf32>
      %argmax3A_412 = tpu.reduce_index %select_n3A_411 {axis = 1 : i32, kind = #tpu.reduction_kind<arg_max>} : vector<64x8192xf32> -> vector<64xi32>
      %reshape3A_413 = vector.shape_cast %argmax3A_412 : vector<64xi32> to vector<64x1xi32>
      %eq3A_414 = vector.broadcast %reshape3A_413 : vector<64x1xi32> to vector<64x8192xi32>
      %eq3A_415 = arith.cmpi eq, %iota3A, %eq3A_414 : vector<64x8192xi32>
      %jit3A_416 = arith.constant 0xFF800000 : f32
      %broadcast_in_dim3A_417 = vector.broadcast %jit3A_416 : f32 to vector<64x8192xf32>
      %select_n3A_418 = arith.select %eq3A_415, %broadcast_in_dim3A_417, %select_n3A_411 : vector<64x8192xi1>, vector<64x8192xf32>
      %argmax3A_419 = tpu.reduce_index %select_n3A_418 {axis = 1 : i32, kind = #tpu.reduction_kind<arg_max>} : vector<64x8192xf32> -> vector<64xi32>
      %reshape3A_420 = vector.shape_cast %argmax3A_419 : vector<64xi32> to vector<64x1xi32>
      %eq3A_421 = vector.broadcast %reshape3A_420 : vector<64x1xi32> to vector<64x8192xi32>
      %eq3A_422 = arith.cmpi eq, %iota3A, %eq3A_421 : vector<64x8192xi32>
      %jit3A_423 = arith.constant 0xFF800000 : f32
      %broadcast_in_dim3A_424 = vector.broadcast %jit3A_423 : f32 to vector<64x8192xf32>
      %select_n3A_425 = arith.select %eq3A_422, %broadcast_in_dim3A_424, %select_n3A_418 : vector<64x8192xi1>, vector<64x8192xf32>
      %argmax3A_426 = tpu.reduce_index %select_n3A_425 {axis = 1 : i32, kind = #tpu.reduction_kind<arg_max>} : vector<64x8192xf32> -> vector<64xi32>
      %reshape3A_427 = vector.shape_cast %argmax3A_426 : vector<64xi32> to vector<64x1xi32>
      %eq3A_428 = vector.broadcast %reshape3A_427 : vector<64x1xi32> to vector<64x8192xi32>
      %eq3A_429 = arith.cmpi eq, %iota3A, %eq3A_428 : vector<64x8192xi32>
      %jit3A_430 = arith.constant 0xFF800000 : f32
      %broadcast_in_dim3A_431 = vector.broadcast %jit3A_430 : f32 to vector<64x8192xf32>
      %select_n3A_432 = arith.select %eq3A_429, %broadcast_in_dim3A_431, %select_n3A_425 : vector<64x8192xi1>, vector<64x8192xf32>
      %argmax3A_433 = tpu.reduce_index %select_n3A_432 {axis = 1 : i32, kind = #tpu.reduction_kind<arg_max>} : vector<64x8192xf32> -> vector<64xi32>
      %reshape3A_434 = vector.shape_cast %argmax3A_433 : vector<64xi32> to vector<64x1xi32>
      %eq3A_435 = vector.broadcast %reshape3A_434 : vector<64x1xi32> to vector<64x8192xi32>
      %eq3A_436 = arith.cmpi eq, %iota3A, %eq3A_435 : vector<64x8192xi32>
      %jit3A_437 = arith.constant 0xFF800000 : f32
      %broadcast_in_dim3A_438 = vector.broadcast %jit3A_437 : f32 to vector<64x8192xf32>
      %select_n3A_439 = arith.select %eq3A_436, %broadcast_in_dim3A_438, %select_n3A_432 : vector<64x8192xi1>, vector<64x8192xf32>
      %argmax3A_440 = tpu.reduce_index %select_n3A_439 {axis = 1 : i32, kind = #tpu.reduction_kind<arg_max>} : vector<64x8192xf32> -> vector<64xi32>
      %reshape3A_441 = vector.shape_cast %argmax3A_440 : vector<64xi32> to vector<64x1xi32>
      %eq3A_442 = vector.broadcast %reshape3A_441 : vector<64x1xi32> to vector<64x8192xi32>
      %eq3A_443 = arith.cmpi eq, %iota3A, %eq3A_442 : vector<64x8192xi32>
      %jit3A_444 = arith.constant 0xFF800000 : f32
      %broadcast_in_dim3A_445 = vector.broadcast %jit3A_444 : f32 to vector<64x8192xf32>
      %select_n3A_446 = arith.select %eq3A_443, %broadcast_in_dim3A_445, %select_n3A_439 : vector<64x8192xi1>, vector<64x8192xf32>
      %argmax3A_447 = tpu.reduce_index %select_n3A_446 {axis = 1 : i32, kind = #tpu.reduction_kind<arg_max>} : vector<64x8192xf32> -> vector<64xi32>
      %reshape3A_448 = vector.shape_cast %argmax3A_447 : vector<64xi32> to vector<64x1xi32>
      %eq3A_449 = vector.broadcast %reshape3A_448 : vector<64x1xi32> to vector<64x8192xi32>
      %eq3A_450 = arith.cmpi eq, %iota3A, %eq3A_449 : vector<64x8192xi32>
      %jit3A_451 = arith.constant 0xFF800000 : f32
      %broadcast_in_dim3A_452 = vector.broadcast %jit3A_451 : f32 to vector<64x8192xf32>
      %select_n3A_453 = arith.select %eq3A_450, %broadcast_in_dim3A_452, %select_n3A_446 : vector<64x8192xi1>, vector<64x8192xf32>
      %eq3A_454 = arith.constant 0xFF800000 : f32
      %eq3A_455 = vector.broadcast %eq3A_454 : f32 to vector<64x8192xf32>
      %eq3A_456 = arith.cmpf oeq, %select_n3A_453, %eq3A_455 : vector<64x8192xf32>
      %jit3A_457 = arith.constant 1.000000e+00 : f32
      %jit3A_458 = arith.constant 0.000000e+00 : f32
      %broadcast_in_dim3A_459 = vector.broadcast %jit3A_457 : f32 to vector<64x8192xf32>
      %broadcast_in_dim3A_460 = vector.broadcast %jit3A_458 : f32 to vector<64x8192xf32>
      %select_n3A_461 = arith.select %eq3A_456, %broadcast_in_dim3A_459, %broadcast_in_dim3A_460 : vector<64x8192xi1>, vector<64x8192xf32>
      %swap3A_462 = arith.constant 0 : index
      %swap3A_463 = arith.constant 0 : index
      %swap3A_464 = vector.load %arg8[%swap3A_462, %swap3A_463] : memref<64x8192xf32, #tpu.memory_space<vmem>>, vector<64x8192xf32>
      tpu.vector_store %arg8[%swap3A_462, %swap3A_463], %select_n3A_461 {strides = array<i32>} : memref<64x8192xf32, #tpu.memory_space<vmem>>, vector<64x8192xf32>,
      %concatenate3A = tpu.concatenate %reshape3A, %reshape3A_406, %reshape3A_413, %reshape3A_420, %reshape3A_427, %reshape3A_434, %reshape3A_441, %reshape3A_448 in 1 : vector<64x1xi32>, vector<64x1xi32>, vector<64x1xi32>, vector<64x1xi32>, vector<64x1xi32>, vector<64x1xi32>, vector<64x1xi32>, vector<64x1xi32> -> vector<64x8xi32>
      %swap3A_465 = arith.constant 0 : index
      %swap3A_466 = arith.constant 0 : index
      %swap3A_467 = vector.load %arg9[%swap3A_465, %swap3A_466] : memref<64x8xi32, #tpu.memory_space<vmem>>, vector<64x8xi32>
      tpu.vector_store %arg9[%swap3A_465, %swap3A_466], %concatenate3A {strides = array<i32>} : memref<64x8xi32, #tpu.memory_space<vmem>>, vector<64x8xi32>,
      %iota3A_468 = tpu.iota {dimensions = array<i32: 0>} : vector<64x8xi32>
      %mul3A_469 = arith.constant 8192 : i32
      %mul3A_470 = vector.broadcast %mul3A_469 : i32 to vector<64x8xi32>
      %mul3A_471 = arith.muli %iota3A_468, %mul3A_470 : vector<64x8xi32>
      %add3A_472 = arith.addi %concatenate3A, %mul3A_471 : vector<64x8xi32>
      %swap3A_473 = arith.constant 0 : index
      %swap3A_474 = arith.constant 0 : index
      %swap3A_475 = vector.load %arg10[%swap3A_473, %swap3A_474] : memref<64x8xi32, #tpu.memory_space<vmem>>, vector<64x8xi32>
      tpu.vector_store %arg10[%swap3A_473, %swap3A_474], %add3A_472 {strides = array<i32>} : memref<64x8xi32, #tpu.memory_space<vmem>>, vector<64x8xi32>,
    } else {
    }
    return
  }
  func.func @transform_0(%arg0: i32) -> (i32, i32, i32) {
    %c0_i32 = arith.constant 0 : i32
    %c0_i32_0 = arith.constant 0 : i32
    %c0_i32_1 = arith.constant 0 : i32
    return %arg0, %c0_i32, %c0_i32_0 : i32, i32, i32
  }
  func.func @transform_1(%arg0: i32) -> (i32, i32) {
    %c0_i32 = arith.constant 0 : i32
    %c0_i32_0 = arith.constant 0 : i32
    %c0_i32_1 = arith.constant 0 : i32
    return %c0_i32, %c0_i32_0 : i32, i32
  }
  func.func @transform_2(%arg0: i32) -> (i32, i32) {
    %c0_i32 = arith.constant 0 : i32
    %c0_i32_0 = arith.constant 0 : i32
    %c0_i32_1 = arith.constant 0 : i32
    return %c0_i32, %c0_i32_0 : i32, i32
  }
  func.func @transform_3(%arg0: i32) -> (i32, i32) {
    %c0_i32 = arith.constant 0 : i32
    %c0_i32_0 = arith.constant 0 : i32
    %c0_i32_1 = arith.constant 0 : i32
    return %c0_i32, %c0_i32_0 : i32, i32
  }
  func.func @transform_4(%arg0: i32) -> (i32, i32) {
    %c0_i32 = arith.constant 0 : i32
    %c0_i32_0 = arith.constant 0 : i32
    %c0_i32_1 = arith.constant 0 : i32
    return %c0_i32, %c0_i32_0 : i32, i32
  }
  func.func @transform_5(%arg0: i32) -> (i32, i32) {
    %c0_i32 = arith.constant 0 : i32
    %c0_i32_0 = arith.constant 0 : i32
    %c0_i32_1 = arith.constant 0 : i32
    return %c0_i32, %c0_i32_0 : i32, i32
  }
  func.func @transform_6(%arg0: i32) -> (i32, i32) {
    %c0_i32 = arith.constant 0 : i32
    %c0_i32_0 = arith.constant 0 : i32
    %c0_i32_1 = arith.constant 0 : i32
    return %c0_i32, %c0_i32_0 : i32, i32
  }
  func.func @transform_7(%arg0: i32) -> (i32, i32) {
    %c0_i32 = arith.constant 0 : i32
    %c0_i32_0 = arith.constant 0 : i32
    %c0_i32_1 = arith.constant 0 : i32
    return %c0_i32, %c0_i32_0 : i32, i32
  }
  func.func @transform_8(%arg0: i32) -> (i32, i32) {
    %c0_i32 = arith.constant 0 : i32
    %c0_i32_0 = arith.constant 0 : i32
    %c0_i32_1 = arith.constant 0 : i32
    return %c0_i32, %c0_i32_0 : i32, i32
  }
  func.func @transform_9(%arg0: i32) -> (i32, i32) {
    %c0_i32 = arith.constant 0 : i32
    %c0_i32_0 = arith.constant 0 : i32
    %c0_i32_1 = arith.constant 0 : i32
    return %c0_i32, %c0_i32_0 : i32, i32
  }
}

</mosaic_0001>

<sc_bundles>
// kernel: kernel.4.cloned.1.call-start
scs
__scs_entry_jumppad:
0x0: {  	(pc) =	sbr.rel $0x88, $3  }
0x1: {  	(tag) =	ssettag $0x0;
	lr =	simm.s32 $0x1  }
0x2: {  	[smem:$0x3F9B] =	sst lr;
	_ =	strace $0xD0000000  }
0x3: {  	_ = 	snop  }
0x4: {  	_ = 	snop  }
0x5: {  	_ = 	snop  }
0x6: {  	_ = 	snop  }
0x7: {  	_ = 	snop  }
__scs_overlays_trampoline_lowered:
0x8: {  	[smem:$0x3FAA] =	sst s0  }
0x9: {  	[smem:$0x3FAB] =	sst s1  }
0xa: {  	[smem:$0x3FAC] =	sst s2  }
0xb: {  	[smem:$0x3FAD] =	sst s3  }
0xc: {  	[smem:$0x3FAE] =	sst s4  }
0xd: {  	[smem:$0x3FAF] =	sst s5  }
0xe: {  	[smem:$0x3FB0] =	sst s6  }
0xf: {  	[smem:$0x3FB1] =	sst s7  }
0x10: {  	[smem:$0x3FB2] =	sst s8  }
0x11: {  	[smem:$0x3FB3] =	sst s9;
	s0 =	simm.s32 @!p0 $0x0  }
0x12: {  	s1 =	sld [smem:$0x3F99];
	s0 =	simm.s32 @p0 $0x1  }
0x13: {  	[smem:$0x3FB4] =	sst s0;
	s0 =	simm.s32 @!p1 $0x0  }
0x14: {  	s2 =	sld [smem:$0x3F98];
	s0 =	simm.s32 @p1 $0x1  }
0x15: {  	[smem:$0x3FB5] =	sst s0;
	s0 =	simm.s32 @!p2 $0x0  }
0x16: {  	s3 =	sld [smem:$0x3FDB];
	s0 =	simm.s32 @p2 $0x1  }
0x17: {  	s4 =	simm.s32 $0x1BF5;
	[smem:$0x3FB7] =	sst s0  }
0x18: {  	s0 =	sld [smem:$0x3F9A];
	_ =	swait.ge [sflag:s4], $0x0  }
0x19: {  	s7 =	sld [smem:$0x3F9B]  }
0x1a: {  	s8 =	sadd.s32 $0xFFFFE003, lr  }
0x1b: {  	s9 =	sadd.s32 $0xFFFFFEF7, lr;
	s5 =	simm.s32 $0xFFFFFFFF;
	p2 =	slt.u32 s8, $0xFFFFF086  }
0x1c: {  	p1 =	slt.u32 s9, $0xF7A;
	s5 =	simm.s32 @!p2 $0x0  }
0x1d: {  	s5 =	simm.s32 @p1 $0x1;
	p0 =	seq.s32 s7, s2  }
0x1e: {  	s7 =	smul.u32 @!p0 $0xF7A, s2;
	p2 =	seq.s32 @!p0 s5, $0x0  }
0x1f: {  	s9 =	smul.u32 $0xF7A, s1;
	s8 =	simm.s32 @!p0 $0x1BF5;
	p2 =	por !p2, p0  }
0x20: {  	[sflag:s8] =	ssyncset.s32 @!p0 $0xFFFFF086;
	s6 =	sadd.s32 @!p0 s3, s7;
	s7 =	simm.s32 @!p0 $0x108  }
0x21: {  	s3 =	sadd.s32 s3, s9;
	s6 =	sadd.s32 @!p0 $0x88, s6;
	s7 =	simm.s32 @p2 $0x1082  }
0x22: {  	[simem:s7], [sflag:s8] =	dma.local @!p0 [hbm:s6], $0xF7A  }
0x23: {  	s9 =	sor.u32 $0xD0000000, s2;
	s6 =	simm.s32 $0x108;
	_ =	swait.ge @!p0 [sflag:s8], $0x0  }
0x24: {  	s3 =	sadd.s32 $0x88, s3;
	s6 =	simm.s32 @!p1 $0x1082;
	[sflag:s4] =	ssyncset.s32 $0xFFFFF086  }
0x25: {  	[simem:s6], [sflag:s4] =	dma.local [hbm:s3], $0xF7A  }
0x26: {  	[smem:$0x3F9B] =	sst s1;
	(tag) =	ssettag s2;
	_ =	strace s9  }
0x27: {  	s1 =	sld [smem:$0x3FAB]  }
0x28: {  	s2 =	sld [smem:$0x3FAC]  }
0x29: {  	s4 =	sld [smem:$0x3FAE]  }
0x2a: {  	p0 =	seq.s32 s5, $0x0;
	s5 =	sld [smem:$0x3FAF]  }
0x2b: {  	s6 =	sld [smem:$0x3FB0]  }
0x2c: {  	s7 =	sld [smem:$0x3FB1]  }
0x2d: {  	s3 =	simm.s32 $0x108;
	s8 =	sld [smem:$0x3FB2]  }
0x2e: {  	s3 =	simm.s32 @!p0 $0x1082;
	s9 =	sld [smem:$0x3FB3]  }
0x2f: {  	lr =	sadd.s32 s0, s3;
	s0 =	sld [smem:$0x3FAA]  }
0x30: {  	s3 =	sld [smem:$0x3FAD]  }
0x31: {  	[smem:$0x3FB6] =	sst s10  }
0x32: {  	s10 =	sld [smem:$0x3FB4];
	_ =	sdelay $0x3  }
0x33: {  	p0 =	seq.s32 s10, $0x1;
	s10 =	sld [smem:$0x3FB6];
	_ =	sdelay $0x3  }
0x34: {  	[smem:$0x3FB6] =	sst s10  }
0x35: {  	s10 =	sld [smem:$0x3FB5];
	_ =	sdelay $0x3  }
0x36: {  	p1 =	seq.s32 s10, $0x1;
	s10 =	sld [smem:$0x3FB6];
	_ =	sdelay $0x3  }
0x37: {  	[smem:$0x3FB6] =	sst s10  }
0x38: {  	s10 =	sld [smem:$0x3FB7]  }
0x39: {  	_ = 	snop;
	(pc) =	sbr.ind lr, $3  }
0x3a: {  	_ = 	snop  }
0x3b: {  	_ = 	snop  }
0x3c: {  	p2 =	seq.s32 s10, $0x1;
	s10 =	sld [smem:$0x3FB6]  }
0x3d: {  	_ =	shalt  }
0x3e: {  	_ =	shalt  }
0x3f: {  	_ =	shalt  }
0x40: {  	_ =	shalt  }
0x41: {  	_ =	shalt  }
0x42: {  	_ =	shalt  }
0x43: {  	_ =	shalt  }
0x44: {  	_ =	shalt  }
0x45: {  	_ =	shalt  }
0x46: {  	_ =	shalt  }
0x47: {  	_ =	shalt  }
0x48: {  	_ =	shalt  }
0x49: {  	_ =	shalt  }
0x4a: {  	_ =	shalt  }
0x4b: {  	_ =	shalt  }
0x4c: {  	_ =	shalt  }
0x4d: {  	_ =	shalt  }
0x4e: {  	_ =	shalt  }
0x4f: {  	_ =	shalt  }
0x50: {  	_ =	shalt  }
0x51: {  	_ =	shalt  }
0x52: {  	_ =	shalt  }
0x53: {  	_ =	shalt  }
0x54: {  	_ =	shalt  }
0x55: {  	_ =	shalt  }
0x56: {  	_ =	shalt  }
0x57: {  	_ =	shalt  }
0x58: {  	_ =	shalt  }
0x59: {  	_ =	shalt  }
0x5a: {  	_ =	shalt  }
0x5b: {  	_ =	shalt  }
0x5c: {  	_ =	shalt  }
0x5d: {  	_ =	shalt  }
0x5e: {  	_ =	shalt  }
0x5f: {  	_ =	shalt  }
0x60: {  	_ =	shalt  }
0x61: {  	_ =	shalt  }
0x62: {  	_ =	shalt  }
0x63: {  	_ =	shalt  }
0x64: {  	_ =	shalt  }
0x65: {  	_ =	shalt  }
0x66: {  	_ =	shalt  }
0x67: {  	_ =	shalt  }
0x68: {  	_ =	shalt  }
0x69: {  	_ =	shalt  }
0x6a: {  	_ =	shalt  }
0x6b: {  	_ =	shalt  }
0x6c: {  	_ =	shalt  }
0x6d: {  	_ =	shalt  }
0x6e: {  	_ =	shalt  }
0x6f: {  	_ =	shalt  }
0x70: {  	_ =	shalt  }
0x71: {  	_ =	shalt  }
0x72: {  	_ =	shalt  }
0x73: {  	_ =	shalt  }
0x74: {  	_ =	shalt  }
0x75: {  	_ =	shalt  }
0x76: {  	_ =	shalt  }
0x77: {  	_ =	shalt  }
0x78: {  	_ =	shalt  }
0x79: {  	_ =	shalt  }
0x7a: {  	_ =	shalt  }
0x7b: {  	_ =	shalt  }
0x7c: {  	_ =	shalt  }
0x7d: {  	_ =	shalt  }
0x7e: {  	_ =	shalt  }
0x7f: {  	_ =	shalt  }
0x80: {  	_ =	shalt  }
0x81: {  	_ =	shalt  }
0x82: {  	_ =	shalt  }
0x83: {  	_ =	shalt  }
0x84: {  	_ =	shalt  }
0x85: {  	_ =	shalt  }
0x86: {  	_ =	shalt  }
0x87: {  	_ =	shalt  }
.Lfunc_end0:
.L_simem_size_0:
called_computation_lowered:
.L_overlay_start_0:
0x88: {  	s2 =	sld [smem:$0x3FD9]  }
0x89: {  	s3 =	sld [smem:$0x3FFE];
	_ =	sdelay $0x1  }
0x8a: {  	s1 =	srdreg.scid  }
0x8b: {  	s0 =	sand.u32 $0x1, s1  }
0x8c: {  	s14 =	sshll.u32 s0, $0xA;
	s2 =	sadd.s32 s3, s2  }
0x8d: {  	s2 =	sadd.s32 s2, s14  }
0x8e: {  	[smem:$0x3FC2] =	sst s2  }
0x8f: {  	_ = 	snop  }
0x90: {  	s2 =	sld [smem:$0x3FD0];
	_ =	sdelay $0x2  }
0x91: {  	s4 =	simm.s32 $0xA;
	s5 =	simm.s32 $0x10;
	s15 =	sld [smem:$0x3FC9]  }
0x92: {  	[smem:s5], [sflag:s4] =	dma.local [hbm:s2], $0x1  }
0x93: {  	_ =	swait.eq [sflag:s4], $0x1  }
0x94: {  	[sflag:s4] =	ssyncset.done $0x0  }
0x95: {  	[sflag:s4] =	ssyncadd.s32 $0xFFFFFFFF  }
0x96: {  	s16 =	sld [smem:$0x10];
	(tm) =	ssettm $0x1  }
0x97: {  	s17 =	sld [smem:$0x3FFB];
	_ =	sdelay $0x3  }
0x98: {  	_ =	strace s17  }
0x99: {  	s4 =	sld [smem:$0x3FFC];
	_ =	sdelay $0x3  }
0x9a: {  	_ =	strace s4  }
0x9b: {  	s4 =	sld [smem:$0x3FFD];
	_ =	sdelay $0x3  }
0x9c: {  	_ =	strace s4  }
0x9d: {  	_ =	strace $0x8FFFFFFF  }
0x9e: {  	s18 =	sld [smem:$0x3FDB];
	_ =	sdelay $0x1  }
0x9f: {  	s19 =	simm.s32 $_scs_section_size  }
0xa0: {  	s6 =	simm.s32 $_size__tile_overlayer_lowered;
	s7 =	simm.s32 $_tile_overlayer_lowered  }
0xa1: {  	s22 =	simm.s32 $0x1BFF;
	s21 =	sshll.u32 s7, $0x1;
	s4 =	sadd.s32 s19, s18  }
0xa2: {  	s8 =	simm.s32 $0x0;
	s20 =	sshll.u32 s6, $0x1;
	s6 =	sadd.s32 s21, s4  }
0xa3: {  	[timem:s8], [sflag:s22] =	dma.local [hbm:s6], s20  }
0xa4: {  	_ =	swait.ge [sflag:s22], s20  }
0xa5: {  	s5 =	ssub.s32 $0x0, s20;
	[sflag:s22] =	ssyncset.done $0x0  }
0xa6: {  	[sflag:s22] =	ssyncadd.s32 s5;
	_ =	sdelay $0x1  }
0xa7: {  	s23 =	simm.s32 $0x1B8B  }
0xa8: {  	_ =	swait.ge [sflag:s23], $0x1  }
0xa9: {  	[sflag:s23] =	ssyncset.done $0x0  }
0xaa: {  	s25 =	simm.s32 $0x1B8E;
	s24 =	sld [smem:$0x3FFE];
	[sflag:s23] =	ssyncadd.s32 $0xFFFFFFFF  }
0xab: {  	s26 =	simm.s32 $execute0_lowered;
	[smem:$0x3FD2] =	sst s25  }
0xac: {  	s6 =	sshll.u32 s26, $0x1;
	_ =	strace $0x80000046;
	[dreg:$0x1] =	wrdreg $0xFFFFFFFF  }
0xad: {  	s28 =	simm.s32 $_size_execute0_lowered;
	s4 =	sadd.s32 s4, s6;
	[dreg:$0x0] =	wrdreg $0x0  }
0xae: {  	s6 =	sshll.u32 s28, $0x1;
	[dreg:$0x2] =	wrdreg s4  }
0xaf: {  	[dreg:$0x3] =	wrdreg s6  }
0xb0: {  	[dreg:$0x4] =	wrdreg $0xC0  }
0xb1: {  	_ =	task [dreg:s8], $0x5FFFF  }
0xb2: {  	[dreg:$0x1] =	wrdreg $0xFFFFFFFF  }
0xb3: {  	[dreg:$0x0] =	wrdreg $0x60  }
0xb4: {  	[dreg:$0x2] =	wrdreg s15  }
0xb5: {  	[dreg:$0x3] =	wrdreg s24  }
0xb6: {  	[dreg:$0x4] =	wrdreg s16  }
0xb7: {  	[dreg:$0x5] =	wrdreg $0x9  }
0xb8: {  	_ =	task.clear_ibuf [dreg:s8], $0x6FFFF;
	_ =	strace $0x90000046  }
0xb9: {  	s29 =	simm.s32 $0x9;
	_ =	strace $0x80000048  }
0xba: {  	_ =	swait.ge [sflag:s29], $0x1  }
0xbb: {  	[sflag:s29] =	ssyncadd.s32 $0xFFFFFFFF  }
0xbc: {  	_ =	strace $0x90000048  }
0xbd: {  	_ =	sfence  }
0xbe: {  	s30 =	sld [smem:$0x0];
	_ =	sdelay $0x2  }
0xbf: {  	s31 =	sshll.u32 s1, $0xD;
	s1 =	sshrl.u32 s1, $0x2  }
0xc0: {  	s3 =	sand.u32 $0x4000, s31;
	s1 =	sadd.s32 s1, s30  }
0xc1: {  	s0 =	sor.u32 s3, s0;
	s1 =	sshll.u32 s1, $0x11  }
0xc2: {  	s0 =	sor.u32 s1, s0  }
0xc3: {  	s0 =	sadd.s32 $0x8F2B, s0  }
0xc4: {  	[sflag:s0] =	ssyncadd.remote.s32 $0x1  }
0xc5: {  	_ =	sfence.sel $0xFFFF  }
0xc6: {  	[dreg:$0x0] =	wrdreg $0xFFFFFFFF;
	(pc) =	sbr.abs _section_cstart, $3  }
0xc7: {  	[dreg:$0x1] =	wrdreg $0xFFFFFFFF  }
0xc8: {  	_ =	task.clear_ibuf [dreg:s8], $0x2FFFF;
	_ =	strace $0x9FFFFFFF  }
0xc9: {  	(tm) =	ssettm $0x7FFFFFFF  }
tec
execute0_lowered:
.L_overlay_start_1:
0x0: {  	(tag) =	ssettag $0x1  }
0x1: {  	s1 =	rddreg [dreg:$0x0]  }
0x2: {  	s2 =	srdreg.scid;
	s4 =	rddreg [dreg:$0x1]  }
0x3: {  	s0 =	stileid.u32;
	s6 =	rddreg [dreg:$0x2];
	s3 =	simm.s32 $0x0  }
0x4: {  	s9 =	simm.s32 $0x2080;
	s12 =	simm.s32 $0x4080;
	s10 =	simm.s32 $0x1  }
0x5: {  	s11 =	simm.s32 $0x2;
	s5 =	sand.u32 $0x1, s2;
	s2 =	rddreg [dreg:$0x3]  }
0x6: {  	s7 =	sshll.u32 s0, $0x5;
	[smem:$0x7FF] =	sst s3;
	s8 =	sshll.u32 s5, $0x4  }
0x7: {  	v0 =	vlaneseq.u32;
	_ =	strace $0x80000047;
	s5 =	ssub.s32 $0x2, s5;
	s7 =	sor.u32 s8, s7  }
0x8: {  	v0 =	vmul.u32 $0x80, v0;
	[dreg:$0x6] =	wrdreg s12;
	s30 =	sshrl.u32 s5, $0x1;
	s8 =	sshrl.u32 s7, $0x3  }
0x9: {  	s7 =	sshll.u32 s7, $0x4;
	s5 =	ssub.s32 s5, s30;
	s4 =	sadd.s32 s8, s4  }
0xa: {  	v1 =	vor.u32 $0x800, v0;
	s31 =	sadd.s32 s6, s7;
	s6 =	simm.s32 $0x400;
	s7 =	simm.s32 $0x10000  }
0xb: {  	v2 =	vor.u32 $0x1000, v0;
	v3 =	vor.u32 $0x1800, v0;
	v4 =	vor.u32 $0x2000, v0;
	s8 =	simm.s32 $0x80;
	s4 =	sadd.s32 $0x800, s4;
	[dreg:$0x5] =	wrdreg s31  }
0xc: {  	v5 =	vor.u32 $0x2800, v0;
	v6 =	vor.u32 $0x3000, v0;
	v7 =	vor.u32 $0x3800, v0;
	[dreg:$0x4] =	wrdreg s4;
	s4 =	smax.u32 s5, $0x1;
	s5 =	simm.s32 $0x3  }
.LBB2_1:
0xd: {  	s12 =	rddreg [dreg:$0x4]  }
0xe: {  	[tilespmem:s3], [sflag:$0x3] =	stream.linear.gather [hbm4b:s12+s3], $0x10, $0x38;
	[tilespmem:$0x4880] =	vst v63  }
0xf: {  	_ =	swait.ge [sflag:s5], $0x10  }
0x10: {  	[sflag:s5] =	ssyncset.done $0x0  }
0x11: {  	[sflag:s5] =	ssyncadd.s32 $0xFFFFFFF0  }
0x12: {  	v8 =	vld [tilespmem:$0x0];
	_ =	sdelay $0x4  }
0x13: {  	(v2sf) =	vpush v8, $0x0;
	_ =	sdelay $0x1  }
0x14: {  	(v2sf) =	vpush v8, $0x1;
	_ =	sdelay $0xc  }
0x15: {  	s29 =	spop (v2sf)  }
0x16: {  	s13 =	sshll.u32 s29, $0x6  }
0x17: {  	s14 =	sshll.u32 s29, $0x3;
	s30 =	spop (v2sf);
	s13 =	sand.u32 $0xFFF80000, s13  }
0x18: {  	s14 =	sand.u32 $0xFC00, s14;
	s31 =	sshll.u32 s30, $0x6;
	s15 =	sshll.u32 s30, $0x3  }
0x19: {  	s13 =	sor.u32 s14, s13;
	s14 =	sand.u32 $0xFFF80000, s31;
	s15 =	sand.u32 $0xFC00, s15  }
0x1a: {  	s13 =	sshrl.u32 s13, $0x3;
	s14 =	sor.u32 s15, s14  }
0x1b: {  	s12 =	sand.u32 $0x7F, s29;
	s13 =	sadd.s32 s1, s13;
	s14 =	sshrl.u32 s14, $0x3  }
0x1c: {  	[tilespmem:s8], [sflag:$0x1] =	stream.strided.gather [hbm4b:s13+s6], $0x2000, s7, s6, $0x38;
	[tilespmem:$0x4880] =	vst v63  }
0x1d: {  	v9 =	vor.u32 s12, v0;
	s14 =	sadd.s32 s1, s14  }
0x1e: {  	[tilespmem:s9], [sflag:$0x2] =	stream.strided.gather [hbm4b:s14+s6], $0x2000, s7, s6, $0x38;
	[tilespmem:$0x4880] =	vst v63  }
0x1f: {  	_ =	swait.ge [sflag:s10], $0x2000  }
0x20: {  	[sflag:s10] =	ssyncset.done $0x0  }
0x21: {  	[sflag:s10] =	ssyncadd.s32 $0xFFFFE000  }
0x22: {  	v9 =	vld.idx.msk [tilespmem:v9+s8+$0x0], $0xffff  }
0x23: {  	v10 =	vor.u32 s12, v1;
	_ =	sdelay $0x1  }
0x24: {  	(v2sf) =	vpush v8, $0x2;
	_ =	sdelay $0x1  }
0x25: {  	[tilespmem:$0x4080] =	vst v9  }
0x26: {  	v9 =	vld.idx.msk [tilespmem:v10+s8+$0x0], $0xffff  }
0x27: {  	v55 =	vor.u32 s12, v2;
	_ =	sdelay $0x3  }
0x28: {  	[tilespmem:$0x4090] =	vst v9  }
0x29: {  	v9 =	vld.idx.msk [tilespmem:v55+s8+$0x0], $0xffff  }
0x2a: {  	v56 =	vor.u32 s12, v3;
	_ =	sdelay $0x3  }
0x2b: {  	[tilespmem:$0x40A0] =	vst v9  }
0x2c: {  	s16 =	spop (v2sf);
	v9 =	vld.idx.msk [tilespmem:v56+s8+$0x0], $0xffff  }
0x2d: {  	s17 =	sshll.u32 s16, $0x6;
	s18 =	sshll.u32 s16, $0x3  }
0x2e: {  	s14 =	sand.u32 $0xFFF80000, s17;
	s15 =	sand.u32 $0xFC00, s18  }
0x2f: {  	s14 =	sor.u32 s15, s14  }
0x30: {  	s13 =	sand.u32 $0x7F, s30;
	s14 =	sshrl.u32 s14, $0x3  }
0x31: {  	v57 =	vor.u32 s13, v4;
	s14 =	sadd.s32 s1, s14;
	[tilespmem:$0x40B0] =	vst v9  }
0x32: {  	[tilespmem:s8], [sflag:$0x1] =	stream.strided.gather [hbm4b:s14+s6], $0x2000, s7, s6, $0x38;
	[tilespmem:$0x4880] =	vst v63  }
0x33: {  	_ =	swait.ge [sflag:s11], $0x2000  }
0x34: {  	[sflag:s11] =	ssyncset.done $0x0  }
0x35: {  	[sflag:s11] =	ssyncadd.s32 $0xFFFFE000  }
0x36: {  	v9 =	vld.idx.msk [tilespmem:v57+s8+$0x0], $0xffff  }
0x37: {  	v58 =	vor.u32 s13, v5;
	_ =	sdelay $0x1  }
0x38: {  	(v2sf) =	vpush v8, $0x3;
	_ =	sdelay $0x1  }
0x39: {  	[tilespmem:$0x4100] =	vst v9  }
0x3a: {  	v9 =	vld.idx.msk [tilespmem:v58+s8+$0x0], $0xffff  }
0x3b: {  	v59 =	vor.u32 s13, v6;
	_ =	sdelay $0x3  }
0x3c: {  	[tilespmem:$0x4110] =	vst v9  }
0x3d: {  	v9 =	vld.idx.msk [tilespmem:v59+s8+$0x0], $0xffff  }
0x3e: {  	v60 =	vor.u32 s13, v7;
	_ =	sdelay $0x3  }
0x3f: {  	[tilespmem:$0x4120] =	vst v9  }
0x40: {  	s19 =	spop (v2sf);
	v9 =	vld.idx.msk [tilespmem:v60+s8+$0x0], $0xffff  }
0x41: {  	s20 =	sshll.u32 s19, $0x6;
	s21 =	sshll.u32 s19, $0x3  }
0x42: {  	s14 =	sand.u32 $0xFFF80000, s20;
	s15 =	sand.u32 $0xFC00, s21  }
0x43: {  	s14 =	sor.u32 s15, s14  }
0x44: {  	s12 =	sand.u32 $0x7F, s16;
	s14 =	sshrl.u32 s14, $0x3  }
0x45: {  	v61 =	vor.u32 s12, v0;
	s14 =	sadd.s32 s1, s14;
	[tilespmem:$0x4130] =	vst v9  }
0x46: {  	[tilespmem:s9], [sflag:$0x2] =	stream.strided.gather [hbm4b:s14+s6], $0x2000, s7, s6, $0x38;
	[tilespmem:$0x4880] =	vst v63  }
0x47: {  	_ =	swait.ge [sflag:s10], $0x2000  }
0x48: {  	[sflag:s10] =	ssyncset.done $0x0  }
0x49: {  	[sflag:s10] =	ssyncadd.s32 $0xFFFFE000  }
0x4a: {  	v9 =	vld.idx.msk [tilespmem:v61+s8+$0x0], $0xffff  }
0x4b: {  	v62 =	vor.u32 s12, v1;
	_ =	sdelay $0x1  }
0x4c: {  	(v2sf) =	vpush v8, $0x4;
	_ =	sdelay $0x1  }
0x4d: {  	[tilespmem:$0x4180] =	vst v9  }
0x4e: {  	v9 =	vld.idx.msk [tilespmem:v62+s8+$0x0], $0xffff  }
0x4f: {  	v63 =	vor.u32 s12, v2;
	_ =	sdelay $0x3  }
0x50: {  	[tilespmem:$0x4190] =	vst v9  }
0x51: {  	v9 =	vld.idx.msk [tilespmem:v63+s8+$0x0], $0xffff  }
0x52: {  	v12 =	vor.u32 s12, v3;
	_ =	sdelay $0x3  }
0x53: {  	[tilespmem:$0x41A0] =	vst v9  }
0x54: {  	s22 =	spop (v2sf);
	v9 =	vld.idx.msk [tilespmem:v12+s8+$0x0], $0xffff  }
0x55: {  	s23 =	sshll.u32 s22, $0x6;
	s24 =	sshll.u32 s22, $0x3  }
0x56: {  	s14 =	sand.u32 $0xFFF80000, s23;
	s15 =	sand.u32 $0xFC00, s24  }
0x57: {  	s14 =	sor.u32 s15, s14  }
0x58: {  	s13 =	sand.u32 $0x7F, s19;
	s14 =	sshrl.u32 s14, $0x3  }
0x59: {  	v13 =	vor.u32 s13, v4;
	s14 =	sadd.s32 s1, s14;
	[tilespmem:$0x41B0] =	vst v9  }
0x5a: {  	[tilespmem:s8], [sflag:$0x1] =	stream.strided.gather [hbm4b:s14+s6], $0x2000, s7, s6, $0x38;
	[tilespmem:$0x4880] =	vst v63  }
0x5b: {  	_ =	swait.ge [sflag:s11], $0x2000  }
0x5c: {  	[sflag:s11] =	ssyncset.done $0x0  }
0x5d: {  	[sflag:s11] =	ssyncadd.s32 $0xFFFFE000  }
0x5e: {  	v9 =	vld.idx.msk [tilespmem:v13+s8+$0x0], $0xffff  }
0x5f: {  	v14 =	vor.u32 s13, v5;
	_ =	sdelay $0x1  }
0x60: {  	(v2sf) =	vpush v8, $0x5;
	_ =	sdelay $0x1  }
0x61: {  	[tilespmem:$0x4200] =	vst v9  }
0x62: {  	v9 =	vld.idx.msk [tilespmem:v14+s8+$0x0], $0xffff  }
0x63: {  	v15 =	vor.u32 s13, v6;
	_ =	sdelay $0x3  }
0x64: {  	[tilespmem:$0x4210] =	vst v9  }
0x65: {  	v9 =	vld.idx.msk [tilespmem:v15+s8+$0x0], $0xffff  }
0x66: {  	v16 =	vor.u32 s13, v7;
	_ =	sdelay $0x3  }
0x67: {  	[tilespmem:$0x4220] =	vst v9  }
0x68: {  	s25 =	spop (v2sf);
	v9 =	vld.idx.msk [tilespmem:v16+s8+$0x0], $0xffff  }
0x69: {  	s26 =	sshll.u32 s25, $0x6;
	s28 =	sshll.u32 s25, $0x3  }
0x6a: {  	s14 =	sand.u32 $0xFFF80000, s26;
	s15 =	sand.u32 $0xFC00, s28  }
0x6b: {  	s14 =	sor.u32 s15, s14  }
0x6c: {  	s12 =	sand.u32 $0x7F, s22;
	s14 =	sshrl.u32 s14, $0x3  }
0x6d: {  	v17 =	vor.u32 s12, v0;
	s14 =	sadd.s32 s1, s14;
	[tilespmem:$0x4230] =	vst v9  }
0x6e: {  	[tilespmem:s9], [sflag:$0x2] =	stream.strided.gather [hbm4b:s14+s6], $0x2000, s7, s6, $0x38;
	[tilespmem:$0x4880] =	vst v63  }
0x6f: {  	_ =	swait.ge [sflag:s10], $0x2000  }
0x70: {  	[sflag:s10] =	ssyncset.done $0x0  }
0x71: {  	[sflag:s10] =	ssyncadd.s32 $0xFFFFE000  }
0x72: {  	v9 =	vld.idx.msk [tilespmem:v17+s8+$0x0], $0xffff  }
0x73: {  	v18 =	vor.u32 s12, v1;
	_ =	sdelay $0x1  }
0x74: {  	(v2sf) =	vpush v8, $0x6;
	_ =	sdelay $0x1  }
0x75: {  	[tilespmem:$0x4280] =	vst v9  }
0x76: {  	v9 =	vld.idx.msk [tilespmem:v18+s8+$0x0], $0xffff  }
0x77: {  	v19 =	vor.u32 s12, v2;
	_ =	sdelay $0x3  }
0x78: {  	[tilespmem:$0x4290] =	vst v9  }
0x79: {  	v9 =	vld.idx.msk [tilespmem:v19+s8+$0x0], $0xffff  }
0x7a: {  	v20 =	vor.u32 s12, v3;
	_ =	sdelay $0x3  }
0x7b: {  	[tilespmem:$0x42A0] =	vst v9  }
0x7c: {  	s29 =	spop (v2sf);
	v9 =	vld.idx.msk [tilespmem:v20+s8+$0x0], $0xffff  }
0x7d: {  	s30 =	sshll.u32 s29, $0x6;
	s31 =	sshll.u32 s29, $0x3  }
0x7e: {  	s14 =	sand.u32 $0xFFF80000, s30;
	s15 =	sand.u32 $0xFC00, s31  }
0x7f: {  	s14 =	sor.u32 s15, s14  }
0x80: {  	s13 =	sand.u32 $0x7F, s25;
	s14 =	sshrl.u32 s14, $0x3  }
0x81: {  	v21 =	vor.u32 s13, v4;
	s14 =	sadd.s32 s1, s14;
	[tilespmem:$0x42B0] =	vst v9  }
0x82: {  	[tilespmem:s8], [sflag:$0x1] =	stream.strided.gather [hbm4b:s14+s6], $0x2000, s7, s6, $0x38;
	[tilespmem:$0x4880] =	vst v63  }
0x83: {  	_ =	swait.ge [sflag:s11], $0x2000  }
0x84: {  	[sflag:s11] =	ssyncset.done $0x0  }
0x85: {  	[sflag:s11] =	ssyncadd.s32 $0xFFFFE000  }
0x86: {  	v9 =	vld.idx.msk [tilespmem:v21+s8+$0x0], $0xffff  }
0x87: {  	v22 =	vor.u32 s13, v5;
	_ =	sdelay $0x1  }
0x88: {  	(v2sf) =	vpush v8, $0x7;
	_ =	sdelay $0x1  }
0x89: {  	[tilespmem:$0x4300] =	vst v9  }
0x8a: {  	v9 =	vld.idx.msk [tilespmem:v22+s8+$0x0], $0xffff  }
0x8b: {  	v23 =	vor.u32 s13, v6;
	_ =	sdelay $0x3  }
0x8c: {  	[tilespmem:$0x4310] =	vst v9  }
0x8d: {  	v9 =	vld.idx.msk [tilespmem:v23+s8+$0x0], $0xffff  }
0x8e: {  	v24 =	vor.u32 s13, v7;
	_ =	sdelay $0x3  }
0x8f: {  	[tilespmem:$0x4320] =	vst v9  }
0x90: {  	s16 =	spop (v2sf);
	v9 =	vld.idx.msk [tilespmem:v24+s8+$0x0], $0xffff  }
0x91: {  	s17 =	sshll.u32 s16, $0x6;
	s18 =	sshll.u32 s16, $0x3  }
0x92: {  	s14 =	sand.u32 $0xFFF80000, s17;
	s15 =	sand.u32 $0xFC00, s18  }
0x93: {  	s14 =	sor.u32 s15, s14  }
0x94: {  	s12 =	sand.u32 $0x7F, s29;
	s14 =	sshrl.u32 s14, $0x3  }
0x95: {  	v25 =	vor.u32 s12, v0;
	s14 =	sadd.s32 s1, s14;
	[tilespmem:$0x4330] =	vst v9  }
0x96: {  	[tilespmem:s9], [sflag:$0x2] =	stream.strided.gather [hbm4b:s14+s6], $0x2000, s7, s6, $0x38;
	[tilespmem:$0x4880] =	vst v63  }
0x97: {  	_ =	swait.ge [sflag:s10], $0x2000  }
0x98: {  	[sflag:s10] =	ssyncset.done $0x0  }
0x99: {  	[sflag:s10] =	ssyncadd.s32 $0xFFFFE000  }
0x9a: {  	v9 =	vld.idx.msk [tilespmem:v25+s8+$0x0], $0xffff  }
0x9b: {  	v26 =	vor.u32 s12, v1;
	_ =	sdelay $0x1  }
0x9c: {  	(v2sf) =	vpush v8, $0x8;
	_ =	sdelay $0x1  }
0x9d: {  	[tilespmem:$0x4380] =	vst v9  }
0x9e: {  	v9 =	vld.idx.msk [tilespmem:v26+s8+$0x0], $0xffff  }
0x9f: {  	v27 =	vor.u32 s12, v2;
	_ =	sdelay $0x3  }
0xa0: {  	[tilespmem:$0x4390] =	vst v9  }
0xa1: {  	v9 =	vld.idx.msk [tilespmem:v27+s8+$0x0], $0xffff  }
0xa2: {  	v28 =	vor.u32 s12, v3;
	_ =	sdelay $0x3  }
0xa3: {  	[tilespmem:$0x43A0] =	vst v9  }
0xa4: {  	s19 =	spop (v2sf);
	v9 =	vld.idx.msk [tilespmem:v28+s8+$0x0], $0xffff  }
0xa5: {  	s20 =	sshll.u32 s19, $0x6;
	s21 =	sshll.u32 s19, $0x3  }
0xa6: {  	s14 =	sand.u32 $0xFFF80000, s20;
	s15 =	sand.u32 $0xFC00, s21  }
0xa7: {  	s14 =	sor.u32 s15, s14  }
0xa8: {  	s13 =	sand.u32 $0x7F, s16;
	s14 =	sshrl.u32 s14, $0x3  }
0xa9: {  	v29 =	vor.u32 s13, v4;
	s14 =	sadd.s32 s1, s14;
	[tilespmem:$0x43B0] =	vst v9  }
0xaa: {  	[tilespmem:s8], [sflag:$0x1] =	stream.strided.gather [hbm4b:s14+s6], $0x2000, s7, s6, $0x38;
	[tilespmem:$0x4880] =	vst v63  }
0xab: {  	_ =	swait.ge [sflag:s11], $0x2000  }
0xac: {  	[sflag:s11] =	ssyncset.done $0x0  }
0xad: {  	[sflag:s11] =	ssyncadd.s32 $0xFFFFE000  }
0xae: {  	v9 =	vld.idx.msk [tilespmem:v29+s8+$0x0], $0xffff  }
0xaf: {  	v30 =	vor.u32 s13, v5;
	_ =	sdelay $0x1  }
0xb0: {  	(v2sf) =	vpush v8, $0x9;
	_ =	sdelay $0x1  }
0xb1: {  	[tilespmem:$0x4400] =	vst v9  }
0xb2: {  	v9 =	vld.idx.msk [tilespmem:v30+s8+$0x0], $0xffff  }
0xb3: {  	v31 =	vor.u32 s13, v6;
	_ =	sdelay $0x3  }
0xb4: {  	[tilespmem:$0x4410] =	vst v9  }
0xb5: {  	v9 =	vld.idx.msk [tilespmem:v31+s8+$0x0], $0xffff  }
0xb6: {  	v32 =	vor.u32 s13, v7;
	_ =	sdelay $0x3  }
0xb7: {  	[tilespmem:$0x4420] =	vst v9  }
0xb8: {  	s22 =	spop (v2sf);
	v9 =	vld.idx.msk [tilespmem:v32+s8+$0x0], $0xffff  }
0xb9: {  	s23 =	sshll.u32 s22, $0x6;
	s24 =	sshll.u32 s22, $0x3  }
0xba: {  	s14 =	sand.u32 $0xFFF80000, s23;
	s15 =	sand.u32 $0xFC00, s24  }
0xbb: {  	s14 =	sor.u32 s15, s14  }
0xbc: {  	s12 =	sand.u32 $0x7F, s19;
	s14 =	sshrl.u32 s14, $0x3  }
0xbd: {  	v33 =	vor.u32 s12, v0;
	s14 =	sadd.s32 s1, s14;
	[tilespmem:$0x4430] =	vst v9  }
0xbe: {  	[tilespmem:s9], [sflag:$0x2] =	stream.strided.gather [hbm4b:s14+s6], $0x2000, s7, s6, $0x38;
	[tilespmem:$0x4880] =	vst v63  }
0xbf: {  	_ =	swait.ge [sflag:s10], $0x2000  }
0xc0: {  	[sflag:s10] =	ssyncset.done $0x0  }
0xc1: {  	[sflag:s10] =	ssyncadd.s32 $0xFFFFE000  }
0xc2: {  	v9 =	vld.idx.msk [tilespmem:v33+s8+$0x0], $0xffff  }
0xc3: {  	v34 =	vor.u32 s12, v1;
	_ =	sdelay $0x1  }
0xc4: {  	(v2sf) =	vpush v8, $0xA;
	_ =	sdelay $0x1  }
0xc5: {  	[tilespmem:$0x4480] =	vst v9  }
0xc6: {  	v9 =	vld.idx.msk [tilespmem:v34+s8+$0x0], $0xffff  }
0xc7: {  	v35 =	vor.u32 s12, v2;
	_ =	sdelay $0x3  }
0xc8: {  	[tilespmem:$0x4490] =	vst v9  }
0xc9: {  	v9 =	vld.idx.msk [tilespmem:v35+s8+$0x0], $0xffff  }
0xca: {  	v36 =	vor.u32 s12, v3;
	_ =	sdelay $0x3  }
0xcb: {  	[tilespmem:$0x44A0] =	vst v9  }
0xcc: {  	s25 =	spop (v2sf);
	v9 =	vld.idx.msk [tilespmem:v36+s8+$0x0], $0xffff  }
0xcd: {  	s26 =	sshll.u32 s25, $0x6;
	s28 =	sshll.u32 s25, $0x3  }
0xce: {  	s14 =	sand.u32 $0xFFF80000, s26;
	s15 =	sand.u32 $0xFC00, s28  }
0xcf: {  	s14 =	sor.u32 s15, s14  }
0xd0: {  	s13 =	sand.u32 $0x7F, s22;
	s14 =	sshrl.u32 s14, $0x3  }
0xd1: {  	v37 =	vor.u32 s13, v4;
	s14 =	sadd.s32 s1, s14;
	[tilespmem:$0x44B0] =	vst v9  }
0xd2: {  	[tilespmem:s8], [sflag:$0x1] =	stream.strided.gather [hbm4b:s14+s6], $0x2000, s7, s6, $0x38;
	[tilespmem:$0x4880] =	vst v63  }
0xd3: {  	_ =	swait.ge [sflag:s11], $0x2000  }
0xd4: {  	[sflag:s11] =	ssyncset.done $0x0  }
0xd5: {  	[sflag:s11] =	ssyncadd.s32 $0xFFFFE000  }
0xd6: {  	v9 =	vld.idx.msk [tilespmem:v37+s8+$0x0], $0xffff  }
0xd7: {  	v38 =	vor.u32 s13, v5;
	_ =	sdelay $0x1  }
0xd8: {  	(v2sf) =	vpush v8, $0xB;
	_ =	sdelay $0x1  }
0xd9: {  	[tilespmem:$0x4500] =	vst v9  }
0xda: {  	v9 =	vld.idx.msk [tilespmem:v38+s8+$0x0], $0xffff  }
0xdb: {  	v39 =	vor.u32 s13, v6;
	_ =	sdelay $0x3  }
0xdc: {  	[tilespmem:$0x4510] =	vst v9  }
0xdd: {  	v9 =	vld.idx.msk [tilespmem:v39+s8+$0x0], $0xffff  }
0xde: {  	v40 =	vor.u32 s13, v7;
	_ =	sdelay $0x3  }
0xdf: {  	[tilespmem:$0x4520] =	vst v9  }
0xe0: {  	s29 =	spop (v2sf);
	v9 =	vld.idx.msk [tilespmem:v40+s8+$0x0], $0xffff  }
0xe1: {  	s30 =	sshll.u32 s29, $0x6;
	s31 =	sshll.u32 s29, $0x3  }
0xe2: {  	s14 =	sand.u32 $0xFFF80000, s30;
	s15 =	sand.u32 $0xFC00, s31  }
0xe3: {  	s14 =	sor.u32 s15, s14  }
0xe4: {  	s12 =	sand.u32 $0x7F, s25;
	s14 =	sshrl.u32 s14, $0x3  }
0xe5: {  	v41 =	vor.u32 s12, v0;
	s14 =	sadd.s32 s1, s14;
	[tilespmem:$0x4530] =	vst v9  }
0xe6: {  	[tilespmem:s9], [sflag:$0x2] =	stream.strided.gather [hbm4b:s14+s6], $0x2000, s7, s6, $0x38;
	[tilespmem:$0x4880] =	vst v63  }
0xe7: {  	_ =	swait.ge [sflag:s10], $0x2000  }
0xe8: {  	[sflag:s10] =	ssyncset.done $0x0  }
0xe9: {  	[sflag:s10] =	ssyncadd.s32 $0xFFFFE000  }
0xea: {  	v9 =	vld.idx.msk [tilespmem:v41+s8+$0x0], $0xffff  }
0xeb: {  	v42 =	vor.u32 s12, v1;
	_ =	sdelay $0x1  }
0xec: {  	(v2sf) =	vpush v8, $0xC;
	_ =	sdelay $0x1  }
0xed: {  	[tilespmem:$0x4580] =	vst v9  }
0xee: {  	v9 =	vld.idx.msk [tilespmem:v42+s8+$0x0], $0xffff  }
0xef: {  	v43 =	vor.u32 s12, v2;
	_ =	sdelay $0x3  }
0xf0: {  	[tilespmem:$0x4590] =	vst v9  }
0xf1: {  	v9 =	vld.idx.msk [tilespmem:v43+s8+$0x0], $0xffff  }
0xf2: {  	v44 =	vor.u32 s12, v3;
	_ =	sdelay $0x3  }
0xf3: {  	[tilespmem:$0x45A0] =	vst v9  }
0xf4: {  	s16 =	spop (v2sf);
	v9 =	vld.idx.msk [tilespmem:v44+s8+$0x0], $0xffff  }
0xf5: {  	s17 =	sshll.u32 s16, $0x6;
	s18 =	sshll.u32 s16, $0x3  }
0xf6: {  	s14 =	sand.u32 $0xFFF80000, s17;
	s15 =	sand.u32 $0xFC00, s18  }
0xf7: {  	s14 =	sor.u32 s15, s14  }
0xf8: {  	s13 =	sand.u32 $0x7F, s29;
	s14 =	sshrl.u32 s14, $0x3  }
0xf9: {  	v45 =	vor.u32 s13, v4;
	s14 =	sadd.s32 s1, s14;
	[tilespmem:$0x45B0] =	vst v9  }
0xfa: {  	[tilespmem:s8], [sflag:$0x1] =	stream.strided.gather [hbm4b:s14+s6], $0x2000, s7, s6, $0x38;
	[tilespmem:$0x4880] =	vst v63  }
0xfb: {  	_ =	swait.ge [sflag:s11], $0x2000  }
0xfc: {  	[sflag:s11] =	ssyncset.done $0x0  }
0xfd: {  	[sflag:s11] =	ssyncadd.s32 $0xFFFFE000  }
0xfe: {  	v9 =	vld.idx.msk [tilespmem:v45+s8+$0x0], $0xffff  }
0xff: {  	v46 =	vor.u32 s13, v5;
	_ =	sdelay $0x1  }
0x100: {  	(v2sf) =	vpush v8, $0xD;
	_ =	sdelay $0x1  }
0x101: {  	[tilespmem:$0x4600] =	vst v9  }
0x102: {  	v9 =	vld.idx.msk [tilespmem:v46+s8+$0x0], $0xffff  }
0x103: {  	v47 =	vor.u32 s13, v6;
	_ =	sdelay $0x3  }
0x104: {  	[tilespmem:$0x4610] =	vst v9  }
0x105: {  	v9 =	vld.idx.msk [tilespmem:v47+s8+$0x0], $0xffff  }
0x106: {  	v48 =	vor.u32 s13, v7;
	_ =	sdelay $0x3  }
0x107: {  	[tilespmem:$0x4620] =	vst v9  }
0x108: {  	s19 =	spop (v2sf);
	v9 =	vld.idx.msk [tilespmem:v48+s8+$0x0], $0xffff  }
0x109: {  	s20 =	sshll.u32 s19, $0x6;
	s21 =	sshll.u32 s19, $0x3  }
0x10a: {  	s14 =	sand.u32 $0xFFF80000, s20;
	s15 =	sand.u32 $0xFC00, s21  }
0x10b: {  	s14 =	sor.u32 s15, s14  }
0x10c: {  	s12 =	sand.u32 $0x7F, s16;
	s14 =	sshrl.u32 s14, $0x3  }
0x10d: {  	v49 =	vor.u32 s12, v0;
	s14 =	sadd.s32 s1, s14;
	[tilespmem:$0x4630] =	vst v9  }
0x10e: {  	[tilespmem:s9], [sflag:$0x2] =	stream.strided.gather [hbm4b:s14+s6], $0x2000, s7, s6, $0x38;
	[tilespmem:$0x4880] =	vst v63  }
0x10f: {  	_ =	swait.ge [sflag:s10], $0x2000  }
0x110: {  	[sflag:s10] =	ssyncset.done $0x0  }
0x111: {  	[sflag:s10] =	ssyncadd.s32 $0xFFFFE000  }
0x112: {  	v9 =	vld.idx.msk [tilespmem:v49+s8+$0x0], $0xffff  }
0x113: {  	v50 =	vor.u32 s12, v1;
	_ =	sdelay $0x1  }
0x114: {  	(v2sf) =	vpush v8, $0xE;
	_ =	sdelay $0x1  }
0x115: {  	[tilespmem:$0x4680] =	vst v9  }
0x116: {  	v9 =	vld.idx.msk [tilespmem:v50+s8+$0x0], $0xffff  }
0x117: {  	v51 =	vor.u32 s12, v2;
	_ =	sdelay $0x3  }
0x118: {  	[tilespmem:$0x4690] =	vst v9  }
0x119: {  	v9 =	vld.idx.msk [tilespmem:v51+s8+$0x0], $0xffff  }
0x11a: {  	v52 =	vor.u32 s12, v3;
	_ =	sdelay $0x3  }
0x11b: {  	[tilespmem:$0x46A0] =	vst v9  }
0x11c: {  	s22 =	spop (v2sf);
	v9 =	vld.idx.msk [tilespmem:v52+s8+$0x0], $0xffff  }
0x11d: {  	s23 =	sshll.u32 s22, $0x6;
	s24 =	sshll.u32 s22, $0x3  }
0x11e: {  	s14 =	sand.u32 $0xFFF80000, s23;
	s15 =	sand.u32 $0xFC00, s24  }
0x11f: {  	s14 =	sor.u32 s15, s14  }
0x120: {  	s13 =	sand.u32 $0x7F, s19;
	s14 =	sshrl.u32 s14, $0x3  }
0x121: {  	v53 =	vor.u32 s13, v4;
	s14 =	sadd.s32 s1, s14;
	[tilespmem:$0x46B0] =	vst v9  }
0x122: {  	[tilespmem:s8], [sflag:$0x1] =	stream.strided.gather [hbm4b:s14+s6], $0x2000, s7, s6, $0x38;
	[tilespmem:$0x4880] =	vst v63  }
0x123: {  	_ =	swait.ge [sflag:s11], $0x2000  }
0x124: {  	[sflag:s11] =	ssyncset.done $0x0  }
0x125: {  	[sflag:s11] =	ssyncadd.s32 $0xFFFFE000  }
0x126: {  	v9 =	vld.idx.msk [tilespmem:v53+s8+$0x0], $0xffff  }
0x127: {  	v54 =	vor.u32 s13, v5;
	_ =	sdelay $0x1  }
0x128: {  	(v2sf) =	vpush v8, $0xF;
	_ =	sdelay $0x1  }
0x129: {  	[tilespmem:$0x4700] =	vst v9  }
0x12a: {  	v8 =	vld.idx.msk [tilespmem:v54+s8+$0x0], $0xffff  }
0x12b: {  	v55 =	vor.u32 s13, v6;
	_ =	sdelay $0x3  }
0x12c: {  	[tilespmem:$0x4710] =	vst v8  }
0x12d: {  	v8 =	vld.idx.msk [tilespmem:v55+s8+$0x0], $0xffff  }
0x12e: {  	v56 =	vor.u32 s13, v7;
	_ =	sdelay $0x3  }
0x12f: {  	[tilespmem:$0x4720] =	vst v8  }
0x130: {  	s25 =	spop (v2sf);
	v8 =	vld.idx.msk [tilespmem:v56+s8+$0x0], $0xffff  }
0x131: {  	s26 =	sshll.u32 s25, $0x6;
	s28 =	sshll.u32 s25, $0x3  }
0x132: {  	s14 =	sand.u32 $0xFFF80000, s26;
	s15 =	sand.u32 $0xFC00, s28  }
0x133: {  	s14 =	sor.u32 s15, s14  }
0x134: {  	s12 =	sand.u32 $0x7F, s22;
	s14 =	sshrl.u32 s14, $0x3  }
0x135: {  	s14 =	sadd.s32 s1, s14;
	[tilespmem:$0x4730] =	vst v8;
	v8 =	vor.u32 s12, v0  }
0x136: {  	[tilespmem:s9], [sflag:$0x2] =	stream.strided.gather [hbm4b:s14+s6], $0x2000, s7, s6, $0x38;
	[tilespmem:$0x4880] =	vst v63  }
0x137: {  	_ =	swait.ge [sflag:s10], $0x2000  }
0x138: {  	[sflag:s10] =	ssyncset.done $0x0  }
0x139: {  	[sflag:s10] =	ssyncadd.s32 $0xFFFFE000  }
0x13a: {  	v8 =	vld.idx.msk [tilespmem:v8+s8+$0x0], $0xffff  }
0x13b: {  	v57 =	vor.u32 s12, v1;
	_ =	sdelay $0x3  }
0x13c: {  	[tilespmem:$0x4780] =	vst v8  }
0x13d: {  	v8 =	vld.idx.msk [tilespmem:v57+s8+$0x0], $0xffff  }
0x13e: {  	v58 =	vor.u32 s12, v2;
	_ =	sdelay $0x3  }
0x13f: {  	[tilespmem:$0x4790] =	vst v8  }
0x140: {  	v8 =	vld.idx.msk [tilespmem:v58+s8+$0x0], $0xffff  }
0x141: {  	v59 =	vor.u32 s12, v3;
	_ =	sdelay $0x3  }
0x142: {  	[tilespmem:$0x47A0] =	vst v8  }
0x143: {  	v8 =	vld.idx.msk [tilespmem:v59+s8+$0x0], $0xffff;
	_ =	sdelay $0x2  }
0x144: {  	s29 =	sand.u32 $0x7F, s25  }
0x145: {  	v60 =	vor.u32 s29, v4  }
0x146: {  	[tilespmem:$0x47B0] =	vst v8  }
0x147: {  	_ =	swait.ge [sflag:s11], $0x2000  }
0x148: {  	[sflag:s11] =	ssyncset.done $0x0  }
0x149: {  	[sflag:s11] =	ssyncadd.s32 $0xFFFFE000  }
0x14a: {  	v8 =	vld.idx.msk [tilespmem:v60+s8+$0x0], $0xffff  }
0x14b: {  	v61 =	vor.u32 s29, v5;
	_ =	sdelay $0x3  }
0x14c: {  	[tilespmem:$0x4800] =	vst v8  }
0x14d: {  	v8 =	vld.idx.msk [tilespmem:v61+s8+$0x0], $0xffff  }
0x14e: {  	v62 =	vor.u32 s29, v6;
	_ =	sdelay $0x3  }
0x14f: {  	[tilespmem:$0x4810] =	vst v8  }
0x150: {  	v8 =	vld.idx.msk [tilespmem:v62+s8+$0x0], $0xffff  }
0x151: {  	v63 =	vor.u32 s29, v7;
	_ =	sdelay $0x3  }
0x152: {  	[tilespmem:$0x4820] =	vst v8  }
0x153: {  	v8 =	vld.idx.msk [tilespmem:v63+s8+$0x0], $0xffff;
	_ =	sdelay $0x3  }
0x154: {  	p0 =	sne.s32 s4, $0x1;
	s30 =	rddreg [dreg:$0x5]  }
.Ltmp0:
0x155: {  	s31 =	rddreg [dreg:$0x6];
	[tilespmem:$0x4830] =	vst v8;
	(pc) =	sbr.rel @p0 .LBB2_1-.Ltmp0, $4  }
0x156: {  	[hbm4b:s30+s3] =	stream.linear.scatter [tilespmem:s31], [sflag:$0x3], $0x800, $0x38;
	[tilespmem:$0x4880] =	vst v63  }
0x157: {  	_ =	swait.ge [sflag:s5], $0x800  }
0x158: {  	[sflag:s5] =	ssyncset.done $0x0  }
0x159: {  	s4 =	sadd.s32 $0xFFFFFFFF, s4;
	[sflag:s5] =	ssyncadd.s32 $0xFFFFF800  }
0x15a: {  	_ =	sfence.sel $0x180000  }
0x15b: {  	[bflag:$0x0] =	sbarrier.arrive $0xFFFF  }
0x15c: {  	p0 =	sne.s32 s0, $0x0;
	_ =	strace $0x90000047  }
0x15d: {  	s0 =	sadd.s32 @!p0 $0x100000, s2;
	[bflag:$0x2] =	sbarrier.arrive $0xFFFF  }
0x15e: {  	[sflag:s0] =	ssyncadd.tile.s32 @!p0 $0x1;
	_ =	shalt  }
.Lfunc_end2:
_tile_overlayer_lowered:
.L_overlay_start_2:
0x15f: {  	(tag) =	ssettag $0x2  }
0x160: {  	s0 =	rddreg [dreg:$0x0];
	s2 =	stileid.u32  }
0x161: {  	s1 =	rddreg [dreg:$0x1];
	p0 =	sne.s32 s2, $0x0  }
0x162: {  	s3 =	rddreg [dreg:$0x2];
	[bflag:$0x3] =	sbarrier.arrive $0xFFFF;
	s2 =	simm.s32 @!p0 $0x1C03  }
0x163: {  	[timem:s3], [sflag:s2] =	dma.local @!p0 [hbm:s0], s1  }
0x164: {  	s0 =	simm.s32 @!p0 $0x3  }
0x165: {  	_ =	swait.ge @!p0 [sflag:s0], s1  }
0x166: {  	s1 =	ssub.s32 @!p0 $0x0, s1;
	[sflag:s0] =	ssyncset.done @!p0 $0x0  }
0x167: {  	[sflag:s0] =	ssyncadd.s32 @!p0 s1  }
0x168: {  	[bflag:$0x3] =	sbarrier.arrive $0xFFFF  }
0x169: {  	_ =	shalt  }

</sc_bundles>
